<compile_context>
chip_gen: v7x
topology: tpu7x:2x2x1
jax: 0.10.2.dev20260603
libtpu: 0.0.44.dev20260713+nightly
codegen_flags: <defaults>
</compile_context>

<pallas_src>
import functools

import jax
import jax.numpy as jnp
from jax import lax
from jax.experimental import pallas as pl
from jax.experimental.pallas import tpu as pltpu
from jax.experimental.pallas import tpu_sc as plsc

B = 16384
L = 200
V = 100000
D = 128
H = 64

_NC = 2
_NS = 16
_NW = _NC * _NS
_BPW = B // _NW
_C0 = 104
_C1 = 96
_BB = 16
_NBLK = _BPW // _BB
_NBUF = 8


def _t2_body(t_ref, w_ref, o_ref):
    o_ref[...] = (jnp.dot(t_ref[...], w_ref[...],
                          preferred_element_type=jnp.float32)
                  * (1.0 / L)).astype(jnp.bfloat16)


_t2_call = pl.pallas_call(
    _t2_body,
    grid=(25,),
    in_specs=[pl.BlockSpec((V // 25, D), lambda i: (i, 0)),
              pl.BlockSpec((D, H), lambda i: (0, 0))],
    out_specs=pl.BlockSpec((V // 25, H), lambda i: (i, 0)),
    out_shape=jax.ShapeDtypeStruct((V, H), jnp.bfloat16),
)


def _make_sc_pool():
    mesh = plsc.VectorSubcoreMesh(core_axis_name="c", subcore_axis_name="s")

    @functools.partial(
        pl.kernel,
        mesh=mesh,
        compiler_params=pltpu.CompilerParams(use_tc_tiling_on_sc=False,
                                            needs_layout_passes=False),
        out_type=jax.ShapeDtypeStruct((B,), jnp.float32),
        scratch_types=[
            pltpu.VMEM((2, _BB, L), jnp.int32),
            [pltpu.VMEM((L, H), jnp.bfloat16) for _ in range(_NBUF)],
            pltpu.VMEM((2, _BB), jnp.float32),
            pltpu.VMEM((H,), jnp.bfloat16),
            pltpu.VMEM((H,), jnp.bfloat16),
            pltpu.VMEM((16,), jnp.float32),
            [pltpu.SemaphoreType.DMA for _ in range(_NBUF)],
            pltpu.SemaphoreType.DMA,
            pltpu.SemaphoreType.DMA,
        ],
    )
    def sc_pool(ids_hbm, t2_hbm, b1_hbm, w2_hbm, b2_hbm, out_hbm,
                ids_v, bufs, ob_v, b1_v, w2_v, b2_v, gsems, i_sem, o_sem):
        wid = lax.axis_index("s") * _NC + lax.axis_index("c")
        base = wid * _BPW

        def issue(r, buf, sem):
            slot = (r // _BB) % 2
            rr = r % _BB
            pltpu.async_copy(
                t2_hbm.at[ids_v.at[slot, rr, pl.ds(0, _C0)]],
                buf.at[pl.ds(0, _C0)], sem)
            pltpu.async_copy(
                t2_hbm.at[ids_v.at[slot, rr, pl.ds(_C0, _C1)]],
                buf.at[pl.ds(_C0, _C1)], sem)

        def drain(buf, sem):
            pltpu.make_async_copy(
                t2_hbm.at[ids_v.at[0, 0, pl.ds(0, _C0)]],
                buf.at[pl.ds(0, _C0)], sem).wait()
            pltpu.make_async_copy(
                t2_hbm.at[ids_v.at[0, 0, pl.ds(0, _C1)]],
                buf.at[pl.ds(_C0, _C1)], sem).wait()

        def accum(buf, r, res):
            def body(k, accs):
                a0, a1 = accs
                lb = k * 8
                for dl in range(8):
                    l = lb + dl
                    a0 = a0 + buf[l, pl.ds(0, 32)]
                    a1 = a1 + buf[l, pl.ds(32, 32)]
                return a0, a1

            z = jnp.zeros((32,), jnp.bfloat16)
            a0, a1 = lax.fori_loop(0, L // 8, body, (z, z))
            zb = jnp.zeros((32,), jnp.bfloat16)
            h0 = jnp.maximum(a0 + b1_v[pl.ds(0, 32)], zb)
            h1 = jnp.maximum(a1 + b1_v[pl.ds(32, 32)], zb)
            m = h0 * w2_v[pl.ds(0, 32)] + h1 * w2_v[pl.ds(32, 32)]
            me, mo = plsc.unpack(m, format=plsc.PackFormat.INTERLEAVED)
            tot = jnp.sum(me + mo)
            lane = lax.iota(jnp.int32, 16) == (r % _BB)
            return jnp.where(lane, tot, res)

        pltpu.sync_copy(b1_hbm, b1_v)
        pltpu.sync_copy(w2_hbm, w2_v)
        pltpu.sync_copy(b2_hbm, b2_v)
        pltpu.sync_copy(ids_hbm.at[pl.ds(base, _BB)], ids_v.at[0])
        pltpu.async_copy(ids_hbm.at[pl.ds(base + _BB, _BB)], ids_v.at[1], i_sem)
        for k in range(_NBUF):
            issue(k, bufs[k], gsems[k])

        def per_group(i, res):
            r0 = _NBUF * i
            nxt = r0 + _NBUF

            @pl.when(jnp.logical_and(nxt % _BB == 0, nxt < _BPW))
            def _():
                pltpu.make_async_copy(
                    ids_hbm.at[pl.ds(base, _BB)], ids_v.at[0], i_sem).wait()

            for k in range(_NBUF):
                drain(bufs[k], gsems[k])
                res = accum(bufs[k], r0 + k, res)

                @pl.when(nxt < _BPW)
                def _(k=k):
                    issue(nxt + k, bufs[k], gsems[k])

            @pl.when(jnp.logical_and(nxt % _BB == 0, nxt + _BB < _BPW))
            def _():
                nblk = nxt // _BB
                pltpu.async_copy(
                    ids_hbm.at[pl.ds(base + (nblk + 1) * _BB, _BB)],
                    ids_v.at[(nblk + 1) % 2], i_sem)

            @pl.when(nxt % _BB == 0)
            def _():
                blk = r0 // _BB

                @pl.when(blk >= 2)
                def _():
                    pltpu.make_async_copy(
                        ob_v.at[0], out_hbm.at[pl.ds(base, _BB)],
                        o_sem).wait()

                sig = 1.0 / (1.0 + jnp.exp(-(res + b2_v[pl.ds(0, 16)])))
                ob_v[blk % 2, pl.ds(0, _BB)] = sig
                pltpu.async_copy(
                    ob_v.at[blk % 2],
                    out_hbm.at[pl.ds(base + blk * _BB, _BB)], o_sem)

            return jnp.where(nxt % _BB == 0, jnp.zeros((16,), jnp.float32),
                             res)

        lax.fori_loop(0, _BPW // _NBUF, per_group,
                      jnp.zeros((16,), jnp.float32))
        for _ in range(2):
            pltpu.make_async_copy(
                ob_v.at[0], out_hbm.at[pl.ds(base, _BB)], o_sem).wait()

    return sc_pool


_sc_pool = _make_sc_pool()


def kernel(input_ids, table, W1, b1, W2, b2):
    ids = input_ids.astype(jnp.int32)
    t2 = _t2_call(table, W1)
    b1b = b1.astype(jnp.bfloat16)
    w2b = W2.reshape(H).astype(jnp.bfloat16)
    b2v = jnp.full((16,), b2[0], jnp.float32)
    return _sc_pool(ids, t2, b1b, w2b, b2v)

# --- scband reference (transcript-rebuilt; emitter-appended) ---
"""Pipeline reference for scband-sentiment-classifier-52441550684415 (READ-ONLY COPY).

The authoritative reference and input builder live on the scoring server;
editing this copy changes nothing except your own understanding.
"""

import jax, jax.numpy as jnp
import numpy as np

VOCAB = 100000
EMBED = 128
BATCH = 16384
SEQ = 200

def setup_inputs(seed: int = 0) -> dict:
    key = jax.random.key(seed)
    k1, k2, k3, k4, k5, k6 = jax.random.split(key, 6)
    input_ids = jax.random.randint(k1, (BATCH, SEQ), 0, VOCAB, dtype=jnp.int64 if jax.config.jax_enable_x64 else jnp.int32)
    table = jax.random.normal(k2, (VOCAB, EMBED), dtype=jnp.float32)
    W1 = jax.random.normal(k3, (EMBED, 64), dtype=jnp.float32) * (1.0 / np.sqrt(EMBED))
    b1 = jnp.zeros((64,), dtype=jnp.float32)
    W2 = jax.random.normal(k4, (64, 1), dtype=jnp.float32) * (1.0 / 8.0)
    b2 = jnp.zeros((1,), dtype=jnp.float32)
    return {"input_ids": input_ids, "table": table, "W1": W1, "b1": b1, "W2": W2, "b2": b2}

def reference(input_ids, table, W1, b1, W2, b2):
    embeds = jnp.take(table, input_ids, axis=0)          # [B, L, D] gather
    pooled = jnp.mean(embeds, axis=1)                     # [B, D]
    h = jax.nn.relu(pooled @ W1 + b1)                     # [B, 64]
    out = jax.nn.sigmoid(h @ W2 + b2)                     # [B, 1]
    return jnp.squeeze(out, axis=-1)                      # [B]

if __name__ == "__main__":
    import jax
    _d = setup_inputs()
    print(jax.jit(kernel)(*tuple(_d.values())))

</pallas_src>

<mosaic_0001>
#map = affine_map<(d0, d1) -> (0, 0)>
#map1 = affine_map<(d0, d1) -> (0)>
module attributes {stable_mosaic.version = 14 : i64} {
  func.func @sc_pool(%arg0: i32, %arg1: i32, %arg2: memref<16384x200xi32, #tpu.memory_space<hbm>>, %arg3: memref<100000x64xbf16, #tpu.memory_space<hbm>>, %arg4: memref<64xbf16, #tpu.memory_space<hbm>>, %arg5: memref<64xbf16, #tpu.memory_space<hbm>>, %arg6: memref<16xf32, #tpu.memory_space<hbm>>, %arg7: memref<16384xf32, #tpu.memory_space<hbm>>, %arg8: memref<2x16x200xi32, #tpu.memory_space<vmem>>, %arg9: memref<200x64xbf16, #tpu.memory_space<vmem>>, %arg10: memref<200x64xbf16, #tpu.memory_space<vmem>>, %arg11: memref<200x64xbf16, #tpu.memory_space<vmem>>, %arg12: memref<200x64xbf16, #tpu.memory_space<vmem>>, %arg13: memref<200x64xbf16, #tpu.memory_space<vmem>>, %arg14: memref<200x64xbf16, #tpu.memory_space<vmem>>, %arg15: memref<200x64xbf16, #tpu.memory_space<vmem>>, %arg16: memref<200x64xbf16, #tpu.memory_space<vmem>>, %arg17: memref<2x16xf32, #tpu.memory_space<vmem>>, %arg18: memref<64xbf16, #tpu.memory_space<vmem>>, %arg19: memref<64xbf16, #tpu.memory_space<vmem>>, %arg20: memref<16xf32, #tpu.memory_space<vmem>>, %arg21: memref<!tpu.dma_semaphore, #tpu.memory_space<semaphore_mem>>, %arg22: memref<!tpu.dma_semaphore, #tpu.memory_space<semaphore_mem>>, %arg23: memref<!tpu.dma_semaphore, #tpu.memory_space<semaphore_mem>>, %arg24: memref<!tpu.dma_semaphore, #tpu.memory_space<semaphore_mem>>, %arg25: memref<!tpu.dma_semaphore, #tpu.memory_space<semaphore_mem>>, %arg26: memref<!tpu.dma_semaphore, #tpu.memory_space<semaphore_mem>>, %arg27: memref<!tpu.dma_semaphore, #tpu.memory_space<semaphore_mem>>, %arg28: memref<!tpu.dma_semaphore, #tpu.memory_space<semaphore_mem>>, %arg29: memref<!tpu.dma_semaphore, #tpu.memory_space<semaphore_mem>>, %arg30: memref<!tpu.dma_semaphore, #tpu.memory_space<semaphore_mem>>) attributes {dimension_semantics = [#tpu.dimension_semantics<core_parallel>, #tpu.dimension_semantics<subcore_parallel>], iteration_bounds = array<i64: 2, 16>, scalar_prefetch = 0 : i64, scratch_operands = 23 : i64, tpu.core_type = #tpu.core_type<sc_vector_subcore>, window_params = [{transform_indices = #map}, {transform_indices = #map}, {transform_indices = #map1}, {transform_indices = #map1}, {transform_indices = #map1}, {transform_indices = #map1}]} {
    %mul3A = arith.constant 2 : i32
    %mul3A_0 = arith.muli %arg1, %mul3A : i32
    %add3A = arith.addi %mul3A_0, %arg0 : i32
    %mul3A_1 = arith.constant 512 : i32
    %mul3A_2 = arith.muli %add3A, %mul3A_1 : i32
    "tpu.region"() ({
      %run_scoped3A_216 = tpu.sem_alloc : memref<!tpu.dma_semaphore, #tpu.memory_space<semaphore_mem>>
      tpu.enqueue_dma source(%arg4 : memref<64xbf16, #tpu.memory_space<hbm>>) target(%arg18 : memref<64xbf16, #tpu.memory_space<vmem>>) target_semaphore(%run_scoped3A_216 : memref<!tpu.dma_semaphore, #tpu.memory_space<semaphore_mem>>)
      tpu.wait_dma2 semaphore(%run_scoped3A_216 : memref<!tpu.dma_semaphore, #tpu.memory_space<semaphore_mem>>) src(%arg4 : memref<64xbf16, #tpu.memory_space<hbm>>) dst(%arg18 : memref<64xbf16, #tpu.memory_space<vmem>>)
      tpu.yield
    }) : () -> ()
    "tpu.region"() ({
      %run_scoped3A_216 = tpu.sem_alloc : memref<!tpu.dma_semaphore, #tpu.memory_space<semaphore_mem>>
      tpu.enqueue_dma source(%arg5 : memref<64xbf16, #tpu.memory_space<hbm>>) target(%arg19 : memref<64xbf16, #tpu.memory_space<vmem>>) target_semaphore(%run_scoped3A_216 : memref<!tpu.dma_semaphore, #tpu.memory_space<semaphore_mem>>)
      tpu.wait_dma2 semaphore(%run_scoped3A_216 : memref<!tpu.dma_semaphore, #tpu.memory_space<semaphore_mem>>) src(%arg5 : memref<64xbf16, #tpu.memory_space<hbm>>) dst(%arg19 : memref<64xbf16, #tpu.memory_space<vmem>>)
      tpu.yield
    }) : () -> ()
    "tpu.region"() ({
      %run_scoped3A_216 = tpu.sem_alloc : memref<!tpu.dma_semaphore, #tpu.memory_space<semaphore_mem>>
      tpu.enqueue_dma source(%arg6 : memref<16xf32, #tpu.memory_space<hbm>>) target(%arg20 : memref<16xf32, #tpu.memory_space<vmem>>) target_semaphore(%run_scoped3A_216 : memref<!tpu.dma_semaphore, #tpu.memory_space<semaphore_mem>>)
      tpu.wait_dma2 semaphore(%run_scoped3A_216 : memref<!tpu.dma_semaphore, #tpu.memory_space<semaphore_mem>>) src(%arg6 : memref<16xf32, #tpu.memory_space<hbm>>) dst(%arg20 : memref<16xf32, #tpu.memory_space<vmem>>)
      tpu.yield
    }) : () -> ()
    %run_scoped3A = arith.constant 0 : i32
    "tpu.region"() ({
      %run_scoped3A_216 = tpu.sem_alloc : memref<!tpu.dma_semaphore, #tpu.memory_space<semaphore_mem>>
      %dma_start3A_217 = arith.constant 0 : i32
      %dma_start3A_218 = arith.constant 0 : i32
      %dma_start3A_219 = tpu.memref_slice %arg8[%run_scoped3A, %dma_start3A_217, %dma_start3A_218] : memref<2x16x200xi32, #tpu.memory_space<vmem>> -> memref<1x16x200xi32, #tpu.memory_space<vmem>>
      %dma_start3A_220 = tpu.memref_squeeze %dma_start3A_219 : memref<1x16x200xi32, #tpu.memory_space<vmem>> -> memref<16x200xi32, #tpu.memory_space<vmem>>
      %dma_start3A_221 = arith.constant 0 : i32
      %dma_start3A_222 = tpu.memref_slice %arg2[%mul3A_2, %dma_start3A_221] : memref<16384x200xi32, #tpu.memory_space<hbm>> -> memref<16x200xi32, #tpu.memory_space<hbm>>
      %dma_start3A_223 = arith.constant 0 : i32
      %dma_start3A_224 = arith.constant 0 : i32
      %dma_start3A_225 = tpu.memref_slice %arg8[%run_scoped3A, %dma_start3A_223, %dma_start3A_224] : memref<2x16x200xi32, #tpu.memory_space<vmem>> -> memref<1x16x200xi32, #tpu.memory_space<vmem>>
      %dma_start3A_226 = tpu.memref_squeeze %dma_start3A_225 : memref<1x16x200xi32, #tpu.memory_space<vmem>> -> memref<16x200xi32, #tpu.memory_space<vmem>>
      %dma_start3A_227 = arith.constant 0 : i32
      %dma_start3A_228 = tpu.memref_slice %arg2[%mul3A_2, %dma_start3A_227] : memref<16384x200xi32, #tpu.memory_space<hbm>> -> memref<16x200xi32, #tpu.memory_space<hbm>>
      tpu.enqueue_dma source(%dma_start3A_228 : memref<16x200xi32, #tpu.memory_space<hbm>>) target(%dma_start3A_226 : memref<16x200xi32, #tpu.memory_space<vmem>>) target_semaphore(%run_scoped3A_216 : memref<!tpu.dma_semaphore, #tpu.memory_space<semaphore_mem>>)
      %dma_wait3A_229 = arith.constant 0 : i32
      %dma_wait3A_230 = arith.constant 0 : i32
      %dma_wait3A_231 = tpu.memref_slice %arg8[%run_scoped3A, %dma_wait3A_229, %dma_wait3A_230] : memref<2x16x200xi32, #tpu.memory_space<vmem>> -> memref<1x16x200xi32, #tpu.memory_space<vmem>>
      %dma_wait3A_232 = tpu.memref_squeeze %dma_wait3A_231 : memref<1x16x200xi32, #tpu.memory_space<vmem>> -> memref<16x200xi32, #tpu.memory_space<vmem>>
      %dma_wait3A_233 = arith.constant 0 : i32
      %dma_wait3A_234 = tpu.memref_slice %arg2[%mul3A_2, %dma_wait3A_233] : memref<16384x200xi32, #tpu.memory_space<hbm>> -> memref<16x200xi32, #tpu.memory_space<hbm>>
      %dma_wait3A_235 = arith.constant 0 : i32
      %dma_wait3A_236 = arith.constant 0 : i32
      %dma_wait3A_237 = tpu.memref_slice %arg8[%run_scoped3A, %dma_wait3A_235, %dma_wait3A_236] : memref<2x16x200xi32, #tpu.memory_space<vmem>> -> memref<1x16x200xi32, #tpu.memory_space<vmem>>
      %dma_wait3A_238 = tpu.memref_squeeze %dma_wait3A_237 : memref<1x16x200xi32, #tpu.memory_space<vmem>> -> memref<16x200xi32, #tpu.memory_space<vmem>>
      %dma_wait3A_239 = arith.constant 0 : i32
      %dma_wait3A_240 = tpu.memref_slice %arg2[%mul3A_2, %dma_wait3A_239] : memref<16384x200xi32, #tpu.memory_space<hbm>> -> memref<16x200xi32, #tpu.memory_space<hbm>>
      tpu.wait_dma2 semaphore(%run_scoped3A_216 : memref<!tpu.dma_semaphore, #tpu.memory_space<semaphore_mem>>) src(%dma_wait3A_240 : memref<16x200xi32, #tpu.memory_space<hbm>>) dst(%dma_wait3A_238 : memref<16x200xi32, #tpu.memory_space<vmem>>)
      tpu.yield
    }) : () -> ()
    %add3A_3 = arith.constant 16 : i32
    %add3A_4 = arith.addi %mul3A_2, %add3A_3 : i32
    %dma_start3A = arith.constant 1 : i32
    %dma_start3A_5 = arith.constant 0 : i32
    %dma_start3A_6 = arith.constant 0 : i32
    %dma_start3A_7 = tpu.memref_slice %arg8[%dma_start3A, %dma_start3A_5, %dma_start3A_6] : memref<2x16x200xi32, #tpu.memory_space<vmem>> -> memref<1x16x200xi32, #tpu.memory_space<vmem>>
    %dma_start3A_8 = tpu.memref_squeeze %dma_start3A_7 : memref<1x16x200xi32, #tpu.memory_space<vmem>> -> memref<16x200xi32, #tpu.memory_space<vmem>>
    %dma_start3A_9 = arith.constant 0 : i32
    %dma_start3A_10 = tpu.memref_slice %arg2[%add3A_4, %dma_start3A_9] : memref<16384x200xi32, #tpu.memory_space<hbm>> -> memref<16x200xi32, #tpu.memory_space<hbm>>
    %dma_start3A_11 = arith.constant 0 : i32
    %dma_start3A_12 = arith.constant 0 : i32
    %dma_start3A_13 = tpu.memref_slice %arg8[%dma_start3A, %dma_start3A_11, %dma_start3A_12] : memref<2x16x200xi32, #tpu.memory_space<vmem>> -> memref<1x16x200xi32, #tpu.memory_space<vmem>>
    %dma_start3A_14 = tpu.memref_squeeze %dma_start3A_13 : memref<1x16x200xi32, #tpu.memory_space<vmem>> -> memref<16x200xi32, #tpu.memory_space<vmem>>
    %dma_start3A_15 = arith.constant 0 : i32
    %dma_start3A_16 = tpu.memref_slice %arg2[%add3A_4, %dma_start3A_15] : memref<16384x200xi32, #tpu.memory_space<hbm>> -> memref<16x200xi32, #tpu.memory_space<hbm>>
    tpu.enqueue_dma source(%dma_start3A_16 : memref<16x200xi32, #tpu.memory_space<hbm>>) target(%dma_start3A_14 : memref<16x200xi32, #tpu.memory_space<vmem>>) target_semaphore(%arg29 : memref<!tpu.dma_semaphore, #tpu.memory_space<semaphore_mem>>)
    %dma_start3A_17 = arith.constant 0 : i32
    %dma_start3A_18 = arith.constant 0 : i32
    %dma_start3A_19 = arith.constant 0 : i32
    %dma_start3A_20 = arith.constant 0 : i32
    %dma_start3A_21 = tpu.memref_slice %arg9[%dma_start3A_19, %dma_start3A_20] : memref<200x64xbf16, #tpu.memory_space<vmem>> -> memref<104x64xbf16, #tpu.memory_space<vmem>>
    %dma_start3A_22 = arith.constant 0 : i32
    %dma_start3A_23 = tpu.memref_slice %arg8[%dma_start3A_17, %dma_start3A_18, %dma_start3A_22] : memref<2x16x200xi32, #tpu.memory_space<vmem>> -> memref<1x1x104xi32, #tpu.memory_space<vmem>>
    %dma_start3A_24 = tpu.memref_squeeze %dma_start3A_23 : memref<1x1x104xi32, #tpu.memory_space<vmem>> -> memref<104xi32, #tpu.memory_space<vmem>>
    %dma_start3A_25 = arith.constant 0 : i32
    %dma_start3A_26 = arith.constant 0 : i32
    %dma_start3A_27 = tpu.memref_slice %arg3[%dma_start3A_25, %dma_start3A_26] : memref<100000x64xbf16, #tpu.memory_space<hbm>> -> memref<100000x64xbf16, #tpu.memory_space<hbm>>
    tpu.enqueue_indirect_dma source(%dma_start3A_27 : memref<100000x64xbf16, #tpu.memory_space<hbm>>) target(%dma_start3A_21 : memref<104x64xbf16, #tpu.memory_space<vmem>>) offsets(%dma_start3A_24 : memref<104xi32, #tpu.memory_space<vmem>>) semaphore(%arg21 : memref<!tpu.dma_semaphore, #tpu.memory_space<semaphore_mem>>)
    %dma_start3A_28 = arith.constant 0 : i32
    %dma_start3A_29 = arith.constant 0 : i32
    %dma_start3A_30 = arith.constant 104 : i32
    %dma_start3A_31 = arith.constant 0 : i32
    %dma_start3A_32 = tpu.memref_slice %arg9[%dma_start3A_30, %dma_start3A_31] : memref<200x64xbf16, #tpu.memory_space<vmem>> -> memref<96x64xbf16, #tpu.memory_space<vmem>>
    %dma_start3A_33 = arith.constant 104 : i32
    %dma_start3A_34 = tpu.memref_slice %arg8[%dma_start3A_28, %dma_start3A_29, %dma_start3A_33] : memref<2x16x200xi32, #tpu.memory_space<vmem>> -> memref<1x1x96xi32, #tpu.memory_space<vmem>>
    %dma_start3A_35 = tpu.memref_squeeze %dma_start3A_34 : memref<1x1x96xi32, #tpu.memory_space<vmem>> -> memref<96xi32, #tpu.memory_space<vmem>>
    %dma_start3A_36 = arith.constant 0 : i32
    %dma_start3A_37 = arith.constant 0 : i32
    %dma_start3A_38 = tpu.memref_slice %arg3[%dma_start3A_36, %dma_start3A_37] : memref<100000x64xbf16, #tpu.memory_space<hbm>> -> memref<100000x64xbf16, #tpu.memory_space<hbm>>
    tpu.enqueue_indirect_dma source(%dma_start3A_38 : memref<100000x64xbf16, #tpu.memory_space<hbm>>) target(%dma_start3A_32 : memref<96x64xbf16, #tpu.memory_space<vmem>>) offsets(%dma_start3A_35 : memref<96xi32, #tpu.memory_space<vmem>>) semaphore(%arg21 : memref<!tpu.dma_semaphore, #tpu.memory_space<semaphore_mem>>)
    %dma_start3A_39 = arith.constant 0 : i32
    %dma_start3A_40 = arith.constant 1 : i32
    %dma_start3A_41 = arith.constant 0 : i32
    %dma_start3A_42 = arith.constant 0 : i32
    %dma_start3A_43 = tpu.memref_slice %arg10[%dma_start3A_41, %dma_start3A_42] : memref<200x64xbf16, #tpu.memory_space<vmem>> -> memref<104x64xbf16, #tpu.memory_space<vmem>>
    %dma_start3A_44 = arith.constant 0 : i32
    %dma_start3A_45 = tpu.memref_slice %arg8[%dma_start3A_39, %dma_start3A_40, %dma_start3A_44] : memref<2x16x200xi32, #tpu.memory_space<vmem>> -> memref<1x1x104xi32, #tpu.memory_space<vmem>>
    %dma_start3A_46 = tpu.memref_squeeze %dma_start3A_45 : memref<1x1x104xi32, #tpu.memory_space<vmem>> -> memref<104xi32, #tpu.memory_space<vmem>>
    %dma_start3A_47 = arith.constant 0 : i32
    %dma_start3A_48 = arith.constant 0 : i32
    %dma_start3A_49 = tpu.memref_slice %arg3[%dma_start3A_47, %dma_start3A_48] : memref<100000x64xbf16, #tpu.memory_space<hbm>> -> memref<100000x64xbf16, #tpu.memory_space<hbm>>
    tpu.enqueue_indirect_dma source(%dma_start3A_49 : memref<100000x64xbf16, #tpu.memory_space<hbm>>) target(%dma_start3A_43 : memref<104x64xbf16, #tpu.memory_space<vmem>>) offsets(%dma_start3A_46 : memref<104xi32, #tpu.memory_space<vmem>>) semaphore(%arg22 : memref<!tpu.dma_semaphore, #tpu.memory_space<semaphore_mem>>)
    %dma_start3A_50 = arith.constant 0 : i32
    %dma_start3A_51 = arith.constant 1 : i32
    %dma_start3A_52 = arith.constant 104 : i32
    %dma_start3A_53 = arith.constant 0 : i32
    %dma_start3A_54 = tpu.memref_slice %arg10[%dma_start3A_52, %dma_start3A_53] : memref<200x64xbf16, #tpu.memory_space<vmem>> -> memref<96x64xbf16, #tpu.memory_space<vmem>>
    %dma_start3A_55 = arith.constant 104 : i32
    %dma_start3A_56 = tpu.memref_slice %arg8[%dma_start3A_50, %dma_start3A_51, %dma_start3A_55] : memref<2x16x200xi32, #tpu.memory_space<vmem>> -> memref<1x1x96xi32, #tpu.memory_space<vmem>>
    %dma_start3A_57 = tpu.memref_squeeze %dma_start3A_56 : memref<1x1x96xi32, #tpu.memory_space<vmem>> -> memref<96xi32, #tpu.memory_space<vmem>>
    %dma_start3A_58 = arith.constant 0 : i32
    %dma_start3A_59 = arith.constant 0 : i32
    %dma_start3A_60 = tpu.memref_slice %arg3[%dma_start3A_58, %dma_start3A_59] : memref<100000x64xbf16, #tpu.memory_space<hbm>> -> memref<100000x64xbf16, #tpu.memory_space<hbm>>
    tpu.enqueue_indirect_dma source(%dma_start3A_60 : memref<100000x64xbf16, #tpu.memory_space<hbm>>) target(%dma_start3A_54 : memref<96x64xbf16, #tpu.memory_space<vmem>>) offsets(%dma_start3A_57 : memref<96xi32, #tpu.memory_space<vmem>>) semaphore(%arg22 : memref<!tpu.dma_semaphore, #tpu.memory_space<semaphore_mem>>)
    %dma_start3A_61 = arith.constant 0 : i32
    %dma_start3A_62 = arith.constant 2 : i32
    %dma_start3A_63 = arith.constant 0 : i32
    %dma_start3A_64 = arith.constant 0 : i32
    %dma_start3A_65 = tpu.memref_slice %arg11[%dma_start3A_63, %dma_start3A_64] : memref<200x64xbf16, #tpu.memory_space<vmem>> -> memref<104x64xbf16, #tpu.memory_space<vmem>>
    %dma_start3A_66 = arith.constant 0 : i32
    %dma_start3A_67 = tpu.memref_slice %arg8[%dma_start3A_61, %dma_start3A_62, %dma_start3A_66] : memref<2x16x200xi32, #tpu.memory_space<vmem>> -> memref<1x1x104xi32, #tpu.memory_space<vmem>>
    %dma_start3A_68 = tpu.memref_squeeze %dma_start3A_67 : memref<1x1x104xi32, #tpu.memory_space<vmem>> -> memref<104xi32, #tpu.memory_space<vmem>>
    %dma_start3A_69 = arith.constant 0 : i32
    %dma_start3A_70 = arith.constant 0 : i32
    %dma_start3A_71 = tpu.memref_slice %arg3[%dma_start3A_69, %dma_start3A_70] : memref<100000x64xbf16, #tpu.memory_space<hbm>> -> memref<100000x64xbf16, #tpu.memory_space<hbm>>
    tpu.enqueue_indirect_dma source(%dma_start3A_71 : memref<100000x64xbf16, #tpu.memory_space<hbm>>) target(%dma_start3A_65 : memref<104x64xbf16, #tpu.memory_space<vmem>>) offsets(%dma_start3A_68 : memref<104xi32, #tpu.memory_space<vmem>>) semaphore(%arg23 : memref<!tpu.dma_semaphore, #tpu.memory_space<semaphore_mem>>)
    %dma_start3A_72 = arith.constant 0 : i32
    %dma_start3A_73 = arith.constant 2 : i32
    %dma_start3A_74 = arith.constant 104 : i32
    %dma_start3A_75 = arith.constant 0 : i32
    %dma_start3A_76 = tpu.memref_slice %arg11[%dma_start3A_74, %dma_start3A_75] : memref<200x64xbf16, #tpu.memory_space<vmem>> -> memref<96x64xbf16, #tpu.memory_space<vmem>>
    %dma_start3A_77 = arith.constant 104 : i32
    %dma_start3A_78 = tpu.memref_slice %arg8[%dma_start3A_72, %dma_start3A_73, %dma_start3A_77] : memref<2x16x200xi32, #tpu.memory_space<vmem>> -> memref<1x1x96xi32, #tpu.memory_space<vmem>>
    %dma_start3A_79 = tpu.memref_squeeze %dma_start3A_78 : memref<1x1x96xi32, #tpu.memory_space<vmem>> -> memref<96xi32, #tpu.memory_space<vmem>>
    %dma_start3A_80 = arith.constant 0 : i32
    %dma_start3A_81 = arith.constant 0 : i32
    %dma_start3A_82 = tpu.memref_slice %arg3[%dma_start3A_80, %dma_start3A_81] : memref<100000x64xbf16, #tpu.memory_space<hbm>> -> memref<100000x64xbf16, #tpu.memory_space<hbm>>
    tpu.enqueue_indirect_dma source(%dma_start3A_82 : memref<100000x64xbf16, #tpu.memory_space<hbm>>) target(%dma_start3A_76 : memref<96x64xbf16, #tpu.memory_space<vmem>>) offsets(%dma_start3A_79 : memref<96xi32, #tpu.memory_space<vmem>>) semaphore(%arg23 : memref<!tpu.dma_semaphore, #tpu.memory_space<semaphore_mem>>)
    %dma_start3A_83 = arith.constant 0 : i32
    %dma_start3A_84 = arith.constant 3 : i32
    %dma_start3A_85 = arith.constant 0 : i32
    %dma_start3A_86 = arith.constant 0 : i32
    %dma_start3A_87 = tpu.memref_slice %arg12[%dma_start3A_85, %dma_start3A_86] : memref<200x64xbf16, #tpu.memory_space<vmem>> -> memref<104x64xbf16, #tpu.memory_space<vmem>>
    %dma_start3A_88 = arith.constant 0 : i32
    %dma_start3A_89 = tpu.memref_slice %arg8[%dma_start3A_83, %dma_start3A_84, %dma_start3A_88] : memref<2x16x200xi32, #tpu.memory_space<vmem>> -> memref<1x1x104xi32, #tpu.memory_space<vmem>>
    %dma_start3A_90 = tpu.memref_squeeze %dma_start3A_89 : memref<1x1x104xi32, #tpu.memory_space<vmem>> -> memref<104xi32, #tpu.memory_space<vmem>>
    %dma_start3A_91 = arith.constant 0 : i32
    %dma_start3A_92 = arith.constant 0 : i32
    %dma_start3A_93 = tpu.memref_slice %arg3[%dma_start3A_91, %dma_start3A_92] : memref<100000x64xbf16, #tpu.memory_space<hbm>> -> memref<100000x64xbf16, #tpu.memory_space<hbm>>
    tpu.enqueue_indirect_dma source(%dma_start3A_93 : memref<100000x64xbf16, #tpu.memory_space<hbm>>) target(%dma_start3A_87 : memref<104x64xbf16, #tpu.memory_space<vmem>>) offsets(%dma_start3A_90 : memref<104xi32, #tpu.memory_space<vmem>>) semaphore(%arg24 : memref<!tpu.dma_semaphore, #tpu.memory_space<semaphore_mem>>)
    %dma_start3A_94 = arith.constant 0 : i32
    %dma_start3A_95 = arith.constant 3 : i32
    %dma_start3A_96 = arith.constant 104 : i32
    %dma_start3A_97 = arith.constant 0 : i32
    %dma_start3A_98 = tpu.memref_slice %arg12[%dma_start3A_96, %dma_start3A_97] : memref<200x64xbf16, #tpu.memory_space<vmem>> -> memref<96x64xbf16, #tpu.memory_space<vmem>>
    %dma_start3A_99 = arith.constant 104 : i32
    %dma_start3A_100 = tpu.memref_slice %arg8[%dma_start3A_94, %dma_start3A_95, %dma_start3A_99] : memref<2x16x200xi32, #tpu.memory_space<vmem>> -> memref<1x1x96xi32, #tpu.memory_space<vmem>>
    %dma_start3A_101 = tpu.memref_squeeze %dma_start3A_100 : memref<1x1x96xi32, #tpu.memory_space<vmem>> -> memref<96xi32, #tpu.memory_space<vmem>>
    %dma_start3A_102 = arith.constant 0 : i32
    %dma_start3A_103 = arith.constant 0 : i32
    %dma_start3A_104 = tpu.memref_slice %arg3[%dma_start3A_102, %dma_start3A_103] : memref<100000x64xbf16, #tpu.memory_space<hbm>> -> memref<100000x64xbf16, #tpu.memory_space<hbm>>
    tpu.enqueue_indirect_dma source(%dma_start3A_104 : memref<100000x64xbf16, #tpu.memory_space<hbm>>) target(%dma_start3A_98 : memref<96x64xbf16, #tpu.memory_space<vmem>>) offsets(%dma_start3A_101 : memref<96xi32, #tpu.memory_space<vmem>>) semaphore(%arg24 : memref<!tpu.dma_semaphore, #tpu.memory_space<semaphore_mem>>)
    %dma_start3A_105 = arith.constant 0 : i32
    %dma_start3A_106 = arith.constant 4 : i32
    %dma_start3A_107 = arith.constant 0 : i32
    %dma_start3A_108 = arith.constant 0 : i32
    %dma_start3A_109 = tpu.memref_slice %arg13[%dma_start3A_107, %dma_start3A_108] : memref<200x64xbf16, #tpu.memory_space<vmem>> -> memref<104x64xbf16, #tpu.memory_space<vmem>>
    %dma_start3A_110 = arith.constant 0 : i32
    %dma_start3A_111 = tpu.memref_slice %arg8[%dma_start3A_105, %dma_start3A_106, %dma_start3A_110] : memref<2x16x200xi32, #tpu.memory_space<vmem>> -> memref<1x1x104xi32, #tpu.memory_space<vmem>>
    %dma_start3A_112 = tpu.memref_squeeze %dma_start3A_111 : memref<1x1x104xi32, #tpu.memory_space<vmem>> -> memref<104xi32, #tpu.memory_space<vmem>>
    %dma_start3A_113 = arith.constant 0 : i32
    %dma_start3A_114 = arith.constant 0 : i32
    %dma_start3A_115 = tpu.memref_slice %arg3[%dma_start3A_113, %dma_start3A_114] : memref<100000x64xbf16, #tpu.memory_space<hbm>> -> memref<100000x64xbf16, #tpu.memory_space<hbm>>
    tpu.enqueue_indirect_dma source(%dma_start3A_115 : memref<100000x64xbf16, #tpu.memory_space<hbm>>) target(%dma_start3A_109 : memref<104x64xbf16, #tpu.memory_space<vmem>>) offsets(%dma_start3A_112 : memref<104xi32, #tpu.memory_space<vmem>>) semaphore(%arg25 : memref<!tpu.dma_semaphore, #tpu.memory_space<semaphore_mem>>)
    %dma_start3A_116 = arith.constant 0 : i32
    %dma_start3A_117 = arith.constant 4 : i32
    %dma_start3A_118 = arith.constant 104 : i32
    %dma_start3A_119 = arith.constant 0 : i32
    %dma_start3A_120 = tpu.memref_slice %arg13[%dma_start3A_118, %dma_start3A_119] : memref<200x64xbf16, #tpu.memory_space<vmem>> -> memref<96x64xbf16, #tpu.memory_space<vmem>>
    %dma_start3A_121 = arith.constant 104 : i32
    %dma_start3A_122 = tpu.memref_slice %arg8[%dma_start3A_116, %dma_start3A_117, %dma_start3A_121] : memref<2x16x200xi32, #tpu.memory_space<vmem>> -> memref<1x1x96xi32, #tpu.memory_space<vmem>>
    %dma_start3A_123 = tpu.memref_squeeze %dma_start3A_122 : memref<1x1x96xi32, #tpu.memory_space<vmem>> -> memref<96xi32, #tpu.memory_space<vmem>>
    %dma_start3A_124 = arith.constant 0 : i32
    %dma_start3A_125 = arith.constant 0 : i32
    %dma_start3A_126 = tpu.memref_slice %arg3[%dma_start3A_124, %dma_start3A_125] : memref<100000x64xbf16, #tpu.memory_space<hbm>> -> memref<100000x64xbf16, #tpu.memory_space<hbm>>
    tpu.enqueue_indirect_dma source(%dma_start3A_126 : memref<100000x64xbf16, #tpu.memory_space<hbm>>) target(%dma_start3A_120 : memref<96x64xbf16, #tpu.memory_space<vmem>>) offsets(%dma_start3A_123 : memref<96xi32, #tpu.memory_space<vmem>>) semaphore(%arg25 : memref<!tpu.dma_semaphore, #tpu.memory_space<semaphore_mem>>)
    %dma_start3A_127 = arith.constant 0 : i32
    %dma_start3A_128 = arith.constant 5 : i32
    %dma_start3A_129 = arith.constant 0 : i32
    %dma_start3A_130 = arith.constant 0 : i32
    %dma_start3A_131 = tpu.memref_slice %arg14[%dma_start3A_129, %dma_start3A_130] : memref<200x64xbf16, #tpu.memory_space<vmem>> -> memref<104x64xbf16, #tpu.memory_space<vmem>>
    %dma_start3A_132 = arith.constant 0 : i32
    %dma_start3A_133 = tpu.memref_slice %arg8[%dma_start3A_127, %dma_start3A_128, %dma_start3A_132] : memref<2x16x200xi32, #tpu.memory_space<vmem>> -> memref<1x1x104xi32, #tpu.memory_space<vmem>>
    %dma_start3A_134 = tpu.memref_squeeze %dma_start3A_133 : memref<1x1x104xi32, #tpu.memory_space<vmem>> -> memref<104xi32, #tpu.memory_space<vmem>>
    %dma_start3A_135 = arith.constant 0 : i32
    %dma_start3A_136 = arith.constant 0 : i32
    %dma_start3A_137 = tpu.memref_slice %arg3[%dma_start3A_135, %dma_start3A_136] : memref<100000x64xbf16, #tpu.memory_space<hbm>> -> memref<100000x64xbf16, #tpu.memory_space<hbm>>
    tpu.enqueue_indirect_dma source(%dma_start3A_137 : memref<100000x64xbf16, #tpu.memory_space<hbm>>) target(%dma_start3A_131 : memref<104x64xbf16, #tpu.memory_space<vmem>>) offsets(%dma_start3A_134 : memref<104xi32, #tpu.memory_space<vmem>>) semaphore(%arg26 : memref<!tpu.dma_semaphore, #tpu.memory_space<semaphore_mem>>)
    %dma_start3A_138 = arith.constant 0 : i32
    %dma_start3A_139 = arith.constant 5 : i32
    %dma_start3A_140 = arith.constant 104 : i32
    %dma_start3A_141 = arith.constant 0 : i32
    %dma_start3A_142 = tpu.memref_slice %arg14[%dma_start3A_140, %dma_start3A_141] : memref<200x64xbf16, #tpu.memory_space<vmem>> -> memref<96x64xbf16, #tpu.memory_space<vmem>>
    %dma_start3A_143 = arith.constant 104 : i32
    %dma_start3A_144 = tpu.memref_slice %arg8[%dma_start3A_138, %dma_start3A_139, %dma_start3A_143] : memref<2x16x200xi32, #tpu.memory_space<vmem>> -> memref<1x1x96xi32, #tpu.memory_space<vmem>>
    %dma_start3A_145 = tpu.memref_squeeze %dma_start3A_144 : memref<1x1x96xi32, #tpu.memory_space<vmem>> -> memref<96xi32, #tpu.memory_space<vmem>>
    %dma_start3A_146 = arith.constant 0 : i32
    %dma_start3A_147 = arith.constant 0 : i32
    %dma_start3A_148 = tpu.memref_slice %arg3[%dma_start3A_146, %dma_start3A_147] : memref<100000x64xbf16, #tpu.memory_space<hbm>> -> memref<100000x64xbf16, #tpu.memory_space<hbm>>
    tpu.enqueue_indirect_dma source(%dma_start3A_148 : memref<100000x64xbf16, #tpu.memory_space<hbm>>) target(%dma_start3A_142 : memref<96x64xbf16, #tpu.memory_space<vmem>>) offsets(%dma_start3A_145 : memref<96xi32, #tpu.memory_space<vmem>>) semaphore(%arg26 : memref<!tpu.dma_semaphore, #tpu.memory_space<semaphore_mem>>)
    %dma_start3A_149 = arith.constant 0 : i32
    %dma_start3A_150 = arith.constant 6 : i32
    %dma_start3A_151 = arith.constant 0 : i32
    %dma_start3A_152 = arith.constant 0 : i32
    %dma_start3A_153 = tpu.memref_slice %arg15[%dma_start3A_151, %dma_start3A_152] : memref<200x64xbf16, #tpu.memory_space<vmem>> -> memref<104x64xbf16, #tpu.memory_space<vmem>>
    %dma_start3A_154 = arith.constant 0 : i32
    %dma_start3A_155 = tpu.memref_slice %arg8[%dma_start3A_149, %dma_start3A_150, %dma_start3A_154] : memref<2x16x200xi32, #tpu.memory_space<vmem>> -> memref<1x1x104xi32, #tpu.memory_space<vmem>>
    %dma_start3A_156 = tpu.memref_squeeze %dma_start3A_155 : memref<1x1x104xi32, #tpu.memory_space<vmem>> -> memref<104xi32, #tpu.memory_space<vmem>>
    %dma_start3A_157 = arith.constant 0 : i32
    %dma_start3A_158 = arith.constant 0 : i32
    %dma_start3A_159 = tpu.memref_slice %arg3[%dma_start3A_157, %dma_start3A_158] : memref<100000x64xbf16, #tpu.memory_space<hbm>> -> memref<100000x64xbf16, #tpu.memory_space<hbm>>
    tpu.enqueue_indirect_dma source(%dma_start3A_159 : memref<100000x64xbf16, #tpu.memory_space<hbm>>) target(%dma_start3A_153 : memref<104x64xbf16, #tpu.memory_space<vmem>>) offsets(%dma_start3A_156 : memref<104xi32, #tpu.memory_space<vmem>>) semaphore(%arg27 : memref<!tpu.dma_semaphore, #tpu.memory_space<semaphore_mem>>)
    %dma_start3A_160 = arith.constant 0 : i32
    %dma_start3A_161 = arith.constant 6 : i32
    %dma_start3A_162 = arith.constant 104 : i32
    %dma_start3A_163 = arith.constant 0 : i32
    %dma_start3A_164 = tpu.memref_slice %arg15[%dma_start3A_162, %dma_start3A_163] : memref<200x64xbf16, #tpu.memory_space<vmem>> -> memref<96x64xbf16, #tpu.memory_space<vmem>>
    %dma_start3A_165 = arith.constant 104 : i32
    %dma_start3A_166 = tpu.memref_slice %arg8[%dma_start3A_160, %dma_start3A_161, %dma_start3A_165] : memref<2x16x200xi32, #tpu.memory_space<vmem>> -> memref<1x1x96xi32, #tpu.memory_space<vmem>>
    %dma_start3A_167 = tpu.memref_squeeze %dma_start3A_166 : memref<1x1x96xi32, #tpu.memory_space<vmem>> -> memref<96xi32, #tpu.memory_space<vmem>>
    %dma_start3A_168 = arith.constant 0 : i32
    %dma_start3A_169 = arith.constant 0 : i32
    %dma_start3A_170 = tpu.memref_slice %arg3[%dma_start3A_168, %dma_start3A_169] : memref<100000x64xbf16, #tpu.memory_space<hbm>> -> memref<100000x64xbf16, #tpu.memory_space<hbm>>
    tpu.enqueue_indirect_dma source(%dma_start3A_170 : memref<100000x64xbf16, #tpu.memory_space<hbm>>) target(%dma_start3A_164 : memref<96x64xbf16, #tpu.memory_space<vmem>>) offsets(%dma_start3A_167 : memref<96xi32, #tpu.memory_space<vmem>>) semaphore(%arg27 : memref<!tpu.dma_semaphore, #tpu.memory_space<semaphore_mem>>)
    %dma_start3A_171 = arith.constant 0 : i32
    %dma_start3A_172 = arith.constant 7 : i32
    %dma_start3A_173 = arith.constant 0 : i32
    %dma_start3A_174 = arith.constant 0 : i32
    %dma_start3A_175 = tpu.memref_slice %arg16[%dma_start3A_173, %dma_start3A_174] : memref<200x64xbf16, #tpu.memory_space<vmem>> -> memref<104x64xbf16, #tpu.memory_space<vmem>>
    %dma_start3A_176 = arith.constant 0 : i32
    %dma_start3A_177 = tpu.memref_slice %arg8[%dma_start3A_171, %dma_start3A_172, %dma_start3A_176] : memref<2x16x200xi32, #tpu.memory_space<vmem>> -> memref<1x1x104xi32, #tpu.memory_space<vmem>>
    %dma_start3A_178 = tpu.memref_squeeze %dma_start3A_177 : memref<1x1x104xi32, #tpu.memory_space<vmem>> -> memref<104xi32, #tpu.memory_space<vmem>>
    %dma_start3A_179 = arith.constant 0 : i32
    %dma_start3A_180 = arith.constant 0 : i32
    %dma_start3A_181 = tpu.memref_slice %arg3[%dma_start3A_179, %dma_start3A_180] : memref<100000x64xbf16, #tpu.memory_space<hbm>> -> memref<100000x64xbf16, #tpu.memory_space<hbm>>
    tpu.enqueue_indirect_dma source(%dma_start3A_181 : memref<100000x64xbf16, #tpu.memory_space<hbm>>) target(%dma_start3A_175 : memref<104x64xbf16, #tpu.memory_space<vmem>>) offsets(%dma_start3A_178 : memref<104xi32, #tpu.memory_space<vmem>>) semaphore(%arg28 : memref<!tpu.dma_semaphore, #tpu.memory_space<semaphore_mem>>)
    %dma_start3A_182 = arith.constant 0 : i32
    %dma_start3A_183 = arith.constant 7 : i32
    %dma_start3A_184 = arith.constant 104 : i32
    %dma_start3A_185 = arith.constant 0 : i32
    %dma_start3A_186 = tpu.memref_slice %arg16[%dma_start3A_184, %dma_start3A_185] : memref<200x64xbf16, #tpu.memory_space<vmem>> -> memref<96x64xbf16, #tpu.memory_space<vmem>>
    %dma_start3A_187 = arith.constant 104 : i32
    %dma_start3A_188 = tpu.memref_slice %arg8[%dma_start3A_182, %dma_start3A_183, %dma_start3A_187] : memref<2x16x200xi32, #tpu.memory_space<vmem>> -> memref<1x1x96xi32, #tpu.memory_space<vmem>>
    %dma_start3A_189 = tpu.memref_squeeze %dma_start3A_188 : memref<1x1x96xi32, #tpu.memory_space<vmem>> -> memref<96xi32, #tpu.memory_space<vmem>>
    %dma_start3A_190 = arith.constant 0 : i32
    %dma_start3A_191 = arith.constant 0 : i32
    %dma_start3A_192 = tpu.memref_slice %arg3[%dma_start3A_190, %dma_start3A_191] : memref<100000x64xbf16, #tpu.memory_space<hbm>> -> memref<100000x64xbf16, #tpu.memory_space<hbm>>
    tpu.enqueue_indirect_dma source(%dma_start3A_192 : memref<100000x64xbf16, #tpu.memory_space<hbm>>) target(%dma_start3A_186 : memref<96x64xbf16, #tpu.memory_space<vmem>>) offsets(%dma_start3A_189 : memref<96xi32, #tpu.memory_space<vmem>>) semaphore(%arg28 : memref<!tpu.dma_semaphore, #tpu.memory_space<semaphore_mem>>)
    %broadcast_in_dim3A = arith.constant 0.000000e+00 : f32
    %broadcast_in_dim3A_193 = vector.broadcast %broadcast_in_dim3A : f32 to vector<16xf32>
    %scan3A = arith.constant 0 : i32
    %scan3A_194 = arith.constant 64 : i32
    %scan3A_195 = arith.addi %scan3A, %scan3A_194 : i32
    %scan3A_196 = arith.constant 1 : i32
    %scan3A_197 = scf.for %scan3A_216 = %scan3A to %scan3A_195 step %scan3A_196 iter_args(%scan3A_217 = %broadcast_in_dim3A_193) -> (vector<16xf32>)  : i32 {
      %mul3A_218 = arith.constant 8 : i32
      %mul3A_219 = arith.muli %mul3A_218, %scan3A_216 : i32
      %add3A_220 = arith.constant 8 : i32
      %add3A_221 = arith.addi %mul3A_219, %add3A_220 : i32
      %jit3A = arith.constant 16 : i32
      %eq3A = arith.constant 0 : i32
      %eq3A_222 = arith.cmpi eq, %jit3A, %eq3A : i32
      %jit3A_223 = arith.constant 1 : i32
      %select_n3A = arith.select %eq3A_222, %jit3A_223, %jit3A : i32
      %rem3A = arith.remsi %add3A_221, %select_n3A : i32
      %ne3A = arith.constant 0 : i32
      %ne3A_224 = arith.cmpi ne, %rem3A, %ne3A : i32
      %lt3A = arith.constant 0 : i32
      %lt3A_225 = arith.cmpi slt, %rem3A, %lt3A : i32
      %lt3A_226 = arith.constant 0 : i32
      %lt3A_227 = arith.cmpi slt, %select_n3A, %lt3A_226 : i32
      %ne3A_228 = arith.xori %lt3A_225, %lt3A_227 : i1
      %and3A = arith.andi %ne3A_228, %ne3A_224 : i1
      %add3A_229 = arith.addi %rem3A, %select_n3A : i32
      %select_n3A_230 = arith.select %and3A, %add3A_229, %rem3A : i32
      %eq3A_231 = arith.constant 0 : i32
      %eq3A_232 = arith.cmpi eq, %select_n3A_230, %eq3A_231 : i32
      %lt3A_233 = arith.constant 512 : i32
      %lt3A_234 = arith.cmpi slt, %add3A_221, %lt3A_233 : i32
      %and3A_235 = arith.andi %eq3A_232, %lt3A_234 : i1
      %convert_element_type3A = arith.extui %and3A_235 : i1 to i32
      %cond3A = arith.constant 0 : i32
      %cond3A_236 = arith.cmpi ne, %convert_element_type3A, %cond3A : i32
      scf.if %cond3A_236 {
        %dma_wait3A_956 = arith.constant 0 : i32
        %dma_wait3A_957 = arith.constant 0 : i32
        %dma_wait3A_958 = arith.constant 0 : i32
        %dma_wait3A_959 = tpu.memref_slice %arg8[%dma_wait3A_956, %dma_wait3A_957, %dma_wait3A_958] : memref<2x16x200xi32, #tpu.memory_space<vmem>> -> memref<1x16x200xi32, #tpu.memory_space<vmem>>
        %dma_wait3A_960 = tpu.memref_squeeze %dma_wait3A_959 : memref<1x16x200xi32, #tpu.memory_space<vmem>> -> memref<16x200xi32, #tpu.memory_space<vmem>>
        %dma_wait3A_961 = arith.constant 0 : i32
        %dma_wait3A_962 = tpu.memref_slice %arg2[%mul3A_2, %dma_wait3A_961] : memref<16384x200xi32, #tpu.memory_space<hbm>> -> memref<16x200xi32, #tpu.memory_space<hbm>>
        %dma_wait3A_963 = arith.constant 0 : i32
        %dma_wait3A_964 = arith.constant 0 : i32
        %dma_wait3A_965 = tpu.memref_slice %arg8[%dma_wait3A_956, %dma_wait3A_963, %dma_wait3A_964] : memref<2x16x200xi32, #tpu.memory_space<vmem>> -> memref<1x16x200xi32, #tpu.memory_space<vmem>>
        %dma_wait3A_966 = tpu.memref_squeeze %dma_wait3A_965 : memref<1x16x200xi32, #tpu.memory_space<vmem>> -> memref<16x200xi32, #tpu.memory_space<vmem>>
        %dma_wait3A_967 = arith.constant 0 : i32
        %dma_wait3A_968 = tpu.memref_slice %arg2[%mul3A_2, %dma_wait3A_967] : memref<16384x200xi32, #tpu.memory_space<hbm>> -> memref<16x200xi32, #tpu.memory_space<hbm>>
        tpu.wait_dma2 semaphore(%arg29 : memref<!tpu.dma_semaphore, #tpu.memory_space<semaphore_mem>>) src(%dma_wait3A_968 : memref<16x200xi32, #tpu.memory_space<hbm>>) dst(%dma_wait3A_966 : memref<16x200xi32, #tpu.memory_space<vmem>>)
      } else {
      }
      %dma_wait3A_237 = arith.constant 0 : i32
      %dma_wait3A_238 = arith.constant 0 : i32
      %dma_wait3A_239 = arith.constant 0 : i32
      %dma_wait3A_240 = arith.constant 0 : i32
      %dma_wait3A_241 = tpu.memref_slice %arg9[%dma_wait3A_239, %dma_wait3A_240] : memref<200x64xbf16, #tpu.memory_space<vmem>> -> memref<104x64xbf16, #tpu.memory_space<vmem>>
      %dma_wait3A_242 = arith.constant 0 : i32
      %dma_wait3A_243 = tpu.memref_slice %arg8[%dma_wait3A_237, %dma_wait3A_238, %dma_wait3A_242] : memref<2x16x200xi32, #tpu.memory_space<vmem>> -> memref<1x1x104xi32, #tpu.memory_space<vmem>>
      %dma_wait3A_244 = tpu.memref_squeeze %dma_wait3A_243 : memref<1x1x104xi32, #tpu.memory_space<vmem>> -> memref<104xi32, #tpu.memory_space<vmem>>
      %dma_wait3A_245 = arith.constant 0 : i32
      %dma_wait3A_246 = arith.constant 0 : i32
      %dma_wait3A_247 = tpu.memref_slice %arg3[%dma_wait3A_245, %dma_wait3A_246] : memref<100000x64xbf16, #tpu.memory_space<hbm>> -> memref<100000x64xbf16, #tpu.memory_space<hbm>>
      tpu.wait_indirect_dma semaphore(%arg21 : memref<!tpu.dma_semaphore, #tpu.memory_space<semaphore_mem>>) src(%dma_wait3A_247 : memref<100000x64xbf16, #tpu.memory_space<hbm>>) dst(%dma_wait3A_241 : memref<104x64xbf16, #tpu.memory_space<vmem>>)
      %dma_wait3A_248 = arith.constant 0 : i32
      %dma_wait3A_249 = arith.constant 0 : i32
      %dma_wait3A_250 = arith.constant 104 : i32
      %dma_wait3A_251 = arith.constant 0 : i32
      %dma_wait3A_252 = tpu.memref_slice %arg9[%dma_wait3A_250, %dma_wait3A_251] : memref<200x64xbf16, #tpu.memory_space<vmem>> -> memref<96x64xbf16, #tpu.memory_space<vmem>>
      %dma_wait3A_253 = arith.constant 0 : i32
      %dma_wait3A_254 = tpu.memref_slice %arg8[%dma_wait3A_248, %dma_wait3A_249, %dma_wait3A_253] : memref<2x16x200xi32, #tpu.memory_space<vmem>> -> memref<1x1x96xi32, #tpu.memory_space<vmem>>
      %dma_wait3A_255 = tpu.memref_squeeze %dma_wait3A_254 : memref<1x1x96xi32, #tpu.memory_space<vmem>> -> memref<96xi32, #tpu.memory_space<vmem>>
      %dma_wait3A_256 = arith.constant 0 : i32
      %dma_wait3A_257 = arith.constant 0 : i32
      %dma_wait3A_258 = tpu.memref_slice %arg3[%dma_wait3A_256, %dma_wait3A_257] : memref<100000x64xbf16, #tpu.memory_space<hbm>> -> memref<100000x64xbf16, #tpu.memory_space<hbm>>
      tpu.wait_indirect_dma semaphore(%arg21 : memref<!tpu.dma_semaphore, #tpu.memory_space<semaphore_mem>>) src(%dma_wait3A_258 : memref<100000x64xbf16, #tpu.memory_space<hbm>>) dst(%dma_wait3A_252 : memref<96x64xbf16, #tpu.memory_space<vmem>>)
      %add3A_259 = arith.constant 0 : i32
      %add3A_260 = arith.addi %mul3A_219, %add3A_259 : i32
      %broadcast_in_dim3A_261 = arith.constant 0.000000e+00 : bf16
      %broadcast_in_dim3A_262 = vector.broadcast %broadcast_in_dim3A_261 : bf16 to vector<32xbf16>
      %scan3A_263 = arith.constant 0 : i32
      %scan3A_264 = arith.constant 25 : i32
      %scan3A_265 = arith.addi %scan3A_263, %scan3A_264 : i32
      %scan3A_266 = arith.constant 1 : i32
      %scan3A_267:2 = scf.for %scan3A_956 = %scan3A_263 to %scan3A_265 step %scan3A_266 iter_args(%scan3A_957 = %broadcast_in_dim3A_262, %scan3A_958 = %broadcast_in_dim3A_262) -> (vector<32xbf16>, vector<32xbf16>)  : i32 {
        %mul3A_959 = arith.constant 8 : i32
        %mul3A_960 = arith.muli %scan3A_956, %mul3A_959 : i32
        %add3A_961 = arith.constant 0 : i32
        %add3A_962 = arith.addi %mul3A_960, %add3A_961 : i32
        %get3A_963 = arith.index_cast %add3A_962 : i32 to index
        %get3A_964 = arith.constant 0 : index
        %get3A_965 = tpu.vector_load %arg9[%get3A_963, %get3A_964] {strides = array<i32>} : memref<200x64xbf16, #tpu.memory_space<vmem>>, vector<32xbf16>,
        %add3A_966 = arith.addf %scan3A_957, %get3A_965 : vector<32xbf16>
        %get3A_967 = arith.index_cast %add3A_962 : i32 to index
        %get3A_968 = arith.constant 32 : index
        %get3A_969 = tpu.vector_load %arg9[%get3A_967, %get3A_968] {strides = array<i32>} : memref<200x64xbf16, #tpu.memory_space<vmem>>, vector<32xbf16>,
        %add3A_970 = arith.addf %scan3A_958, %get3A_969 : vector<32xbf16>
        %add3A_971 = arith.constant 1 : i32
        %add3A_972 = arith.addi %mul3A_960, %add3A_971 : i32
        %get3A_973 = arith.index_cast %add3A_972 : i32 to index
        %get3A_974 = arith.constant 0 : index
        %get3A_975 = tpu.vector_load %arg9[%get3A_973, %get3A_974] {strides = array<i32>} : memref<200x64xbf16, #tpu.memory_space<vmem>>, vector<32xbf16>,
        %add3A_976 = arith.addf %add3A_966, %get3A_975 : vector<32xbf16>
        %get3A_977 = arith.index_cast %add3A_972 : i32 to index
        %get3A_978 = arith.constant 32 : index
        %get3A_979 = tpu.vector_load %arg9[%get3A_977, %get3A_978] {strides = array<i32>} : memref<200x64xbf16, #tpu.memory_space<vmem>>, vector<32xbf16>,
        %add3A_980 = arith.addf %add3A_970, %get3A_979 : vector<32xbf16>
        %add3A_981 = arith.constant 2 : i32
        %add3A_982 = arith.addi %mul3A_960, %add3A_981 : i32
        %get3A_983 = arith.index_cast %add3A_982 : i32 to index
        %get3A_984 = arith.constant 0 : index
        %get3A_985 = tpu.vector_load %arg9[%get3A_983, %get3A_984] {strides = array<i32>} : memref<200x64xbf16, #tpu.memory_space<vmem>>, vector<32xbf16>,
        %add3A_986 = arith.addf %add3A_976, %get3A_985 : vector<32xbf16>
        %get3A_987 = arith.index_cast %add3A_982 : i32 to index
        %get3A_988 = arith.constant 32 : index
        %get3A_989 = tpu.vector_load %arg9[%get3A_987, %get3A_988] {strides = array<i32>} : memref<200x64xbf16, #tpu.memory_space<vmem>>, vector<32xbf16>,
        %add3A_990 = arith.addf %add3A_980, %get3A_989 : vector<32xbf16>
        %add3A_991 = arith.constant 3 : i32
        %add3A_992 = arith.addi %mul3A_960, %add3A_991 : i32
        %get3A_993 = arith.index_cast %add3A_992 : i32 to index
        %get3A_994 = arith.constant 0 : index
        %get3A_995 = tpu.vector_load %arg9[%get3A_993, %get3A_994] {strides = array<i32>} : memref<200x64xbf16, #tpu.memory_space<vmem>>, vector<32xbf16>,
        %add3A_996 = arith.addf %add3A_986, %get3A_995 : vector<32xbf16>
        %get3A_997 = arith.index_cast %add3A_992 : i32 to index
        %get3A_998 = arith.constant 32 : index
        %get3A_999 = tpu.vector_load %arg9[%get3A_997, %get3A_998] {strides = array<i32>} : memref<200x64xbf16, #tpu.memory_space<vmem>>, vector<32xbf16>,
        %add3A_1000 = arith.addf %add3A_990, %get3A_999 : vector<32xbf16>
        %add3A_1001 = arith.constant 4 : i32
        %add3A_1002 = arith.addi %mul3A_960, %add3A_1001 : i32
        %get3A_1003 = arith.index_cast %add3A_1002 : i32 to index
        %get3A_1004 = arith.constant 0 : index
        %get3A_1005 = tpu.vector_load %arg9[%get3A_1003, %get3A_1004] {strides = array<i32>} : memref<200x64xbf16, #tpu.memory_space<vmem>>, vector<32xbf16>,
        %add3A_1006 = arith.addf %add3A_996, %get3A_1005 : vector<32xbf16>
        %get3A_1007 = arith.index_cast %add3A_1002 : i32 to index
        %get3A_1008 = arith.constant 32 : index
        %get3A_1009 = tpu.vector_load %arg9[%get3A_1007, %get3A_1008] {strides = array<i32>} : memref<200x64xbf16, #tpu.memory_space<vmem>>, vector<32xbf16>,
        %add3A_1010 = arith.addf %add3A_1000, %get3A_1009 : vector<32xbf16>
        %add3A_1011 = arith.constant 5 : i32
        %add3A_1012 = arith.addi %mul3A_960, %add3A_1011 : i32
        %get3A_1013 = arith.index_cast %add3A_1012 : i32 to index
        %get3A_1014 = arith.constant 0 : index
        %get3A_1015 = tpu.vector_load %arg9[%get3A_1013, %get3A_1014] {strides = array<i32>} : memref<200x64xbf16, #tpu.memory_space<vmem>>, vector<32xbf16>,
        %add3A_1016 = arith.addf %add3A_1006, %get3A_1015 : vector<32xbf16>
        %get3A_1017 = arith.index_cast %add3A_1012 : i32 to index
        %get3A_1018 = arith.constant 32 : index
        %get3A_1019 = tpu.vector_load %arg9[%get3A_1017, %get3A_1018] {strides = array<i32>} : memref<200x64xbf16, #tpu.memory_space<vmem>>, vector<32xbf16>,
        %add3A_1020 = arith.addf %add3A_1010, %get3A_1019 : vector<32xbf16>
        %add3A_1021 = arith.constant 6 : i32
        %add3A_1022 = arith.addi %mul3A_960, %add3A_1021 : i32
        %get3A_1023 = arith.index_cast %add3A_1022 : i32 to index
        %get3A_1024 = arith.constant 0 : index
        %get3A_1025 = tpu.vector_load %arg9[%get3A_1023, %get3A_1024] {strides = array<i32>} : memref<200x64xbf16, #tpu.memory_space<vmem>>, vector<32xbf16>,
        %add3A_1026 = arith.addf %add3A_1016, %get3A_1025 : vector<32xbf16>
        %get3A_1027 = arith.index_cast %add3A_1022 : i32 to index
        %get3A_1028 = arith.constant 32 : index
        %get3A_1029 = tpu.vector_load %arg9[%get3A_1027, %get3A_1028] {strides = array<i32>} : memref<200x64xbf16, #tpu.memory_space<vmem>>, vector<32xbf16>,
        %add3A_1030 = arith.addf %add3A_1020, %get3A_1029 : vector<32xbf16>
        %add3A_1031 = arith.constant 7 : i32
        %add3A_1032 = arith.addi %mul3A_960, %add3A_1031 : i32
        %get3A_1033 = arith.index_cast %add3A_1032 : i32 to index
        %get3A_1034 = arith.constant 0 : index
        %get3A_1035 = tpu.vector_load %arg9[%get3A_1033, %get3A_1034] {strides = array<i32>} : memref<200x64xbf16, #tpu.memory_space<vmem>>, vector<32xbf16>,
        %add3A_1036 = arith.addf %add3A_1026, %get3A_1035 : vector<32xbf16>
        %get3A_1037 = arith.index_cast %add3A_1032 : i32 to index
        %get3A_1038 = arith.constant 32 : index
        %get3A_1039 = tpu.vector_load %arg9[%get3A_1037, %get3A_1038] {strides = array<i32>} : memref<200x64xbf16, #tpu.memory_space<vmem>>, vector<32xbf16>,
        %add3A_1040 = arith.addf %add3A_1030, %get3A_1039 : vector<32xbf16>
        scf.yield %add3A_1036, %add3A_1040 : vector<32xbf16>, vector<32xbf16>
      }
      %scan3A_268 = arith.constant 25 : i32
      %broadcast_in_dim3A_269 = arith.constant 0.000000e+00 : bf16
      %broadcast_in_dim3A_270 = vector.broadcast %broadcast_in_dim3A_269 : bf16 to vector<32xbf16>
      %get3A = arith.constant 0 : index
      %get3A_271 = tpu.vector_load %arg18[%get3A] {strides = array<i32>} : memref<64xbf16, #tpu.memory_space<vmem>>, vector<32xbf16>,
      %add3A_272 = arith.addf %scan3A_267#0, %get3A_271 : vector<32xbf16>
      %max3A = arith.maximumf %add3A_272, %broadcast_in_dim3A_270 : vector<32xbf16>
      %get3A_273 = arith.constant 32 : index
      %get3A_274 = tpu.vector_load %arg18[%get3A_273] {strides = array<i32>} : memref<64xbf16, #tpu.memory_space<vmem>>, vector<32xbf16>,
      %add3A_275 = arith.addf %scan3A_267#1, %get3A_274 : vector<32xbf16>
      %max3A_276 = arith.maximumf %add3A_275, %broadcast_in_dim3A_270 : vector<32xbf16>
      %get3A_277 = arith.constant 0 : index
      %get3A_278 = tpu.vector_load %arg19[%get3A_277] {strides = array<i32>} : memref<64xbf16, #tpu.memory_space<vmem>>, vector<32xbf16>,
      %mul3A_279 = arith.mulf %max3A, %get3A_278 : vector<32xbf16>
      %get3A_280 = arith.constant 32 : index
      %get3A_281 = tpu.vector_load %arg19[%get3A_280] {strides = array<i32>} : memref<64xbf16, #tpu.memory_space<vmem>>, vector<32xbf16>,
      %mul3A_282 = arith.mulf %max3A_276, %get3A_281 : vector<32xbf16>
      %add3A_283 = arith.addf %mul3A_279, %mul3A_282 : vector<32xbf16>
      %unpack3A = tpu.unpack_subelements %add3A_283, 0 {pack_format = #tpu.pack_format<interleaved>} : vector<32xbf16> -> vector<16xf32>
      %unpack3A_284 = tpu.unpack_subelements %add3A_283, 1 {pack_format = #tpu.pack_format<interleaved>} : vector<32xbf16> -> vector<16xf32>
      %add3A_285 = arith.addf %unpack3A, %unpack3A_284 : vector<16xf32>
      %reduce_sum3A = arith.constant true
      %reduce_sum3A_286 = vector.broadcast %reduce_sum3A : i1 to vector<16xi1>
      %reduce_sum3A_287 = tpu.scan <sum>, %add3A_285 masked %reduce_sum3A_286 : vector<16xf32>, vector<16xi1> -> vector<16xf32>
      %reduce_sum3A_288 = vector.extract %reduce_sum3A_287[15] : f32 from vector<16xf32>
      %iota3A = tpu.iota {dimensions = array<i32: 0>} : vector<16xi32>
      %jit3A_289 = arith.constant 16 : i32
      %eq3A_290 = arith.constant 0 : i32
      %eq3A_291 = arith.cmpi eq, %jit3A_289, %eq3A_290 : i32
      %jit3A_292 = arith.constant 1 : i32
      %select_n3A_293 = arith.select %eq3A_291, %jit3A_292, %jit3A_289 : i32
      %rem3A_294 = arith.remsi %add3A_260, %select_n3A_293 : i32
      %ne3A_295 = arith.constant 0 : i32
      %ne3A_296 = arith.cmpi ne, %rem3A_294, %ne3A_295 : i32
      %lt3A_297 = arith.constant 0 : i32
      %lt3A_298 = arith.cmpi slt, %rem3A_294, %lt3A_297 : i32
      %lt3A_299 = arith.constant 0 : i32
      %lt3A_300 = arith.cmpi slt, %select_n3A_293, %lt3A_299 : i32
      %ne3A_301 = arith.xori %lt3A_298, %lt3A_300 : i1
      %and3A_302 = arith.andi %ne3A_301, %ne3A_296 : i1
      %add3A_303 = arith.addi %rem3A_294, %select_n3A_293 : i32
      %select_n3A_304 = arith.select %and3A_302, %add3A_303, %rem3A_294 : i32
      %eq3A_305 = vector.broadcast %select_n3A_304 : i32 to vector<16xi32>
      %eq3A_306 = arith.cmpi eq, %iota3A, %eq3A_305 : vector<16xi32>
      %broadcast_in_dim3A_307 = vector.broadcast %reduce_sum3A_288 : f32 to vector<16xf32>
      %select_n3A_308 = arith.select %eq3A_306, %broadcast_in_dim3A_307, %scan3A_217 : vector<16xi1>, vector<16xf32>
      %lt3A_309 = arith.constant 512 : i32
      %lt3A_310 = arith.cmpi slt, %add3A_221, %lt3A_309 : i32
      %convert_element_type3A_311 = arith.extui %lt3A_310 : i1 to i32
      %cond3A_312 = arith.constant 0 : i32
      %cond3A_313 = arith.cmpi ne, %convert_element_type3A_311, %cond3A_312 : i32
      scf.if %cond3A_313 {
        %add3A_956 = arith.constant 0 : i32
        %add3A_957 = arith.addi %add3A_221, %add3A_956 : i32
        %jit3A_958 = arith.constant 16 : i32
        %div3A = arith.divsi %add3A_957, %jit3A_958 : i32
        %sign3A = arith.constant 0 : i32
        %sign3A_959 = arith.cmpi sgt, %add3A_957, %sign3A : i32
        %sign3A_960 = arith.extui %sign3A_959 : i1 to i32
        %sign3A_961 = arith.constant 0 : i32
        %sign3A_962 = arith.cmpi slt, %add3A_957, %sign3A_961 : i32
        %sign3A_963 = arith.extui %sign3A_962 : i1 to i32
        %sign3A_964 = arith.subi %sign3A_960, %sign3A_963 : i32
        %sign3A_965 = arith.constant 0 : i32
        %sign3A_966 = arith.cmpi sgt, %jit3A_958, %sign3A_965 : i32
        %sign3A_967 = arith.extui %sign3A_966 : i1 to i32
        %sign3A_968 = arith.constant 0 : i32
        %sign3A_969 = arith.cmpi slt, %jit3A_958, %sign3A_968 : i32
        %sign3A_970 = arith.extui %sign3A_969 : i1 to i32
        %sign3A_971 = arith.subi %sign3A_967, %sign3A_970 : i32
        %ne3A_972 = arith.cmpi ne, %sign3A_964, %sign3A_971 : i32
        %rem3A_973 = arith.remsi %add3A_957, %jit3A_958 : i32
        %ne3A_974 = arith.constant 0 : i32
        %ne3A_975 = arith.cmpi ne, %rem3A_973, %ne3A_974 : i32
        %and3A_976 = arith.andi %ne3A_972, %ne3A_975 : i1
        %sub3A = arith.constant 1 : i32
        %sub3A_977 = arith.subi %div3A, %sub3A : i32
        %select_n3A_978 = arith.select %and3A_976, %sub3A_977, %div3A : i32
        %jit3A_979 = arith.constant 2 : i32
        %eq3A_980 = arith.constant 0 : i32
        %eq3A_981 = arith.cmpi eq, %jit3A_979, %eq3A_980 : i32
        %jit3A_982 = arith.constant 1 : i32
        %select_n3A_983 = arith.select %eq3A_981, %jit3A_982, %jit3A_979 : i32
        %rem3A_984 = arith.remsi %select_n3A_978, %select_n3A_983 : i32
        %ne3A_985 = arith.constant 0 : i32
        %ne3A_986 = arith.cmpi ne, %rem3A_984, %ne3A_985 : i32
        %lt3A_987 = arith.constant 0 : i32
        %lt3A_988 = arith.cmpi slt, %rem3A_984, %lt3A_987 : i32
        %lt3A_989 = arith.constant 0 : i32
        %lt3A_990 = arith.cmpi slt, %select_n3A_983, %lt3A_989 : i32
        %ne3A_991 = arith.xori %lt3A_988, %lt3A_990 : i1
        %and3A_992 = arith.andi %ne3A_991, %ne3A_986 : i1
        %add3A_993 = arith.addi %rem3A_984, %select_n3A_983 : i32
        %select_n3A_994 = arith.select %and3A_992, %add3A_993, %rem3A_984 : i32
        %jit3A_995 = arith.constant 16 : i32
        %eq3A_996 = arith.constant 0 : i32
        %eq3A_997 = arith.cmpi eq, %jit3A_995, %eq3A_996 : i32
        %jit3A_998 = arith.constant 1 : i32
        %select_n3A_999 = arith.select %eq3A_997, %jit3A_998, %jit3A_995 : i32
        %rem3A_1000 = arith.remsi %add3A_957, %select_n3A_999 : i32
        %ne3A_1001 = arith.constant 0 : i32
        %ne3A_1002 = arith.cmpi ne, %rem3A_1000, %ne3A_1001 : i32
        %lt3A_1003 = arith.constant 0 : i32
        %lt3A_1004 = arith.cmpi slt, %rem3A_1000, %lt3A_1003 : i32
        %lt3A_1005 = arith.constant 0 : i32
        %lt3A_1006 = arith.cmpi slt, %select_n3A_999, %lt3A_1005 : i32
        %ne3A_1007 = arith.xori %lt3A_1004, %lt3A_1006 : i1
        %and3A_1008 = arith.andi %ne3A_1007, %ne3A_1002 : i1
        %add3A_1009 = arith.addi %rem3A_1000, %select_n3A_999 : i32
        %select_n3A_1010 = arith.select %and3A_1008, %add3A_1009, %rem3A_1000 : i32
        %dma_start3A_1011 = arith.constant 0 : i32
        %dma_start3A_1012 = arith.constant 0 : i32
        %dma_start3A_1013 = tpu.memref_slice %arg9[%dma_start3A_1011, %dma_start3A_1012] : memref<200x64xbf16, #tpu.memory_space<vmem>> -> memref<104x64xbf16, #tpu.memory_space<vmem>>
        %dma_start3A_1014 = arith.constant 0 : i32
        %dma_start3A_1015 = tpu.memref_slice %arg8[%select_n3A_994, %select_n3A_1010, %dma_start3A_1014] : memref<2x16x200xi32, #tpu.memory_space<vmem>> -> memref<1x1x104xi32, #tpu.memory_space<vmem>>
        %dma_start3A_1016 = tpu.memref_squeeze %dma_start3A_1015 : memref<1x1x104xi32, #tpu.memory_space<vmem>> -> memref<104xi32, #tpu.memory_space<vmem>>
        %dma_start3A_1017 = arith.constant 0 : i32
        %dma_start3A_1018 = arith.constant 0 : i32
        %dma_start3A_1019 = tpu.memref_slice %arg3[%dma_start3A_1017, %dma_start3A_1018] : memref<100000x64xbf16, #tpu.memory_space<hbm>> -> memref<100000x64xbf16, #tpu.memory_space<hbm>>
        tpu.enqueue_indirect_dma source(%dma_start3A_1019 : memref<100000x64xbf16, #tpu.memory_space<hbm>>) target(%dma_start3A_1013 : memref<104x64xbf16, #tpu.memory_space<vmem>>) offsets(%dma_start3A_1016 : memref<104xi32, #tpu.memory_space<vmem>>) semaphore(%arg21 : memref<!tpu.dma_semaphore, #tpu.memory_space<semaphore_mem>>)
        %dma_start3A_1020 = arith.constant 104 : i32
        %dma_start3A_1021 = arith.constant 0 : i32
        %dma_start3A_1022 = tpu.memref_slice %arg9[%dma_start3A_1020, %dma_start3A_1021] : memref<200x64xbf16, #tpu.memory_space<vmem>> -> memref<96x64xbf16, #tpu.memory_space<vmem>>
        %dma_start3A_1023 = arith.constant 104 : i32
        %dma_start3A_1024 = tpu.memref_slice %arg8[%select_n3A_994, %select_n3A_1010, %dma_start3A_1023] : memref<2x16x200xi32, #tpu.memory_space<vmem>> -> memref<1x1x96xi32, #tpu.memory_space<vmem>>
        %dma_start3A_1025 = tpu.memref_squeeze %dma_start3A_1024 : memref<1x1x96xi32, #tpu.memory_space<vmem>> -> memref<96xi32, #tpu.memory_space<vmem>>
        %dma_start3A_1026 = arith.constant 0 : i32
        %dma_start3A_1027 = arith.constant 0 : i32
        %dma_start3A_1028 = tpu.memref_slice %arg3[%dma_start3A_1026, %dma_start3A_1027] : memref<100000x64xbf16, #tpu.memory_space<hbm>> -> memref<100000x64xbf16, #tpu.memory_space<hbm>>
        tpu.enqueue_indirect_dma source(%dma_start3A_1028 : memref<100000x64xbf16, #tpu.memory_space<hbm>>) target(%dma_start3A_1022 : memref<96x64xbf16, #tpu.memory_space<vmem>>) offsets(%dma_start3A_1025 : memref<96xi32, #tpu.memory_space<vmem>>) semaphore(%arg21 : memref<!tpu.dma_semaphore, #tpu.memory_space<semaphore_mem>>)
      } else {
      }
      %dma_wait3A_314 = arith.constant 0 : i32
      %dma_wait3A_315 = arith.constant 0 : i32
      %dma_wait3A_316 = arith.constant 0 : i32
      %dma_wait3A_317 = arith.constant 0 : i32
      %dma_wait3A_318 = tpu.memref_slice %arg10[%dma_wait3A_316, %dma_wait3A_317] : memref<200x64xbf16, #tpu.memory_space<vmem>> -> memref<104x64xbf16, #tpu.memory_space<vmem>>
      %dma_wait3A_319 = arith.constant 0 : i32
      %dma_wait3A_320 = tpu.memref_slice %arg8[%dma_wait3A_314, %dma_wait3A_315, %dma_wait3A_319] : memref<2x16x200xi32, #tpu.memory_space<vmem>> -> memref<1x1x104xi32, #tpu.memory_space<vmem>>
      %dma_wait3A_321 = tpu.memref_squeeze %dma_wait3A_320 : memref<1x1x104xi32, #tpu.memory_space<vmem>> -> memref<104xi32, #tpu.memory_space<vmem>>
      %dma_wait3A_322 = arith.constant 0 : i32
      %dma_wait3A_323 = arith.constant 0 : i32
      %dma_wait3A_324 = tpu.memref_slice %arg3[%dma_wait3A_322, %dma_wait3A_323] : memref<100000x64xbf16, #tpu.memory_space<hbm>> -> memref<100000x64xbf16, #tpu.memory_space<hbm>>
      tpu.wait_indirect_dma semaphore(%arg22 : memref<!tpu.dma_semaphore, #tpu.memory_space<semaphore_mem>>) src(%dma_wait3A_324 : memref<100000x64xbf16, #tpu.memory_space<hbm>>) dst(%dma_wait3A_318 : memref<104x64xbf16, #tpu.memory_space<vmem>>)
      %dma_wait3A_325 = arith.constant 0 : i32
      %dma_wait3A_326 = arith.constant 0 : i32
      %dma_wait3A_327 = arith.constant 104 : i32
      %dma_wait3A_328 = arith.constant 0 : i32
      %dma_wait3A_329 = tpu.memref_slice %arg10[%dma_wait3A_327, %dma_wait3A_328] : memref<200x64xbf16, #tpu.memory_space<vmem>> -> memref<96x64xbf16, #tpu.memory_space<vmem>>
      %dma_wait3A_330 = arith.constant 0 : i32
      %dma_wait3A_331 = tpu.memref_slice %arg8[%dma_wait3A_325, %dma_wait3A_326, %dma_wait3A_330] : memref<2x16x200xi32, #tpu.memory_space<vmem>> -> memref<1x1x96xi32, #tpu.memory_space<vmem>>
      %dma_wait3A_332 = tpu.memref_squeeze %dma_wait3A_331 : memref<1x1x96xi32, #tpu.memory_space<vmem>> -> memref<96xi32, #tpu.memory_space<vmem>>
      %dma_wait3A_333 = arith.constant 0 : i32
      %dma_wait3A_334 = arith.constant 0 : i32
      %dma_wait3A_335 = tpu.memref_slice %arg3[%dma_wait3A_333, %dma_wait3A_334] : memref<100000x64xbf16, #tpu.memory_space<hbm>> -> memref<100000x64xbf16, #tpu.memory_space<hbm>>
      tpu.wait_indirect_dma semaphore(%arg22 : memref<!tpu.dma_semaphore, #tpu.memory_space<semaphore_mem>>) src(%dma_wait3A_335 : memref<100000x64xbf16, #tpu.memory_space<hbm>>) dst(%dma_wait3A_329 : memref<96x64xbf16, #tpu.memory_space<vmem>>)
      %add3A_336 = arith.constant 1 : i32
      %add3A_337 = arith.addi %mul3A_219, %add3A_336 : i32
      %broadcast_in_dim3A_338 = arith.constant 0.000000e+00 : bf16
      %broadcast_in_dim3A_339 = vector.broadcast %broadcast_in_dim3A_338 : bf16 to vector<32xbf16>
      %scan3A_340 = arith.constant 0 : i32
      %scan3A_341 = arith.constant 25 : i32
      %scan3A_342 = arith.addi %scan3A_340, %scan3A_341 : i32
      %scan3A_343 = arith.constant 1 : i32
      %scan3A_344:2 = scf.for %scan3A_956 = %scan3A_340 to %scan3A_342 step %scan3A_343 iter_args(%scan3A_957 = %broadcast_in_dim3A_339, %scan3A_958 = %broadcast_in_dim3A_339) -> (vector<32xbf16>, vector<32xbf16>)  : i32 {
        %mul3A_959 = arith.constant 8 : i32
        %mul3A_960 = arith.muli %scan3A_956, %mul3A_959 : i32
        %add3A_961 = arith.constant 0 : i32
        %add3A_962 = arith.addi %mul3A_960, %add3A_961 : i32
        %get3A_963 = arith.index_cast %add3A_962 : i32 to index
        %get3A_964 = arith.constant 0 : index
        %get3A_965 = tpu.vector_load %arg10[%get3A_963, %get3A_964] {strides = array<i32>} : memref<200x64xbf16, #tpu.memory_space<vmem>>, vector<32xbf16>,
        %add3A_966 = arith.addf %scan3A_957, %get3A_965 : vector<32xbf16>
        %get3A_967 = arith.index_cast %add3A_962 : i32 to index
        %get3A_968 = arith.constant 32 : index
        %get3A_969 = tpu.vector_load %arg10[%get3A_967, %get3A_968] {strides = array<i32>} : memref<200x64xbf16, #tpu.memory_space<vmem>>, vector<32xbf16>,
        %add3A_970 = arith.addf %scan3A_958, %get3A_969 : vector<32xbf16>
        %add3A_971 = arith.constant 1 : i32
        %add3A_972 = arith.addi %mul3A_960, %add3A_971 : i32
        %get3A_973 = arith.index_cast %add3A_972 : i32 to index
        %get3A_974 = arith.constant 0 : index
        %get3A_975 = tpu.vector_load %arg10[%get3A_973, %get3A_974] {strides = array<i32>} : memref<200x64xbf16, #tpu.memory_space<vmem>>, vector<32xbf16>,
        %add3A_976 = arith.addf %add3A_966, %get3A_975 : vector<32xbf16>
        %get3A_977 = arith.index_cast %add3A_972 : i32 to index
        %get3A_978 = arith.constant 32 : index
        %get3A_979 = tpu.vector_load %arg10[%get3A_977, %get3A_978] {strides = array<i32>} : memref<200x64xbf16, #tpu.memory_space<vmem>>, vector<32xbf16>,
        %add3A_980 = arith.addf %add3A_970, %get3A_979 : vector<32xbf16>
        %add3A_981 = arith.constant 2 : i32
        %add3A_982 = arith.addi %mul3A_960, %add3A_981 : i32
        %get3A_983 = arith.index_cast %add3A_982 : i32 to index
        %get3A_984 = arith.constant 0 : index
        %get3A_985 = tpu.vector_load %arg10[%get3A_983, %get3A_984] {strides = array<i32>} : memref<200x64xbf16, #tpu.memory_space<vmem>>, vector<32xbf16>,
        %add3A_986 = arith.addf %add3A_976, %get3A_985 : vector<32xbf16>
        %get3A_987 = arith.index_cast %add3A_982 : i32 to index
        %get3A_988 = arith.constant 32 : index
        %get3A_989 = tpu.vector_load %arg10[%get3A_987, %get3A_988] {strides = array<i32>} : memref<200x64xbf16, #tpu.memory_space<vmem>>, vector<32xbf16>,
        %add3A_990 = arith.addf %add3A_980, %get3A_989 : vector<32xbf16>
        %add3A_991 = arith.constant 3 : i32
        %add3A_992 = arith.addi %mul3A_960, %add3A_991 : i32
        %get3A_993 = arith.index_cast %add3A_992 : i32 to index
        %get3A_994 = arith.constant 0 : index
        %get3A_995 = tpu.vector_load %arg10[%get3A_993, %get3A_994] {strides = array<i32>} : memref<200x64xbf16, #tpu.memory_space<vmem>>, vector<32xbf16>,
        %add3A_996 = arith.addf %add3A_986, %get3A_995 : vector<32xbf16>
        %get3A_997 = arith.index_cast %add3A_992 : i32 to index
        %get3A_998 = arith.constant 32 : index
        %get3A_999 = tpu.vector_load %arg10[%get3A_997, %get3A_998] {strides = array<i32>} : memref<200x64xbf16, #tpu.memory_space<vmem>>, vector<32xbf16>,
        %add3A_1000 = arith.addf %add3A_990, %get3A_999 : vector<32xbf16>
        %add3A_1001 = arith.constant 4 : i32
        %add3A_1002 = arith.addi %mul3A_960, %add3A_1001 : i32
        %get3A_1003 = arith.index_cast %add3A_1002 : i32 to index
        %get3A_1004 = arith.constant 0 : index
        %get3A_1005 = tpu.vector_load %arg10[%get3A_1003, %get3A_1004] {strides = array<i32>} : memref<200x64xbf16, #tpu.memory_space<vmem>>, vector<32xbf16>,
        %add3A_1006 = arith.addf %add3A_996, %get3A_1005 : vector<32xbf16>
        %get3A_1007 = arith.index_cast %add3A_1002 : i32 to index
        %get3A_1008 = arith.constant 32 : index
        %get3A_1009 = tpu.vector_load %arg10[%get3A_1007, %get3A_1008] {strides = array<i32>} : memref<200x64xbf16, #tpu.memory_space<vmem>>, vector<32xbf16>,
        %add3A_1010 = arith.addf %add3A_1000, %get3A_1009 : vector<32xbf16>
        %add3A_1011 = arith.constant 5 : i32
        %add3A_1012 = arith.addi %mul3A_960, %add3A_1011 : i32
        %get3A_1013 = arith.index_cast %add3A_1012 : i32 to index
        %get3A_1014 = arith.constant 0 : index
        %get3A_1015 = tpu.vector_load %arg10[%get3A_1013, %get3A_1014] {strides = array<i32>} : memref<200x64xbf16, #tpu.memory_space<vmem>>, vector<32xbf16>,
        %add3A_1016 = arith.addf %add3A_1006, %get3A_1015 : vector<32xbf16>
        %get3A_1017 = arith.index_cast %add3A_1012 : i32 to index
        %get3A_1018 = arith.constant 32 : index
        %get3A_1019 = tpu.vector_load %arg10[%get3A_1017, %get3A_1018] {strides = array<i32>} : memref<200x64xbf16, #tpu.memory_space<vmem>>, vector<32xbf16>,
        %add3A_1020 = arith.addf %add3A_1010, %get3A_1019 : vector<32xbf16>
        %add3A_1021 = arith.constant 6 : i32
        %add3A_1022 = arith.addi %mul3A_960, %add3A_1021 : i32
        %get3A_1023 = arith.index_cast %add3A_1022 : i32 to index
        %get3A_1024 = arith.constant 0 : index
        %get3A_1025 = tpu.vector_load %arg10[%get3A_1023, %get3A_1024] {strides = array<i32>} : memref<200x64xbf16, #tpu.memory_space<vmem>>, vector<32xbf16>,
        %add3A_1026 = arith.addf %add3A_1016, %get3A_1025 : vector<32xbf16>
        %get3A_1027 = arith.index_cast %add3A_1022 : i32 to index
        %get3A_1028 = arith.constant 32 : index
        %get3A_1029 = tpu.vector_load %arg10[%get3A_1027, %get3A_1028] {strides = array<i32>} : memref<200x64xbf16, #tpu.memory_space<vmem>>, vector<32xbf16>,
        %add3A_1030 = arith.addf %add3A_1020, %get3A_1029 : vector<32xbf16>
        %add3A_1031 = arith.constant 7 : i32
        %add3A_1032 = arith.addi %mul3A_960, %add3A_1031 : i32
        %get3A_1033 = arith.index_cast %add3A_1032 : i32 to index
        %get3A_1034 = arith.constant 0 : index
        %get3A_1035 = tpu.vector_load %arg10[%get3A_1033, %get3A_1034] {strides = array<i32>} : memref<200x64xbf16, #tpu.memory_space<vmem>>, vector<32xbf16>,
        %add3A_1036 = arith.addf %add3A_1026, %get3A_1035 : vector<32xbf16>
        %get3A_1037 = arith.index_cast %add3A_1032 : i32 to index
        %get3A_1038 = arith.constant 32 : index
        %get3A_1039 = tpu.vector_load %arg10[%get3A_1037, %get3A_1038] {strides = array<i32>} : memref<200x64xbf16, #tpu.memory_space<vmem>>, vector<32xbf16>,
        %add3A_1040 = arith.addf %add3A_1030, %get3A_1039 : vector<32xbf16>
        scf.yield %add3A_1036, %add3A_1040 : vector<32xbf16>, vector<32xbf16>
      }
      %scan3A_345 = arith.constant 25 : i32
      %broadcast_in_dim3A_346 = arith.constant 0.000000e+00 : bf16
      %broadcast_in_dim3A_347 = vector.broadcast %broadcast_in_dim3A_346 : bf16 to vector<32xbf16>
      %get3A_348 = arith.constant 0 : index
      %get3A_349 = tpu.vector_load %arg18[%get3A_348] {strides = array<i32>} : memref<64xbf16, #tpu.memory_space<vmem>>, vector<32xbf16>,
      %add3A_350 = arith.addf %scan3A_344#0, %get3A_349 : vector<32xbf16>
      %max3A_351 = arith.maximumf %add3A_350, %broadcast_in_dim3A_347 : vector<32xbf16>
      %get3A_352 = arith.constant 32 : index
      %get3A_353 = tpu.vector_load %arg18[%get3A_352] {strides = array<i32>} : memref<64xbf16, #tpu.memory_space<vmem>>, vector<32xbf16>,
      %add3A_354 = arith.addf %scan3A_344#1, %get3A_353 : vector<32xbf16>
      %max3A_355 = arith.maximumf %add3A_354, %broadcast_in_dim3A_347 : vector<32xbf16>
      %get3A_356 = arith.constant 0 : index
      %get3A_357 = tpu.vector_load %arg19[%get3A_356] {strides = array<i32>} : memref<64xbf16, #tpu.memory_space<vmem>>, vector<32xbf16>,
      %mul3A_358 = arith.mulf %max3A_351, %get3A_357 : vector<32xbf16>
      %get3A_359 = arith.constant 32 : index
      %get3A_360 = tpu.vector_load %arg19[%get3A_359] {strides = array<i32>} : memref<64xbf16, #tpu.memory_space<vmem>>, vector<32xbf16>,
      %mul3A_361 = arith.mulf %max3A_355, %get3A_360 : vector<32xbf16>
      %add3A_362 = arith.addf %mul3A_358, %mul3A_361 : vector<32xbf16>
      %unpack3A_363 = tpu.unpack_subelements %add3A_362, 0 {pack_format = #tpu.pack_format<interleaved>} : vector<32xbf16> -> vector<16xf32>
      %unpack3A_364 = tpu.unpack_subelements %add3A_362, 1 {pack_format = #tpu.pack_format<interleaved>} : vector<32xbf16> -> vector<16xf32>
      %add3A_365 = arith.addf %unpack3A_363, %unpack3A_364 : vector<16xf32>
      %reduce_sum3A_366 = arith.constant true
      %reduce_sum3A_367 = vector.broadcast %reduce_sum3A_366 : i1 to vector<16xi1>
      %reduce_sum3A_368 = tpu.scan <sum>, %add3A_365 masked %reduce_sum3A_367 : vector<16xf32>, vector<16xi1> -> vector<16xf32>
      %reduce_sum3A_369 = vector.extract %reduce_sum3A_368[15] : f32 from vector<16xf32>
      %iota3A_370 = tpu.iota {dimensions = array<i32: 0>} : vector<16xi32>
      %jit3A_371 = arith.constant 16 : i32
      %eq3A_372 = arith.constant 0 : i32
      %eq3A_373 = arith.cmpi eq, %jit3A_371, %eq3A_372 : i32
      %jit3A_374 = arith.constant 1 : i32
      %select_n3A_375 = arith.select %eq3A_373, %jit3A_374, %jit3A_371 : i32
      %rem3A_376 = arith.remsi %add3A_337, %select_n3A_375 : i32
      %ne3A_377 = arith.constant 0 : i32
      %ne3A_378 = arith.cmpi ne, %rem3A_376, %ne3A_377 : i32
      %lt3A_379 = arith.constant 0 : i32
      %lt3A_380 = arith.cmpi slt, %rem3A_376, %lt3A_379 : i32
      %lt3A_381 = arith.constant 0 : i32
      %lt3A_382 = arith.cmpi slt, %select_n3A_375, %lt3A_381 : i32
      %ne3A_383 = arith.xori %lt3A_380, %lt3A_382 : i1
      %and3A_384 = arith.andi %ne3A_383, %ne3A_378 : i1
      %add3A_385 = arith.addi %rem3A_376, %select_n3A_375 : i32
      %select_n3A_386 = arith.select %and3A_384, %add3A_385, %rem3A_376 : i32
      %eq3A_387 = vector.broadcast %select_n3A_386 : i32 to vector<16xi32>
      %eq3A_388 = arith.cmpi eq, %iota3A_370, %eq3A_387 : vector<16xi32>
      %broadcast_in_dim3A_389 = vector.broadcast %reduce_sum3A_369 : f32 to vector<16xf32>
      %select_n3A_390 = arith.select %eq3A_388, %broadcast_in_dim3A_389, %select_n3A_308 : vector<16xi1>, vector<16xf32>
      %lt3A_391 = arith.constant 512 : i32
      %lt3A_392 = arith.cmpi slt, %add3A_221, %lt3A_391 : i32
      %convert_element_type3A_393 = arith.extui %lt3A_392 : i1 to i32
      %cond3A_394 = arith.constant 0 : i32
      %cond3A_395 = arith.cmpi ne, %convert_element_type3A_393, %cond3A_394 : i32
      scf.if %cond3A_395 {
        %add3A_956 = arith.constant 1 : i32
        %add3A_957 = arith.addi %add3A_221, %add3A_956 : i32
        %jit3A_958 = arith.constant 16 : i32
        %div3A = arith.divsi %add3A_957, %jit3A_958 : i32
        %sign3A = arith.constant 0 : i32
        %sign3A_959 = arith.cmpi sgt, %add3A_957, %sign3A : i32
        %sign3A_960 = arith.extui %sign3A_959 : i1 to i32
        %sign3A_961 = arith.constant 0 : i32
        %sign3A_962 = arith.cmpi slt, %add3A_957, %sign3A_961 : i32
        %sign3A_963 = arith.extui %sign3A_962 : i1 to i32
        %sign3A_964 = arith.subi %sign3A_960, %sign3A_963 : i32
        %sign3A_965 = arith.constant 0 : i32
        %sign3A_966 = arith.cmpi sgt, %jit3A_958, %sign3A_965 : i32
        %sign3A_967 = arith.extui %sign3A_966 : i1 to i32
        %sign3A_968 = arith.constant 0 : i32
        %sign3A_969 = arith.cmpi slt, %jit3A_958, %sign3A_968 : i32
        %sign3A_970 = arith.extui %sign3A_969 : i1 to i32
        %sign3A_971 = arith.subi %sign3A_967, %sign3A_970 : i32
        %ne3A_972 = arith.cmpi ne, %sign3A_964, %sign3A_971 : i32
        %rem3A_973 = arith.remsi %add3A_957, %jit3A_958 : i32
        %ne3A_974 = arith.constant 0 : i32
        %ne3A_975 = arith.cmpi ne, %rem3A_973, %ne3A_974 : i32
        %and3A_976 = arith.andi %ne3A_972, %ne3A_975 : i1
        %sub3A = arith.constant 1 : i32
        %sub3A_977 = arith.subi %div3A, %sub3A : i32
        %select_n3A_978 = arith.select %and3A_976, %sub3A_977, %div3A : i32
        %jit3A_979 = arith.constant 2 : i32
        %eq3A_980 = arith.constant 0 : i32
        %eq3A_981 = arith.cmpi eq, %jit3A_979, %eq3A_980 : i32
        %jit3A_982 = arith.constant 1 : i32
        %select_n3A_983 = arith.select %eq3A_981, %jit3A_982, %jit3A_979 : i32
        %rem3A_984 = arith.remsi %select_n3A_978, %select_n3A_983 : i32
        %ne3A_985 = arith.constant 0 : i32
        %ne3A_986 = arith.cmpi ne, %rem3A_984, %ne3A_985 : i32
        %lt3A_987 = arith.constant 0 : i32
        %lt3A_988 = arith.cmpi slt, %rem3A_984, %lt3A_987 : i32
        %lt3A_989 = arith.constant 0 : i32
        %lt3A_990 = arith.cmpi slt, %select_n3A_983, %lt3A_989 : i32
        %ne3A_991 = arith.xori %lt3A_988, %lt3A_990 : i1
        %and3A_992 = arith.andi %ne3A_991, %ne3A_986 : i1
        %add3A_993 = arith.addi %rem3A_984, %select_n3A_983 : i32
        %select_n3A_994 = arith.select %and3A_992, %add3A_993, %rem3A_984 : i32
        %jit3A_995 = arith.constant 16 : i32
        %eq3A_996 = arith.constant 0 : i32
        %eq3A_997 = arith.cmpi eq, %jit3A_995, %eq3A_996 : i32
        %jit3A_998 = arith.constant 1 : i32
        %select_n3A_999 = arith.select %eq3A_997, %jit3A_998, %jit3A_995 : i32
        %rem3A_1000 = arith.remsi %add3A_957, %select_n3A_999 : i32
        %ne3A_1001 = arith.constant 0 : i32
        %ne3A_1002 = arith.cmpi ne, %rem3A_1000, %ne3A_1001 : i32
        %lt3A_1003 = arith.constant 0 : i32
        %lt3A_1004 = arith.cmpi slt, %rem3A_1000, %lt3A_1003 : i32
        %lt3A_1005 = arith.constant 0 : i32
        %lt3A_1006 = arith.cmpi slt, %select_n3A_999, %lt3A_1005 : i32
        %ne3A_1007 = arith.xori %lt3A_1004, %lt3A_1006 : i1
        %and3A_1008 = arith.andi %ne3A_1007, %ne3A_1002 : i1
        %add3A_1009 = arith.addi %rem3A_1000, %select_n3A_999 : i32
        %select_n3A_1010 = arith.select %and3A_1008, %add3A_1009, %rem3A_1000 : i32
        %dma_start3A_1011 = arith.constant 0 : i32
        %dma_start3A_1012 = arith.constant 0 : i32
        %dma_start3A_1013 = tpu.memref_slice %arg10[%dma_start3A_1011, %dma_start3A_1012] : memref<200x64xbf16, #tpu.memory_space<vmem>> -> memref<104x64xbf16, #tpu.memory_space<vmem>>
        %dma_start3A_1014 = arith.constant 0 : i32
        %dma_start3A_1015 = tpu.memref_slice %arg8[%select_n3A_994, %select_n3A_1010, %dma_start3A_1014] : memref<2x16x200xi32, #tpu.memory_space<vmem>> -> memref<1x1x104xi32, #tpu.memory_space<vmem>>
        %dma_start3A_1016 = tpu.memref_squeeze %dma_start3A_1015 : memref<1x1x104xi32, #tpu.memory_space<vmem>> -> memref<104xi32, #tpu.memory_space<vmem>>
        %dma_start3A_1017 = arith.constant 0 : i32
        %dma_start3A_1018 = arith.constant 0 : i32
        %dma_start3A_1019 = tpu.memref_slice %arg3[%dma_start3A_1017, %dma_start3A_1018] : memref<100000x64xbf16, #tpu.memory_space<hbm>> -> memref<100000x64xbf16, #tpu.memory_space<hbm>>
        tpu.enqueue_indirect_dma source(%dma_start3A_1019 : memref<100000x64xbf16, #tpu.memory_space<hbm>>) target(%dma_start3A_1013 : memref<104x64xbf16, #tpu.memory_space<vmem>>) offsets(%dma_start3A_1016 : memref<104xi32, #tpu.memory_space<vmem>>) semaphore(%arg22 : memref<!tpu.dma_semaphore, #tpu.memory_space<semaphore_mem>>)
        %dma_start3A_1020 = arith.constant 104 : i32
        %dma_start3A_1021 = arith.constant 0 : i32
        %dma_start3A_1022 = tpu.memref_slice %arg10[%dma_start3A_1020, %dma_start3A_1021] : memref<200x64xbf16, #tpu.memory_space<vmem>> -> memref<96x64xbf16, #tpu.memory_space<vmem>>
        %dma_start3A_1023 = arith.constant 104 : i32
        %dma_start3A_1024 = tpu.memref_slice %arg8[%select_n3A_994, %select_n3A_1010, %dma_start3A_1023] : memref<2x16x200xi32, #tpu.memory_space<vmem>> -> memref<1x1x96xi32, #tpu.memory_space<vmem>>
        %dma_start3A_1025 = tpu.memref_squeeze %dma_start3A_1024 : memref<1x1x96xi32, #tpu.memory_space<vmem>> -> memref<96xi32, #tpu.memory_space<vmem>>
        %dma_start3A_1026 = arith.constant 0 : i32
        %dma_start3A_1027 = arith.constant 0 : i32
        %dma_start3A_1028 = tpu.memref_slice %arg3[%dma_start3A_1026, %dma_start3A_1027] : memref<100000x64xbf16, #tpu.memory_space<hbm>> -> memref<100000x64xbf16, #tpu.memory_space<hbm>>
        tpu.enqueue_indirect_dma source(%dma_start3A_1028 : memref<100000x64xbf16, #tpu.memory_space<hbm>>) target(%dma_start3A_1022 : memref<96x64xbf16, #tpu.memory_space<vmem>>) offsets(%dma_start3A_1025 : memref<96xi32, #tpu.memory_space<vmem>>) semaphore(%arg22 : memref<!tpu.dma_semaphore, #tpu.memory_space<semaphore_mem>>)
      } else {
      }
      %dma_wait3A_396 = arith.constant 0 : i32
      %dma_wait3A_397 = arith.constant 0 : i32
      %dma_wait3A_398 = arith.constant 0 : i32
      %dma_wait3A_399 = arith.constant 0 : i32
      %dma_wait3A_400 = tpu.memref_slice %arg11[%dma_wait3A_398, %dma_wait3A_399] : memref<200x64xbf16, #tpu.memory_space<vmem>> -> memref<104x64xbf16, #tpu.memory_space<vmem>>
      %dma_wait3A_401 = arith.constant 0 : i32
      %dma_wait3A_402 = tpu.memref_slice %arg8[%dma_wait3A_396, %dma_wait3A_397, %dma_wait3A_401] : memref<2x16x200xi32, #tpu.memory_space<vmem>> -> memref<1x1x104xi32, #tpu.memory_space<vmem>>
      %dma_wait3A_403 = tpu.memref_squeeze %dma_wait3A_402 : memref<1x1x104xi32, #tpu.memory_space<vmem>> -> memref<104xi32, #tpu.memory_space<vmem>>
      %dma_wait3A_404 = arith.constant 0 : i32
      %dma_wait3A_405 = arith.constant 0 : i32
      %dma_wait3A_406 = tpu.memref_slice %arg3[%dma_wait3A_404, %dma_wait3A_405] : memref<100000x64xbf16, #tpu.memory_space<hbm>> -> memref<100000x64xbf16, #tpu.memory_space<hbm>>
      tpu.wait_indirect_dma semaphore(%arg23 : memref<!tpu.dma_semaphore, #tpu.memory_space<semaphore_mem>>) src(%dma_wait3A_406 : memref<100000x64xbf16, #tpu.memory_space<hbm>>) dst(%dma_wait3A_400 : memref<104x64xbf16, #tpu.memory_space<vmem>>)
      %dma_wait3A_407 = arith.constant 0 : i32
      %dma_wait3A_408 = arith.constant 0 : i32
      %dma_wait3A_409 = arith.constant 104 : i32
      %dma_wait3A_410 = arith.constant 0 : i32
      %dma_wait3A_411 = tpu.memref_slice %arg11[%dma_wait3A_409, %dma_wait3A_410] : memref<200x64xbf16, #tpu.memory_space<vmem>> -> memref<96x64xbf16, #tpu.memory_space<vmem>>
      %dma_wait3A_412 = arith.constant 0 : i32
      %dma_wait3A_413 = tpu.memref_slice %arg8[%dma_wait3A_407, %dma_wait3A_408, %dma_wait3A_412] : memref<2x16x200xi32, #tpu.memory_space<vmem>> -> memref<1x1x96xi32, #tpu.memory_space<vmem>>
      %dma_wait3A_414 = tpu.memref_squeeze %dma_wait3A_413 : memref<1x1x96xi32, #tpu.memory_space<vmem>> -> memref<96xi32, #tpu.memory_space<vmem>>
      %dma_wait3A_415 = arith.constant 0 : i32
      %dma_wait3A_416 = arith.constant 0 : i32
      %dma_wait3A_417 = tpu.memref_slice %arg3[%dma_wait3A_415, %dma_wait3A_416] : memref<100000x64xbf16, #tpu.memory_space<hbm>> -> memref<100000x64xbf16, #tpu.memory_space<hbm>>
      tpu.wait_indirect_dma semaphore(%arg23 : memref<!tpu.dma_semaphore, #tpu.memory_space<semaphore_mem>>) src(%dma_wait3A_417 : memref<100000x64xbf16, #tpu.memory_space<hbm>>) dst(%dma_wait3A_411 : memref<96x64xbf16, #tpu.memory_space<vmem>>)
      %add3A_418 = arith.constant 2 : i32
      %add3A_419 = arith.addi %mul3A_219, %add3A_418 : i32
      %broadcast_in_dim3A_420 = arith.constant 0.000000e+00 : bf16
      %broadcast_in_dim3A_421 = vector.broadcast %broadcast_in_dim3A_420 : bf16 to vector<32xbf16>
      %scan3A_422 = arith.constant 0 : i32
      %scan3A_423 = arith.constant 25 : i32
      %scan3A_424 = arith.addi %scan3A_422, %scan3A_423 : i32
      %scan3A_425 = arith.constant 1 : i32
      %scan3A_426:2 = scf.for %scan3A_956 = %scan3A_422 to %scan3A_424 step %scan3A_425 iter_args(%scan3A_957 = %broadcast_in_dim3A_421, %scan3A_958 = %broadcast_in_dim3A_421) -> (vector<32xbf16>, vector<32xbf16>)  : i32 {
        %mul3A_959 = arith.constant 8 : i32
        %mul3A_960 = arith.muli %scan3A_956, %mul3A_959 : i32
        %add3A_961 = arith.constant 0 : i32
        %add3A_962 = arith.addi %mul3A_960, %add3A_961 : i32
        %get3A_963 = arith.index_cast %add3A_962 : i32 to index
        %get3A_964 = arith.constant 0 : index
        %get3A_965 = tpu.vector_load %arg11[%get3A_963, %get3A_964] {strides = array<i32>} : memref<200x64xbf16, #tpu.memory_space<vmem>>, vector<32xbf16>,
        %add3A_966 = arith.addf %scan3A_957, %get3A_965 : vector<32xbf16>
        %get3A_967 = arith.index_cast %add3A_962 : i32 to index
        %get3A_968 = arith.constant 32 : index
        %get3A_969 = tpu.vector_load %arg11[%get3A_967, %get3A_968] {strides = array<i32>} : memref<200x64xbf16, #tpu.memory_space<vmem>>, vector<32xbf16>,
        %add3A_970 = arith.addf %scan3A_958, %get3A_969 : vector<32xbf16>
        %add3A_971 = arith.constant 1 : i32
        %add3A_972 = arith.addi %mul3A_960, %add3A_971 : i32
        %get3A_973 = arith.index_cast %add3A_972 : i32 to index
        %get3A_974 = arith.constant 0 : index
        %get3A_975 = tpu.vector_load %arg11[%get3A_973, %get3A_974] {strides = array<i32>} : memref<200x64xbf16, #tpu.memory_space<vmem>>, vector<32xbf16>,
        %add3A_976 = arith.addf %add3A_966, %get3A_975 : vector<32xbf16>
        %get3A_977 = arith.index_cast %add3A_972 : i32 to index
        %get3A_978 = arith.constant 32 : index
        %get3A_979 = tpu.vector_load %arg11[%get3A_977, %get3A_978] {strides = array<i32>} : memref<200x64xbf16, #tpu.memory_space<vmem>>, vector<32xbf16>,
        %add3A_980 = arith.addf %add3A_970, %get3A_979 : vector<32xbf16>
        %add3A_981 = arith.constant 2 : i32
        %add3A_982 = arith.addi %mul3A_960, %add3A_981 : i32
        %get3A_983 = arith.index_cast %add3A_982 : i32 to index
        %get3A_984 = arith.constant 0 : index
        %get3A_985 = tpu.vector_load %arg11[%get3A_983, %get3A_984] {strides = array<i32>} : memref<200x64xbf16, #tpu.memory_space<vmem>>, vector<32xbf16>,
        %add3A_986 = arith.addf %add3A_976, %get3A_985 : vector<32xbf16>
        %get3A_987 = arith.index_cast %add3A_982 : i32 to index
        %get3A_988 = arith.constant 32 : index
        %get3A_989 = tpu.vector_load %arg11[%get3A_987, %get3A_988] {strides = array<i32>} : memref<200x64xbf16, #tpu.memory_space<vmem>>, vector<32xbf16>,
        %add3A_990 = arith.addf %add3A_980, %get3A_989 : vector<32xbf16>
        %add3A_991 = arith.constant 3 : i32
        %add3A_992 = arith.addi %mul3A_960, %add3A_991 : i32
        %get3A_993 = arith.index_cast %add3A_992 : i32 to index
        %get3A_994 = arith.constant 0 : index
        %get3A_995 = tpu.vector_load %arg11[%get3A_993, %get3A_994] {strides = array<i32>} : memref<200x64xbf16, #tpu.memory_space<vmem>>, vector<32xbf16>,
        %add3A_996 = arith.addf %add3A_986, %get3A_995 : vector<32xbf16>
        %get3A_997 = arith.index_cast %add3A_992 : i32 to index
        %get3A_998 = arith.constant 32 : index
        %get3A_999 = tpu.vector_load %arg11[%get3A_997, %get3A_998] {strides = array<i32>} : memref<200x64xbf16, #tpu.memory_space<vmem>>, vector<32xbf16>,
        %add3A_1000 = arith.addf %add3A_990, %get3A_999 : vector<32xbf16>
        %add3A_1001 = arith.constant 4 : i32
        %add3A_1002 = arith.addi %mul3A_960, %add3A_1001 : i32
        %get3A_1003 = arith.index_cast %add3A_1002 : i32 to index
        %get3A_1004 = arith.constant 0 : index
        %get3A_1005 = tpu.vector_load %arg11[%get3A_1003, %get3A_1004] {strides = array<i32>} : memref<200x64xbf16, #tpu.memory_space<vmem>>, vector<32xbf16>,
        %add3A_1006 = arith.addf %add3A_996, %get3A_1005 : vector<32xbf16>
        %get3A_1007 = arith.index_cast %add3A_1002 : i32 to index
        %get3A_1008 = arith.constant 32 : index
        %get3A_1009 = tpu.vector_load %arg11[%get3A_1007, %get3A_1008] {strides = array<i32>} : memref<200x64xbf16, #tpu.memory_space<vmem>>, vector<32xbf16>,
        %add3A_1010 = arith.addf %add3A_1000, %get3A_1009 : vector<32xbf16>
        %add3A_1011 = arith.constant 5 : i32
        %add3A_1012 = arith.addi %mul3A_960, %add3A_1011 : i32
        %get3A_1013 = arith.index_cast %add3A_1012 : i32 to index
        %get3A_1014 = arith.constant 0 : index
        %get3A_1015 = tpu.vector_load %arg11[%get3A_1013, %get3A_1014] {strides = array<i32>} : memref<200x64xbf16, #tpu.memory_space<vmem>>, vector<32xbf16>,
        %add3A_1016 = arith.addf %add3A_1006, %get3A_1015 : vector<32xbf16>
        %get3A_1017 = arith.index_cast %add3A_1012 : i32 to index
        %get3A_1018 = arith.constant 32 : index
        %get3A_1019 = tpu.vector_load %arg11[%get3A_1017, %get3A_1018] {strides = array<i32>} : memref<200x64xbf16, #tpu.memory_space<vmem>>, vector<32xbf16>,
        %add3A_1020 = arith.addf %add3A_1010, %get3A_1019 : vector<32xbf16>
        %add3A_1021 = arith.constant 6 : i32
        %add3A_1022 = arith.addi %mul3A_960, %add3A_1021 : i32
        %get3A_1023 = arith.index_cast %add3A_1022 : i32 to index
        %get3A_1024 = arith.constant 0 : index
        %get3A_1025 = tpu.vector_load %arg11[%get3A_1023, %get3A_1024] {strides = array<i32>} : memref<200x64xbf16, #tpu.memory_space<vmem>>, vector<32xbf16>,
        %add3A_1026 = arith.addf %add3A_1016, %get3A_1025 : vector<32xbf16>
        %get3A_1027 = arith.index_cast %add3A_1022 : i32 to index
        %get3A_1028 = arith.constant 32 : index
        %get3A_1029 = tpu.vector_load %arg11[%get3A_1027, %get3A_1028] {strides = array<i32>} : memref<200x64xbf16, #tpu.memory_space<vmem>>, vector<32xbf16>,
        %add3A_1030 = arith.addf %add3A_1020, %get3A_1029 : vector<32xbf16>
        %add3A_1031 = arith.constant 7 : i32
        %add3A_1032 = arith.addi %mul3A_960, %add3A_1031 : i32
        %get3A_1033 = arith.index_cast %add3A_1032 : i32 to index
        %get3A_1034 = arith.constant 0 : index
        %get3A_1035 = tpu.vector_load %arg11[%get3A_1033, %get3A_1034] {strides = array<i32>} : memref<200x64xbf16, #tpu.memory_space<vmem>>, vector<32xbf16>,
        %add3A_1036 = arith.addf %add3A_1026, %get3A_1035 : vector<32xbf16>
        %get3A_1037 = arith.index_cast %add3A_1032 : i32 to index
        %get3A_1038 = arith.constant 32 : index
        %get3A_1039 = tpu.vector_load %arg11[%get3A_1037, %get3A_1038] {strides = array<i32>} : memref<200x64xbf16, #tpu.memory_space<vmem>>, vector<32xbf16>,
        %add3A_1040 = arith.addf %add3A_1030, %get3A_1039 : vector<32xbf16>
        scf.yield %add3A_1036, %add3A_1040 : vector<32xbf16>, vector<32xbf16>
      }
      %scan3A_427 = arith.constant 25 : i32
      %broadcast_in_dim3A_428 = arith.constant 0.000000e+00 : bf16
      %broadcast_in_dim3A_429 = vector.broadcast %broadcast_in_dim3A_428 : bf16 to vector<32xbf16>
      %get3A_430 = arith.constant 0 : index
      %get3A_431 = tpu.vector_load %arg18[%get3A_430] {strides = array<i32>} : memref<64xbf16, #tpu.memory_space<vmem>>, vector<32xbf16>,
      %add3A_432 = arith.addf %scan3A_426#0, %get3A_431 : vector<32xbf16>
      %max3A_433 = arith.maximumf %add3A_432, %broadcast_in_dim3A_429 : vector<32xbf16>
      %get3A_434 = arith.constant 32 : index
      %get3A_435 = tpu.vector_load %arg18[%get3A_434] {strides = array<i32>} : memref<64xbf16, #tpu.memory_space<vmem>>, vector<32xbf16>,
      %add3A_436 = arith.addf %scan3A_426#1, %get3A_435 : vector<32xbf16>
      %max3A_437 = arith.maximumf %add3A_436, %broadcast_in_dim3A_429 : vector<32xbf16>
      %get3A_438 = arith.constant 0 : index
      %get3A_439 = tpu.vector_load %arg19[%get3A_438] {strides = array<i32>} : memref<64xbf16, #tpu.memory_space<vmem>>, vector<32xbf16>,
      %mul3A_440 = arith.mulf %max3A_433, %get3A_439 : vector<32xbf16>
      %get3A_441 = arith.constant 32 : index
      %get3A_442 = tpu.vector_load %arg19[%get3A_441] {strides = array<i32>} : memref<64xbf16, #tpu.memory_space<vmem>>, vector<32xbf16>,
      %mul3A_443 = arith.mulf %max3A_437, %get3A_442 : vector<32xbf16>
      %add3A_444 = arith.addf %mul3A_440, %mul3A_443 : vector<32xbf16>
      %unpack3A_445 = tpu.unpack_subelements %add3A_444, 0 {pack_format = #tpu.pack_format<interleaved>} : vector<32xbf16> -> vector<16xf32>
      %unpack3A_446 = tpu.unpack_subelements %add3A_444, 1 {pack_format = #tpu.pack_format<interleaved>} : vector<32xbf16> -> vector<16xf32>
      %add3A_447 = arith.addf %unpack3A_445, %unpack3A_446 : vector<16xf32>
      %reduce_sum3A_448 = arith.constant true
      %reduce_sum3A_449 = vector.broadcast %reduce_sum3A_448 : i1 to vector<16xi1>
      %reduce_sum3A_450 = tpu.scan <sum>, %add3A_447 masked %reduce_sum3A_449 : vector<16xf32>, vector<16xi1> -> vector<16xf32>
      %reduce_sum3A_451 = vector.extract %reduce_sum3A_450[15] : f32 from vector<16xf32>
      %iota3A_452 = tpu.iota {dimensions = array<i32: 0>} : vector<16xi32>
      %jit3A_453 = arith.constant 16 : i32
      %eq3A_454 = arith.constant 0 : i32
      %eq3A_455 = arith.cmpi eq, %jit3A_453, %eq3A_454 : i32
      %jit3A_456 = arith.constant 1 : i32
      %select_n3A_457 = arith.select %eq3A_455, %jit3A_456, %jit3A_453 : i32
      %rem3A_458 = arith.remsi %add3A_419, %select_n3A_457 : i32
      %ne3A_459 = arith.constant 0 : i32
      %ne3A_460 = arith.cmpi ne, %rem3A_458, %ne3A_459 : i32
      %lt3A_461 = arith.constant 0 : i32
      %lt3A_462 = arith.cmpi slt, %rem3A_458, %lt3A_461 : i32
      %lt3A_463 = arith.constant 0 : i32
      %lt3A_464 = arith.cmpi slt, %select_n3A_457, %lt3A_463 : i32
      %ne3A_465 = arith.xori %lt3A_462, %lt3A_464 : i1
      %and3A_466 = arith.andi %ne3A_465, %ne3A_460 : i1
      %add3A_467 = arith.addi %rem3A_458, %select_n3A_457 : i32
      %select_n3A_468 = arith.select %and3A_466, %add3A_467, %rem3A_458 : i32
      %eq3A_469 = vector.broadcast %select_n3A_468 : i32 to vector<16xi32>
      %eq3A_470 = arith.cmpi eq, %iota3A_452, %eq3A_469 : vector<16xi32>
      %broadcast_in_dim3A_471 = vector.broadcast %reduce_sum3A_451 : f32 to vector<16xf32>
      %select_n3A_472 = arith.select %eq3A_470, %broadcast_in_dim3A_471, %select_n3A_390 : vector<16xi1>, vector<16xf32>
      %lt3A_473 = arith.constant 512 : i32
      %lt3A_474 = arith.cmpi slt, %add3A_221, %lt3A_473 : i32
      %convert_element_type3A_475 = arith.extui %lt3A_474 : i1 to i32
      %cond3A_476 = arith.constant 0 : i32
      %cond3A_477 = arith.cmpi ne, %convert_element_type3A_475, %cond3A_476 : i32
      scf.if %cond3A_477 {
        %add3A_956 = arith.constant 2 : i32
        %add3A_957 = arith.addi %add3A_221, %add3A_956 : i32
        %jit3A_958 = arith.constant 16 : i32
        %div3A = arith.divsi %add3A_957, %jit3A_958 : i32
        %sign3A = arith.constant 0 : i32
        %sign3A_959 = arith.cmpi sgt, %add3A_957, %sign3A : i32
        %sign3A_960 = arith.extui %sign3A_959 : i1 to i32
        %sign3A_961 = arith.constant 0 : i32
        %sign3A_962 = arith.cmpi slt, %add3A_957, %sign3A_961 : i32
        %sign3A_963 = arith.extui %sign3A_962 : i1 to i32
        %sign3A_964 = arith.subi %sign3A_960, %sign3A_963 : i32
        %sign3A_965 = arith.constant 0 : i32
        %sign3A_966 = arith.cmpi sgt, %jit3A_958, %sign3A_965 : i32
        %sign3A_967 = arith.extui %sign3A_966 : i1 to i32
        %sign3A_968 = arith.constant 0 : i32
        %sign3A_969 = arith.cmpi slt, %jit3A_958, %sign3A_968 : i32
        %sign3A_970 = arith.extui %sign3A_969 : i1 to i32
        %sign3A_971 = arith.subi %sign3A_967, %sign3A_970 : i32
        %ne3A_972 = arith.cmpi ne, %sign3A_964, %sign3A_971 : i32
        %rem3A_973 = arith.remsi %add3A_957, %jit3A_958 : i32
        %ne3A_974 = arith.constant 0 : i32
        %ne3A_975 = arith.cmpi ne, %rem3A_973, %ne3A_974 : i32
        %and3A_976 = arith.andi %ne3A_972, %ne3A_975 : i1
        %sub3A = arith.constant 1 : i32
        %sub3A_977 = arith.subi %div3A, %sub3A : i32
        %select_n3A_978 = arith.select %and3A_976, %sub3A_977, %div3A : i32
        %jit3A_979 = arith.constant 2 : i32
        %eq3A_980 = arith.constant 0 : i32
        %eq3A_981 = arith.cmpi eq, %jit3A_979, %eq3A_980 : i32
        %jit3A_982 = arith.constant 1 : i32
        %select_n3A_983 = arith.select %eq3A_981, %jit3A_982, %jit3A_979 : i32
        %rem3A_984 = arith.remsi %select_n3A_978, %select_n3A_983 : i32
        %ne3A_985 = arith.constant 0 : i32
        %ne3A_986 = arith.cmpi ne, %rem3A_984, %ne3A_985 : i32
        %lt3A_987 = arith.constant 0 : i32
        %lt3A_988 = arith.cmpi slt, %rem3A_984, %lt3A_987 : i32
        %lt3A_989 = arith.constant 0 : i32
        %lt3A_990 = arith.cmpi slt, %select_n3A_983, %lt3A_989 : i32
        %ne3A_991 = arith.xori %lt3A_988, %lt3A_990 : i1
        %and3A_992 = arith.andi %ne3A_991, %ne3A_986 : i1
        %add3A_993 = arith.addi %rem3A_984, %select_n3A_983 : i32
        %select_n3A_994 = arith.select %and3A_992, %add3A_993, %rem3A_984 : i32
        %jit3A_995 = arith.constant 16 : i32
        %eq3A_996 = arith.constant 0 : i32
        %eq3A_997 = arith.cmpi eq, %jit3A_995, %eq3A_996 : i32
        %jit3A_998 = arith.constant 1 : i32
        %select_n3A_999 = arith.select %eq3A_997, %jit3A_998, %jit3A_995 : i32
        %rem3A_1000 = arith.remsi %add3A_957, %select_n3A_999 : i32
        %ne3A_1001 = arith.constant 0 : i32
        %ne3A_1002 = arith.cmpi ne, %rem3A_1000, %ne3A_1001 : i32
        %lt3A_1003 = arith.constant 0 : i32
        %lt3A_1004 = arith.cmpi slt, %rem3A_1000, %lt3A_1003 : i32
        %lt3A_1005 = arith.constant 0 : i32
        %lt3A_1006 = arith.cmpi slt, %select_n3A_999, %lt3A_1005 : i32
        %ne3A_1007 = arith.xori %lt3A_1004, %lt3A_1006 : i1
        %and3A_1008 = arith.andi %ne3A_1007, %ne3A_1002 : i1
        %add3A_1009 = arith.addi %rem3A_1000, %select_n3A_999 : i32
        %select_n3A_1010 = arith.select %and3A_1008, %add3A_1009, %rem3A_1000 : i32
        %dma_start3A_1011 = arith.constant 0 : i32
        %dma_start3A_1012 = arith.constant 0 : i32
        %dma_start3A_1013 = tpu.memref_slice %arg11[%dma_start3A_1011, %dma_start3A_1012] : memref<200x64xbf16, #tpu.memory_space<vmem>> -> memref<104x64xbf16, #tpu.memory_space<vmem>>
        %dma_start3A_1014 = arith.constant 0 : i32
        %dma_start3A_1015 = tpu.memref_slice %arg8[%select_n3A_994, %select_n3A_1010, %dma_start3A_1014] : memref<2x16x200xi32, #tpu.memory_space<vmem>> -> memref<1x1x104xi32, #tpu.memory_space<vmem>>
        %dma_start3A_1016 = tpu.memref_squeeze %dma_start3A_1015 : memref<1x1x104xi32, #tpu.memory_space<vmem>> -> memref<104xi32, #tpu.memory_space<vmem>>
        %dma_start3A_1017 = arith.constant 0 : i32
        %dma_start3A_1018 = arith.constant 0 : i32
        %dma_start3A_1019 = tpu.memref_slice %arg3[%dma_start3A_1017, %dma_start3A_1018] : memref<100000x64xbf16, #tpu.memory_space<hbm>> -> memref<100000x64xbf16, #tpu.memory_space<hbm>>
        tpu.enqueue_indirect_dma source(%dma_start3A_1019 : memref<100000x64xbf16, #tpu.memory_space<hbm>>) target(%dma_start3A_1013 : memref<104x64xbf16, #tpu.memory_space<vmem>>) offsets(%dma_start3A_1016 : memref<104xi32, #tpu.memory_space<vmem>>) semaphore(%arg23 : memref<!tpu.dma_semaphore, #tpu.memory_space<semaphore_mem>>)
        %dma_start3A_1020 = arith.constant 104 : i32
        %dma_start3A_1021 = arith.constant 0 : i32
        %dma_start3A_1022 = tpu.memref_slice %arg11[%dma_start3A_1020, %dma_start3A_1021] : memref<200x64xbf16, #tpu.memory_space<vmem>> -> memref<96x64xbf16, #tpu.memory_space<vmem>>
        %dma_start3A_1023 = arith.constant 104 : i32
        %dma_start3A_1024 = tpu.memref_slice %arg8[%select_n3A_994, %select_n3A_1010, %dma_start3A_1023] : memref<2x16x200xi32, #tpu.memory_space<vmem>> -> memref<1x1x96xi32, #tpu.memory_space<vmem>>
        %dma_start3A_1025 = tpu.memref_squeeze %dma_start3A_1024 : memref<1x1x96xi32, #tpu.memory_space<vmem>> -> memref<96xi32, #tpu.memory_space<vmem>>
        %dma_start3A_1026 = arith.constant 0 : i32
        %dma_start3A_1027 = arith.constant 0 : i32
        %dma_start3A_1028 = tpu.memref_slice %arg3[%dma_start3A_1026, %dma_start3A_1027] : memref<100000x64xbf16, #tpu.memory_space<hbm>> -> memref<100000x64xbf16, #tpu.memory_space<hbm>>
        tpu.enqueue_indirect_dma source(%dma_start3A_1028 : memref<100000x64xbf16, #tpu.memory_space<hbm>>) target(%dma_start3A_1022 : memref<96x64xbf16, #tpu.memory_space<vmem>>) offsets(%dma_start3A_1025 : memref<96xi32, #tpu.memory_space<vmem>>) semaphore(%arg23 : memref<!tpu.dma_semaphore, #tpu.memory_space<semaphore_mem>>)
      } else {
      }
      %dma_wait3A_478 = arith.constant 0 : i32
      %dma_wait3A_479 = arith.constant 0 : i32
      %dma_wait3A_480 = arith.constant 0 : i32
      %dma_wait3A_481 = arith.constant 0 : i32
      %dma_wait3A_482 = tpu.memref_slice %arg12[%dma_wait3A_480, %dma_wait3A_481] : memref<200x64xbf16, #tpu.memory_space<vmem>> -> memref<104x64xbf16, #tpu.memory_space<vmem>>
      %dma_wait3A_483 = arith.constant 0 : i32
      %dma_wait3A_484 = tpu.memref_slice %arg8[%dma_wait3A_478, %dma_wait3A_479, %dma_wait3A_483] : memref<2x16x200xi32, #tpu.memory_space<vmem>> -> memref<1x1x104xi32, #tpu.memory_space<vmem>>
      %dma_wait3A_485 = tpu.memref_squeeze %dma_wait3A_484 : memref<1x1x104xi32, #tpu.memory_space<vmem>> -> memref<104xi32, #tpu.memory_space<vmem>>
      %dma_wait3A_486 = arith.constant 0 : i32
      %dma_wait3A_487 = arith.constant 0 : i32
      %dma_wait3A_488 = tpu.memref_slice %arg3[%dma_wait3A_486, %dma_wait3A_487] : memref<100000x64xbf16, #tpu.memory_space<hbm>> -> memref<100000x64xbf16, #tpu.memory_space<hbm>>
      tpu.wait_indirect_dma semaphore(%arg24 : memref<!tpu.dma_semaphore, #tpu.memory_space<semaphore_mem>>) src(%dma_wait3A_488 : memref<100000x64xbf16, #tpu.memory_space<hbm>>) dst(%dma_wait3A_482 : memref<104x64xbf16, #tpu.memory_space<vmem>>)
      %dma_wait3A_489 = arith.constant 0 : i32
      %dma_wait3A_490 = arith.constant 0 : i32
      %dma_wait3A_491 = arith.constant 104 : i32
      %dma_wait3A_492 = arith.constant 0 : i32
      %dma_wait3A_493 = tpu.memref_slice %arg12[%dma_wait3A_491, %dma_wait3A_492] : memref<200x64xbf16, #tpu.memory_space<vmem>> -> memref<96x64xbf16, #tpu.memory_space<vmem>>
      %dma_wait3A_494 = arith.constant 0 : i32
      %dma_wait3A_495 = tpu.memref_slice %arg8[%dma_wait3A_489, %dma_wait3A_490, %dma_wait3A_494] : memref<2x16x200xi32, #tpu.memory_space<vmem>> -> memref<1x1x96xi32, #tpu.memory_space<vmem>>
      %dma_wait3A_496 = tpu.memref_squeeze %dma_wait3A_495 : memref<1x1x96xi32, #tpu.memory_space<vmem>> -> memref<96xi32, #tpu.memory_space<vmem>>
      %dma_wait3A_497 = arith.constant 0 : i32
      %dma_wait3A_498 = arith.constant 0 : i32
      %dma_wait3A_499 = tpu.memref_slice %arg3[%dma_wait3A_497, %dma_wait3A_498] : memref<100000x64xbf16, #tpu.memory_space<hbm>> -> memref<100000x64xbf16, #tpu.memory_space<hbm>>
      tpu.wait_indirect_dma semaphore(%arg24 : memref<!tpu.dma_semaphore, #tpu.memory_space<semaphore_mem>>) src(%dma_wait3A_499 : memref<100000x64xbf16, #tpu.memory_space<hbm>>) dst(%dma_wait3A_493 : memref<96x64xbf16, #tpu.memory_space<vmem>>)
      %add3A_500 = arith.constant 3 : i32
      %add3A_501 = arith.addi %mul3A_219, %add3A_500 : i32
      %broadcast_in_dim3A_502 = arith.constant 0.000000e+00 : bf16
      %broadcast_in_dim3A_503 = vector.broadcast %broadcast_in_dim3A_502 : bf16 to vector<32xbf16>
      %scan3A_504 = arith.constant 0 : i32
      %scan3A_505 = arith.constant 25 : i32
      %scan3A_506 = arith.addi %scan3A_504, %scan3A_505 : i32
      %scan3A_507 = arith.constant 1 : i32
      %scan3A_508:2 = scf.for %scan3A_956 = %scan3A_504 to %scan3A_506 step %scan3A_507 iter_args(%scan3A_957 = %broadcast_in_dim3A_503, %scan3A_958 = %broadcast_in_dim3A_503) -> (vector<32xbf16>, vector<32xbf16>)  : i32 {
        %mul3A_959 = arith.constant 8 : i32
        %mul3A_960 = arith.muli %scan3A_956, %mul3A_959 : i32
        %add3A_961 = arith.constant 0 : i32
        %add3A_962 = arith.addi %mul3A_960, %add3A_961 : i32
        %get3A_963 = arith.index_cast %add3A_962 : i32 to index
        %get3A_964 = arith.constant 0 : index
        %get3A_965 = tpu.vector_load %arg12[%get3A_963, %get3A_964] {strides = array<i32>} : memref<200x64xbf16, #tpu.memory_space<vmem>>, vector<32xbf16>,
        %add3A_966 = arith.addf %scan3A_957, %get3A_965 : vector<32xbf16>
        %get3A_967 = arith.index_cast %add3A_962 : i32 to index
        %get3A_968 = arith.constant 32 : index
        %get3A_969 = tpu.vector_load %arg12[%get3A_967, %get3A_968] {strides = array<i32>} : memref<200x64xbf16, #tpu.memory_space<vmem>>, vector<32xbf16>,
        %add3A_970 = arith.addf %scan3A_958, %get3A_969 : vector<32xbf16>
        %add3A_971 = arith.constant 1 : i32
        %add3A_972 = arith.addi %mul3A_960, %add3A_971 : i32
        %get3A_973 = arith.index_cast %add3A_972 : i32 to index
        %get3A_974 = arith.constant 0 : index
        %get3A_975 = tpu.vector_load %arg12[%get3A_973, %get3A_974] {strides = array<i32>} : memref<200x64xbf16, #tpu.memory_space<vmem>>, vector<32xbf16>,
        %add3A_976 = arith.addf %add3A_966, %get3A_975 : vector<32xbf16>
        %get3A_977 = arith.index_cast %add3A_972 : i32 to index
        %get3A_978 = arith.constant 32 : index
        %get3A_979 = tpu.vector_load %arg12[%get3A_977, %get3A_978] {strides = array<i32>} : memref<200x64xbf16, #tpu.memory_space<vmem>>, vector<32xbf16>,
        %add3A_980 = arith.addf %add3A_970, %get3A_979 : vector<32xbf16>
        %add3A_981 = arith.constant 2 : i32
        %add3A_982 = arith.addi %mul3A_960, %add3A_981 : i32
        %get3A_983 = arith.index_cast %add3A_982 : i32 to index
        %get3A_984 = arith.constant 0 : index
        %get3A_985 = tpu.vector_load %arg12[%get3A_983, %get3A_984] {strides = array<i32>} : memref<200x64xbf16, #tpu.memory_space<vmem>>, vector<32xbf16>,
        %add3A_986 = arith.addf %add3A_976, %get3A_985 : vector<32xbf16>
        %get3A_987 = arith.index_cast %add3A_982 : i32 to index
        %get3A_988 = arith.constant 32 : index
        %get3A_989 = tpu.vector_load %arg12[%get3A_987, %get3A_988] {strides = array<i32>} : memref<200x64xbf16, #tpu.memory_space<vmem>>, vector<32xbf16>,
        %add3A_990 = arith.addf %add3A_980, %get3A_989 : vector<32xbf16>
        %add3A_991 = arith.constant 3 : i32
        %add3A_992 = arith.addi %mul3A_960, %add3A_991 : i32
        %get3A_993 = arith.index_cast %add3A_992 : i32 to index
        %get3A_994 = arith.constant 0 : index
        %get3A_995 = tpu.vector_load %arg12[%get3A_993, %get3A_994] {strides = array<i32>} : memref<200x64xbf16, #tpu.memory_space<vmem>>, vector<32xbf16>,
        %add3A_996 = arith.addf %add3A_986, %get3A_995 : vector<32xbf16>
        %get3A_997 = arith.index_cast %add3A_992 : i32 to index
        %get3A_998 = arith.constant 32 : index
        %get3A_999 = tpu.vector_load %arg12[%get3A_997, %get3A_998] {strides = array<i32>} : memref<200x64xbf16, #tpu.memory_space<vmem>>, vector<32xbf16>,
        %add3A_1000 = arith.addf %add3A_990, %get3A_999 : vector<32xbf16>
        %add3A_1001 = arith.constant 4 : i32
        %add3A_1002 = arith.addi %mul3A_960, %add3A_1001 : i32
        %get3A_1003 = arith.index_cast %add3A_1002 : i32 to index
        %get3A_1004 = arith.constant 0 : index
        %get3A_1005 = tpu.vector_load %arg12[%get3A_1003, %get3A_1004] {strides = array<i32>} : memref<200x64xbf16, #tpu.memory_space<vmem>>, vector<32xbf16>,
        %add3A_1006 = arith.addf %add3A_996, %get3A_1005 : vector<32xbf16>
        %get3A_1007 = arith.index_cast %add3A_1002 : i32 to index
        %get3A_1008 = arith.constant 32 : index
        %get3A_1009 = tpu.vector_load %arg12[%get3A_1007, %get3A_1008] {strides = array<i32>} : memref<200x64xbf16, #tpu.memory_space<vmem>>, vector<32xbf16>,
        %add3A_1010 = arith.addf %add3A_1000, %get3A_1009 : vector<32xbf16>
        %add3A_1011 = arith.constant 5 : i32
        %add3A_1012 = arith.addi %mul3A_960, %add3A_1011 : i32
        %get3A_1013 = arith.index_cast %add3A_1012 : i32 to index
        %get3A_1014 = arith.constant 0 : index
        %get3A_1015 = tpu.vector_load %arg12[%get3A_1013, %get3A_1014] {strides = array<i32>} : memref<200x64xbf16, #tpu.memory_space<vmem>>, vector<32xbf16>,
        %add3A_1016 = arith.addf %add3A_1006, %get3A_1015 : vector<32xbf16>
        %get3A_1017 = arith.index_cast %add3A_1012 : i32 to index
        %get3A_1018 = arith.constant 32 : index
        %get3A_1019 = tpu.vector_load %arg12[%get3A_1017, %get3A_1018] {strides = array<i32>} : memref<200x64xbf16, #tpu.memory_space<vmem>>, vector<32xbf16>,
        %add3A_1020 = arith.addf %add3A_1010, %get3A_1019 : vector<32xbf16>
        %add3A_1021 = arith.constant 6 : i32
        %add3A_1022 = arith.addi %mul3A_960, %add3A_1021 : i32
        %get3A_1023 = arith.index_cast %add3A_1022 : i32 to index
        %get3A_1024 = arith.constant 0 : index
        %get3A_1025 = tpu.vector_load %arg12[%get3A_1023, %get3A_1024] {strides = array<i32>} : memref<200x64xbf16, #tpu.memory_space<vmem>>, vector<32xbf16>,
        %add3A_1026 = arith.addf %add3A_1016, %get3A_1025 : vector<32xbf16>
        %get3A_1027 = arith.index_cast %add3A_1022 : i32 to index
        %get3A_1028 = arith.constant 32 : index
        %get3A_1029 = tpu.vector_load %arg12[%get3A_1027, %get3A_1028] {strides = array<i32>} : memref<200x64xbf16, #tpu.memory_space<vmem>>, vector<32xbf16>,
        %add3A_1030 = arith.addf %add3A_1020, %get3A_1029 : vector<32xbf16>
        %add3A_1031 = arith.constant 7 : i32
        %add3A_1032 = arith.addi %mul3A_960, %add3A_1031 : i32
        %get3A_1033 = arith.index_cast %add3A_1032 : i32 to index
        %get3A_1034 = arith.constant 0 : index
        %get3A_1035 = tpu.vector_load %arg12[%get3A_1033, %get3A_1034] {strides = array<i32>} : memref<200x64xbf16, #tpu.memory_space<vmem>>, vector<32xbf16>,
        %add3A_1036 = arith.addf %add3A_1026, %get3A_1035 : vector<32xbf16>
        %get3A_1037 = arith.index_cast %add3A_1032 : i32 to index
        %get3A_1038 = arith.constant 32 : index
        %get3A_1039 = tpu.vector_load %arg12[%get3A_1037, %get3A_1038] {strides = array<i32>} : memref<200x64xbf16, #tpu.memory_space<vmem>>, vector<32xbf16>,
        %add3A_1040 = arith.addf %add3A_1030, %get3A_1039 : vector<32xbf16>
        scf.yield %add3A_1036, %add3A_1040 : vector<32xbf16>, vector<32xbf16>
      }
      %scan3A_509 = arith.constant 25 : i32
      %broadcast_in_dim3A_510 = arith.constant 0.000000e+00 : bf16
      %broadcast_in_dim3A_511 = vector.broadcast %broadcast_in_dim3A_510 : bf16 to vector<32xbf16>
      %get3A_512 = arith.constant 0 : index
      %get3A_513 = tpu.vector_load %arg18[%get3A_512] {strides = array<i32>} : memref<64xbf16, #tpu.memory_space<vmem>>, vector<32xbf16>,
      %add3A_514 = arith.addf %scan3A_508#0, %get3A_513 : vector<32xbf16>
      %max3A_515 = arith.maximumf %add3A_514, %broadcast_in_dim3A_511 : vector<32xbf16>
      %get3A_516 = arith.constant 32 : index
      %get3A_517 = tpu.vector_load %arg18[%get3A_516] {strides = array<i32>} : memref<64xbf16, #tpu.memory_space<vmem>>, vector<32xbf16>,
      %add3A_518 = arith.addf %scan3A_508#1, %get3A_517 : vector<32xbf16>
      %max3A_519 = arith.maximumf %add3A_518, %broadcast_in_dim3A_511 : vector<32xbf16>
      %get3A_520 = arith.constant 0 : index
      %get3A_521 = tpu.vector_load %arg19[%get3A_520] {strides = array<i32>} : memref<64xbf16, #tpu.memory_space<vmem>>, vector<32xbf16>,
      %mul3A_522 = arith.mulf %max3A_515, %get3A_521 : vector<32xbf16>
      %get3A_523 = arith.constant 32 : index
      %get3A_524 = tpu.vector_load %arg19[%get3A_523] {strides = array<i32>} : memref<64xbf16, #tpu.memory_space<vmem>>, vector<32xbf16>,
      %mul3A_525 = arith.mulf %max3A_519, %get3A_524 : vector<32xbf16>
      %add3A_526 = arith.addf %mul3A_522, %mul3A_525 : vector<32xbf16>
      %unpack3A_527 = tpu.unpack_subelements %add3A_526, 0 {pack_format = #tpu.pack_format<interleaved>} : vector<32xbf16> -> vector<16xf32>
      %unpack3A_528 = tpu.unpack_subelements %add3A_526, 1 {pack_format = #tpu.pack_format<interleaved>} : vector<32xbf16> -> vector<16xf32>
      %add3A_529 = arith.addf %unpack3A_527, %unpack3A_528 : vector<16xf32>
      %reduce_sum3A_530 = arith.constant true
      %reduce_sum3A_531 = vector.broadcast %reduce_sum3A_530 : i1 to vector<16xi1>
      %reduce_sum3A_532 = tpu.scan <sum>, %add3A_529 masked %reduce_sum3A_531 : vector<16xf32>, vector<16xi1> -> vector<16xf32>
      %reduce_sum3A_533 = vector.extract %reduce_sum3A_532[15] : f32 from vector<16xf32>
      %iota3A_534 = tpu.iota {dimensions = array<i32: 0>} : vector<16xi32>
      %jit3A_535 = arith.constant 16 : i32
      %eq3A_536 = arith.constant 0 : i32
      %eq3A_537 = arith.cmpi eq, %jit3A_535, %eq3A_536 : i32
      %jit3A_538 = arith.constant 1 : i32
      %select_n3A_539 = arith.select %eq3A_537, %jit3A_538, %jit3A_535 : i32
      %rem3A_540 = arith.remsi %add3A_501, %select_n3A_539 : i32
      %ne3A_541 = arith.constant 0 : i32
      %ne3A_542 = arith.cmpi ne, %rem3A_540, %ne3A_541 : i32
      %lt3A_543 = arith.constant 0 : i32
      %lt3A_544 = arith.cmpi slt, %rem3A_540, %lt3A_543 : i32
      %lt3A_545 = arith.constant 0 : i32
      %lt3A_546 = arith.cmpi slt, %select_n3A_539, %lt3A_545 : i32
      %ne3A_547 = arith.xori %lt3A_544, %lt3A_546 : i1
      %and3A_548 = arith.andi %ne3A_547, %ne3A_542 : i1
      %add3A_549 = arith.addi %rem3A_540, %select_n3A_539 : i32
      %select_n3A_550 = arith.select %and3A_548, %add3A_549, %rem3A_540 : i32
      %eq3A_551 = vector.broadcast %select_n3A_550 : i32 to vector<16xi32>
      %eq3A_552 = arith.cmpi eq, %iota3A_534, %eq3A_551 : vector<16xi32>
      %broadcast_in_dim3A_553 = vector.broadcast %reduce_sum3A_533 : f32 to vector<16xf32>
      %select_n3A_554 = arith.select %eq3A_552, %broadcast_in_dim3A_553, %select_n3A_472 : vector<16xi1>, vector<16xf32>
      %lt3A_555 = arith.constant 512 : i32
      %lt3A_556 = arith.cmpi slt, %add3A_221, %lt3A_555 : i32
      %convert_element_type3A_557 = arith.extui %lt3A_556 : i1 to i32
      %cond3A_558 = arith.constant 0 : i32
      %cond3A_559 = arith.cmpi ne, %convert_element_type3A_557, %cond3A_558 : i32
      scf.if %cond3A_559 {
        %add3A_956 = arith.constant 3 : i32
        %add3A_957 = arith.addi %add3A_221, %add3A_956 : i32
        %jit3A_958 = arith.constant 16 : i32
        %div3A = arith.divsi %add3A_957, %jit3A_958 : i32
        %sign3A = arith.constant 0 : i32
        %sign3A_959 = arith.cmpi sgt, %add3A_957, %sign3A : i32
        %sign3A_960 = arith.extui %sign3A_959 : i1 to i32
        %sign3A_961 = arith.constant 0 : i32
        %sign3A_962 = arith.cmpi slt, %add3A_957, %sign3A_961 : i32
        %sign3A_963 = arith.extui %sign3A_962 : i1 to i32
        %sign3A_964 = arith.subi %sign3A_960, %sign3A_963 : i32
        %sign3A_965 = arith.constant 0 : i32
        %sign3A_966 = arith.cmpi sgt, %jit3A_958, %sign3A_965 : i32
        %sign3A_967 = arith.extui %sign3A_966 : i1 to i32
        %sign3A_968 = arith.constant 0 : i32
        %sign3A_969 = arith.cmpi slt, %jit3A_958, %sign3A_968 : i32
        %sign3A_970 = arith.extui %sign3A_969 : i1 to i32
        %sign3A_971 = arith.subi %sign3A_967, %sign3A_970 : i32
        %ne3A_972 = arith.cmpi ne, %sign3A_964, %sign3A_971 : i32
        %rem3A_973 = arith.remsi %add3A_957, %jit3A_958 : i32
        %ne3A_974 = arith.constant 0 : i32
        %ne3A_975 = arith.cmpi ne, %rem3A_973, %ne3A_974 : i32
        %and3A_976 = arith.andi %ne3A_972, %ne3A_975 : i1
        %sub3A = arith.constant 1 : i32
        %sub3A_977 = arith.subi %div3A, %sub3A : i32
        %select_n3A_978 = arith.select %and3A_976, %sub3A_977, %div3A : i32
        %jit3A_979 = arith.constant 2 : i32
        %eq3A_980 = arith.constant 0 : i32
        %eq3A_981 = arith.cmpi eq, %jit3A_979, %eq3A_980 : i32
        %jit3A_982 = arith.constant 1 : i32
        %select_n3A_983 = arith.select %eq3A_981, %jit3A_982, %jit3A_979 : i32
        %rem3A_984 = arith.remsi %select_n3A_978, %select_n3A_983 : i32
        %ne3A_985 = arith.constant 0 : i32
        %ne3A_986 = arith.cmpi ne, %rem3A_984, %ne3A_985 : i32
        %lt3A_987 = arith.constant 0 : i32
        %lt3A_988 = arith.cmpi slt, %rem3A_984, %lt3A_987 : i32
        %lt3A_989 = arith.constant 0 : i32
        %lt3A_990 = arith.cmpi slt, %select_n3A_983, %lt3A_989 : i32
        %ne3A_991 = arith.xori %lt3A_988, %lt3A_990 : i1
        %and3A_992 = arith.andi %ne3A_991, %ne3A_986 : i1
        %add3A_993 = arith.addi %rem3A_984, %select_n3A_983 : i32
        %select_n3A_994 = arith.select %and3A_992, %add3A_993, %rem3A_984 : i32
        %jit3A_995 = arith.constant 16 : i32
        %eq3A_996 = arith.constant 0 : i32
        %eq3A_997 = arith.cmpi eq, %jit3A_995, %eq3A_996 : i32
        %jit3A_998 = arith.constant 1 : i32
        %select_n3A_999 = arith.select %eq3A_997, %jit3A_998, %jit3A_995 : i32
        %rem3A_1000 = arith.remsi %add3A_957, %select_n3A_999 : i32
        %ne3A_1001 = arith.constant 0 : i32
        %ne3A_1002 = arith.cmpi ne, %rem3A_1000, %ne3A_1001 : i32
        %lt3A_1003 = arith.constant 0 : i32
        %lt3A_1004 = arith.cmpi slt, %rem3A_1000, %lt3A_1003 : i32
        %lt3A_1005 = arith.constant 0 : i32
        %lt3A_1006 = arith.cmpi slt, %select_n3A_999, %lt3A_1005 : i32
        %ne3A_1007 = arith.xori %lt3A_1004, %lt3A_1006 : i1
        %and3A_1008 = arith.andi %ne3A_1007, %ne3A_1002 : i1
        %add3A_1009 = arith.addi %rem3A_1000, %select_n3A_999 : i32
        %select_n3A_1010 = arith.select %and3A_1008, %add3A_1009, %rem3A_1000 : i32
        %dma_start3A_1011 = arith.constant 0 : i32
        %dma_start3A_1012 = arith.constant 0 : i32
        %dma_start3A_1013 = tpu.memref_slice %arg12[%dma_start3A_1011, %dma_start3A_1012] : memref<200x64xbf16, #tpu.memory_space<vmem>> -> memref<104x64xbf16, #tpu.memory_space<vmem>>
        %dma_start3A_1014 = arith.constant 0 : i32
        %dma_start3A_1015 = tpu.memref_slice %arg8[%select_n3A_994, %select_n3A_1010, %dma_start3A_1014] : memref<2x16x200xi32, #tpu.memory_space<vmem>> -> memref<1x1x104xi32, #tpu.memory_space<vmem>>
        %dma_start3A_1016 = tpu.memref_squeeze %dma_start3A_1015 : memref<1x1x104xi32, #tpu.memory_space<vmem>> -> memref<104xi32, #tpu.memory_space<vmem>>
        %dma_start3A_1017 = arith.constant 0 : i32
        %dma_start3A_1018 = arith.constant 0 : i32
        %dma_start3A_1019 = tpu.memref_slice %arg3[%dma_start3A_1017, %dma_start3A_1018] : memref<100000x64xbf16, #tpu.memory_space<hbm>> -> memref<100000x64xbf16, #tpu.memory_space<hbm>>
        tpu.enqueue_indirect_dma source(%dma_start3A_1019 : memref<100000x64xbf16, #tpu.memory_space<hbm>>) target(%dma_start3A_1013 : memref<104x64xbf16, #tpu.memory_space<vmem>>) offsets(%dma_start3A_1016 : memref<104xi32, #tpu.memory_space<vmem>>) semaphore(%arg24 : memref<!tpu.dma_semaphore, #tpu.memory_space<semaphore_mem>>)
        %dma_start3A_1020 = arith.constant 104 : i32
        %dma_start3A_1021 = arith.constant 0 : i32
        %dma_start3A_1022 = tpu.memref_slice %arg12[%dma_start3A_1020, %dma_start3A_1021] : memref<200x64xbf16, #tpu.memory_space<vmem>> -> memref<96x64xbf16, #tpu.memory_space<vmem>>
        %dma_start3A_1023 = arith.constant 104 : i32
        %dma_start3A_1024 = tpu.memref_slice %arg8[%select_n3A_994, %select_n3A_1010, %dma_start3A_1023] : memref<2x16x200xi32, #tpu.memory_space<vmem>> -> memref<1x1x96xi32, #tpu.memory_space<vmem>>
        %dma_start3A_1025 = tpu.memref_squeeze %dma_start3A_1024 : memref<1x1x96xi32, #tpu.memory_space<vmem>> -> memref<96xi32, #tpu.memory_space<vmem>>
        %dma_start3A_1026 = arith.constant 0 : i32
        %dma_start3A_1027 = arith.constant 0 : i32
        %dma_start3A_1028 = tpu.memref_slice %arg3[%dma_start3A_1026, %dma_start3A_1027] : memref<100000x64xbf16, #tpu.memory_space<hbm>> -> memref<100000x64xbf16, #tpu.memory_space<hbm>>
        tpu.enqueue_indirect_dma source(%dma_start3A_1028 : memref<100000x64xbf16, #tpu.memory_space<hbm>>) target(%dma_start3A_1022 : memref<96x64xbf16, #tpu.memory_space<vmem>>) offsets(%dma_start3A_1025 : memref<96xi32, #tpu.memory_space<vmem>>) semaphore(%arg24 : memref<!tpu.dma_semaphore, #tpu.memory_space<semaphore_mem>>)
      } else {
      }
      %dma_wait3A_560 = arith.constant 0 : i32
      %dma_wait3A_561 = arith.constant 0 : i32
      %dma_wait3A_562 = arith.constant 0 : i32
      %dma_wait3A_563 = arith.constant 0 : i32
      %dma_wait3A_564 = tpu.memref_slice %arg13[%dma_wait3A_562, %dma_wait3A_563] : memref<200x64xbf16, #tpu.memory_space<vmem>> -> memref<104x64xbf16, #tpu.memory_space<vmem>>
      %dma_wait3A_565 = arith.constant 0 : i32
      %dma_wait3A_566 = tpu.memref_slice %arg8[%dma_wait3A_560, %dma_wait3A_561, %dma_wait3A_565] : memref<2x16x200xi32, #tpu.memory_space<vmem>> -> memref<1x1x104xi32, #tpu.memory_space<vmem>>
      %dma_wait3A_567 = tpu.memref_squeeze %dma_wait3A_566 : memref<1x1x104xi32, #tpu.memory_space<vmem>> -> memref<104xi32, #tpu.memory_space<vmem>>
      %dma_wait3A_568 = arith.constant 0 : i32
      %dma_wait3A_569 = arith.constant 0 : i32
      %dma_wait3A_570 = tpu.memref_slice %arg3[%dma_wait3A_568, %dma_wait3A_569] : memref<100000x64xbf16, #tpu.memory_space<hbm>> -> memref<100000x64xbf16, #tpu.memory_space<hbm>>
      tpu.wait_indirect_dma semaphore(%arg25 : memref<!tpu.dma_semaphore, #tpu.memory_space<semaphore_mem>>) src(%dma_wait3A_570 : memref<100000x64xbf16, #tpu.memory_space<hbm>>) dst(%dma_wait3A_564 : memref<104x64xbf16, #tpu.memory_space<vmem>>)
      %dma_wait3A_571 = arith.constant 0 : i32
      %dma_wait3A_572 = arith.constant 0 : i32
      %dma_wait3A_573 = arith.constant 104 : i32
      %dma_wait3A_574 = arith.constant 0 : i32
      %dma_wait3A_575 = tpu.memref_slice %arg13[%dma_wait3A_573, %dma_wait3A_574] : memref<200x64xbf16, #tpu.memory_space<vmem>> -> memref<96x64xbf16, #tpu.memory_space<vmem>>
      %dma_wait3A_576 = arith.constant 0 : i32
      %dma_wait3A_577 = tpu.memref_slice %arg8[%dma_wait3A_571, %dma_wait3A_572, %dma_wait3A_576] : memref<2x16x200xi32, #tpu.memory_space<vmem>> -> memref<1x1x96xi32, #tpu.memory_space<vmem>>
      %dma_wait3A_578 = tpu.memref_squeeze %dma_wait3A_577 : memref<1x1x96xi32, #tpu.memory_space<vmem>> -> memref<96xi32, #tpu.memory_space<vmem>>
      %dma_wait3A_579 = arith.constant 0 : i32
      %dma_wait3A_580 = arith.constant 0 : i32
      %dma_wait3A_581 = tpu.memref_slice %arg3[%dma_wait3A_579, %dma_wait3A_580] : memref<100000x64xbf16, #tpu.memory_space<hbm>> -> memref<100000x64xbf16, #tpu.memory_space<hbm>>
      tpu.wait_indirect_dma semaphore(%arg25 : memref<!tpu.dma_semaphore, #tpu.memory_space<semaphore_mem>>) src(%dma_wait3A_581 : memref<100000x64xbf16, #tpu.memory_space<hbm>>) dst(%dma_wait3A_575 : memref<96x64xbf16, #tpu.memory_space<vmem>>)
      %add3A_582 = arith.constant 4 : i32
      %add3A_583 = arith.addi %mul3A_219, %add3A_582 : i32
      %broadcast_in_dim3A_584 = arith.constant 0.000000e+00 : bf16
      %broadcast_in_dim3A_585 = vector.broadcast %broadcast_in_dim3A_584 : bf16 to vector<32xbf16>
      %scan3A_586 = arith.constant 0 : i32
      %scan3A_587 = arith.constant 25 : i32
      %scan3A_588 = arith.addi %scan3A_586, %scan3A_587 : i32
      %scan3A_589 = arith.constant 1 : i32
      %scan3A_590:2 = scf.for %scan3A_956 = %scan3A_586 to %scan3A_588 step %scan3A_589 iter_args(%scan3A_957 = %broadcast_in_dim3A_585, %scan3A_958 = %broadcast_in_dim3A_585) -> (vector<32xbf16>, vector<32xbf16>)  : i32 {
        %mul3A_959 = arith.constant 8 : i32
        %mul3A_960 = arith.muli %scan3A_956, %mul3A_959 : i32
        %add3A_961 = arith.constant 0 : i32
        %add3A_962 = arith.addi %mul3A_960, %add3A_961 : i32
        %get3A_963 = arith.index_cast %add3A_962 : i32 to index
        %get3A_964 = arith.constant 0 : index
        %get3A_965 = tpu.vector_load %arg13[%get3A_963, %get3A_964] {strides = array<i32>} : memref<200x64xbf16, #tpu.memory_space<vmem>>, vector<32xbf16>,
        %add3A_966 = arith.addf %scan3A_957, %get3A_965 : vector<32xbf16>
        %get3A_967 = arith.index_cast %add3A_962 : i32 to index
        %get3A_968 = arith.constant 32 : index
        %get3A_969 = tpu.vector_load %arg13[%get3A_967, %get3A_968] {strides = array<i32>} : memref<200x64xbf16, #tpu.memory_space<vmem>>, vector<32xbf16>,
        %add3A_970 = arith.addf %scan3A_958, %get3A_969 : vector<32xbf16>
        %add3A_971 = arith.constant 1 : i32
        %add3A_972 = arith.addi %mul3A_960, %add3A_971 : i32
        %get3A_973 = arith.index_cast %add3A_972 : i32 to index
        %get3A_974 = arith.constant 0 : index
        %get3A_975 = tpu.vector_load %arg13[%get3A_973, %get3A_974] {strides = array<i32>} : memref<200x64xbf16, #tpu.memory_space<vmem>>, vector<32xbf16>,
        %add3A_976 = arith.addf %add3A_966, %get3A_975 : vector<32xbf16>
        %get3A_977 = arith.index_cast %add3A_972 : i32 to index
        %get3A_978 = arith.constant 32 : index
        %get3A_979 = tpu.vector_load %arg13[%get3A_977, %get3A_978] {strides = array<i32>} : memref<200x64xbf16, #tpu.memory_space<vmem>>, vector<32xbf16>,
        %add3A_980 = arith.addf %add3A_970, %get3A_979 : vector<32xbf16>
        %add3A_981 = arith.constant 2 : i32
        %add3A_982 = arith.addi %mul3A_960, %add3A_981 : i32
        %get3A_983 = arith.index_cast %add3A_982 : i32 to index
        %get3A_984 = arith.constant 0 : index
        %get3A_985 = tpu.vector_load %arg13[%get3A_983, %get3A_984] {strides = array<i32>} : memref<200x64xbf16, #tpu.memory_space<vmem>>, vector<32xbf16>,
        %add3A_986 = arith.addf %add3A_976, %get3A_985 : vector<32xbf16>
        %get3A_987 = arith.index_cast %add3A_982 : i32 to index
        %get3A_988 = arith.constant 32 : index
        %get3A_989 = tpu.vector_load %arg13[%get3A_987, %get3A_988] {strides = array<i32>} : memref<200x64xbf16, #tpu.memory_space<vmem>>, vector<32xbf16>,
        %add3A_990 = arith.addf %add3A_980, %get3A_989 : vector<32xbf16>
        %add3A_991 = arith.constant 3 : i32
        %add3A_992 = arith.addi %mul3A_960, %add3A_991 : i32
        %get3A_993 = arith.index_cast %add3A_992 : i32 to index
        %get3A_994 = arith.constant 0 : index
        %get3A_995 = tpu.vector_load %arg13[%get3A_993, %get3A_994] {strides = array<i32>} : memref<200x64xbf16, #tpu.memory_space<vmem>>, vector<32xbf16>,
        %add3A_996 = arith.addf %add3A_986, %get3A_995 : vector<32xbf16>
        %get3A_997 = arith.index_cast %add3A_992 : i32 to index
        %get3A_998 = arith.constant 32 : index
        %get3A_999 = tpu.vector_load %arg13[%get3A_997, %get3A_998] {strides = array<i32>} : memref<200x64xbf16, #tpu.memory_space<vmem>>, vector<32xbf16>,
        %add3A_1000 = arith.addf %add3A_990, %get3A_999 : vector<32xbf16>
        %add3A_1001 = arith.constant 4 : i32
        %add3A_1002 = arith.addi %mul3A_960, %add3A_1001 : i32
        %get3A_1003 = arith.index_cast %add3A_1002 : i32 to index
        %get3A_1004 = arith.constant 0 : index
        %get3A_1005 = tpu.vector_load %arg13[%get3A_1003, %get3A_1004] {strides = array<i32>} : memref<200x64xbf16, #tpu.memory_space<vmem>>, vector<32xbf16>,
        %add3A_1006 = arith.addf %add3A_996, %get3A_1005 : vector<32xbf16>
        %get3A_1007 = arith.index_cast %add3A_1002 : i32 to index
        %get3A_1008 = arith.constant 32 : index
        %get3A_1009 = tpu.vector_load %arg13[%get3A_1007, %get3A_1008] {strides = array<i32>} : memref<200x64xbf16, #tpu.memory_space<vmem>>, vector<32xbf16>,
        %add3A_1010 = arith.addf %add3A_1000, %get3A_1009 : vector<32xbf16>
        %add3A_1011 = arith.constant 5 : i32
        %add3A_1012 = arith.addi %mul3A_960, %add3A_1011 : i32
        %get3A_1013 = arith.index_cast %add3A_1012 : i32 to index
        %get3A_1014 = arith.constant 0 : index
        %get3A_1015 = tpu.vector_load %arg13[%get3A_1013, %get3A_1014] {strides = array<i32>} : memref<200x64xbf16, #tpu.memory_space<vmem>>, vector<32xbf16>,
        %add3A_1016 = arith.addf %add3A_1006, %get3A_1015 : vector<32xbf16>
        %get3A_1017 = arith.index_cast %add3A_1012 : i32 to index
        %get3A_1018 = arith.constant 32 : index
        %get3A_1019 = tpu.vector_load %arg13[%get3A_1017, %get3A_1018] {strides = array<i32>} : memref<200x64xbf16, #tpu.memory_space<vmem>>, vector<32xbf16>,
        %add3A_1020 = arith.addf %add3A_1010, %get3A_1019 : vector<32xbf16>
        %add3A_1021 = arith.constant 6 : i32
        %add3A_1022 = arith.addi %mul3A_960, %add3A_1021 : i32
        %get3A_1023 = arith.index_cast %add3A_1022 : i32 to index
        %get3A_1024 = arith.constant 0 : index
        %get3A_1025 = tpu.vector_load %arg13[%get3A_1023, %get3A_1024] {strides = array<i32>} : memref<200x64xbf16, #tpu.memory_space<vmem>>, vector<32xbf16>,
        %add3A_1026 = arith.addf %add3A_1016, %get3A_1025 : vector<32xbf16>
        %get3A_1027 = arith.index_cast %add3A_1022 : i32 to index
        %get3A_1028 = arith.constant 32 : index
        %get3A_1029 = tpu.vector_load %arg13[%get3A_1027, %get3A_1028] {strides = array<i32>} : memref<200x64xbf16, #tpu.memory_space<vmem>>, vector<32xbf16>,
        %add3A_1030 = arith.addf %add3A_1020, %get3A_1029 : vector<32xbf16>
        %add3A_1031 = arith.constant 7 : i32
        %add3A_1032 = arith.addi %mul3A_960, %add3A_1031 : i32
        %get3A_1033 = arith.index_cast %add3A_1032 : i32 to index
        %get3A_1034 = arith.constant 0 : index
        %get3A_1035 = tpu.vector_load %arg13[%get3A_1033, %get3A_1034] {strides = array<i32>} : memref<200x64xbf16, #tpu.memory_space<vmem>>, vector<32xbf16>,
        %add3A_1036 = arith.addf %add3A_1026, %get3A_1035 : vector<32xbf16>
        %get3A_1037 = arith.index_cast %add3A_1032 : i32 to index
        %get3A_1038 = arith.constant 32 : index
        %get3A_1039 = tpu.vector_load %arg13[%get3A_1037, %get3A_1038] {strides = array<i32>} : memref<200x64xbf16, #tpu.memory_space<vmem>>, vector<32xbf16>,
        %add3A_1040 = arith.addf %add3A_1030, %get3A_1039 : vector<32xbf16>
        scf.yield %add3A_1036, %add3A_1040 : vector<32xbf16>, vector<32xbf16>
      }
      %scan3A_591 = arith.constant 25 : i32
      %broadcast_in_dim3A_592 = arith.constant 0.000000e+00 : bf16
      %broadcast_in_dim3A_593 = vector.broadcast %broadcast_in_dim3A_592 : bf16 to vector<32xbf16>
      %get3A_594 = arith.constant 0 : index
      %get3A_595 = tpu.vector_load %arg18[%get3A_594] {strides = array<i32>} : memref<64xbf16, #tpu.memory_space<vmem>>, vector<32xbf16>,
      %add3A_596 = arith.addf %scan3A_590#0, %get3A_595 : vector<32xbf16>
      %max3A_597 = arith.maximumf %add3A_596, %broadcast_in_dim3A_593 : vector<32xbf16>
      %get3A_598 = arith.constant 32 : index
      %get3A_599 = tpu.vector_load %arg18[%get3A_598] {strides = array<i32>} : memref<64xbf16, #tpu.memory_space<vmem>>, vector<32xbf16>,
      %add3A_600 = arith.addf %scan3A_590#1, %get3A_599 : vector<32xbf16>
      %max3A_601 = arith.maximumf %add3A_600, %broadcast_in_dim3A_593 : vector<32xbf16>
      %get3A_602 = arith.constant 0 : index
      %get3A_603 = tpu.vector_load %arg19[%get3A_602] {strides = array<i32>} : memref<64xbf16, #tpu.memory_space<vmem>>, vector<32xbf16>,
      %mul3A_604 = arith.mulf %max3A_597, %get3A_603 : vector<32xbf16>
      %get3A_605 = arith.constant 32 : index
      %get3A_606 = tpu.vector_load %arg19[%get3A_605] {strides = array<i32>} : memref<64xbf16, #tpu.memory_space<vmem>>, vector<32xbf16>,
      %mul3A_607 = arith.mulf %max3A_601, %get3A_606 : vector<32xbf16>
      %add3A_608 = arith.addf %mul3A_604, %mul3A_607 : vector<32xbf16>
      %unpack3A_609 = tpu.unpack_subelements %add3A_608, 0 {pack_format = #tpu.pack_format<interleaved>} : vector<32xbf16> -> vector<16xf32>
      %unpack3A_610 = tpu.unpack_subelements %add3A_608, 1 {pack_format = #tpu.pack_format<interleaved>} : vector<32xbf16> -> vector<16xf32>
      %add3A_611 = arith.addf %unpack3A_609, %unpack3A_610 : vector<16xf32>
      %reduce_sum3A_612 = arith.constant true
      %reduce_sum3A_613 = vector.broadcast %reduce_sum3A_612 : i1 to vector<16xi1>
      %reduce_sum3A_614 = tpu.scan <sum>, %add3A_611 masked %reduce_sum3A_613 : vector<16xf32>, vector<16xi1> -> vector<16xf32>
      %reduce_sum3A_615 = vector.extract %reduce_sum3A_614[15] : f32 from vector<16xf32>
      %iota3A_616 = tpu.iota {dimensions = array<i32: 0>} : vector<16xi32>
      %jit3A_617 = arith.constant 16 : i32
      %eq3A_618 = arith.constant 0 : i32
      %eq3A_619 = arith.cmpi eq, %jit3A_617, %eq3A_618 : i32
      %jit3A_620 = arith.constant 1 : i32
      %select_n3A_621 = arith.select %eq3A_619, %jit3A_620, %jit3A_617 : i32
      %rem3A_622 = arith.remsi %add3A_583, %select_n3A_621 : i32
      %ne3A_623 = arith.constant 0 : i32
      %ne3A_624 = arith.cmpi ne, %rem3A_622, %ne3A_623 : i32
      %lt3A_625 = arith.constant 0 : i32
      %lt3A_626 = arith.cmpi slt, %rem3A_622, %lt3A_625 : i32
      %lt3A_627 = arith.constant 0 : i32
      %lt3A_628 = arith.cmpi slt, %select_n3A_621, %lt3A_627 : i32
      %ne3A_629 = arith.xori %lt3A_626, %lt3A_628 : i1
      %and3A_630 = arith.andi %ne3A_629, %ne3A_624 : i1
      %add3A_631 = arith.addi %rem3A_622, %select_n3A_621 : i32
      %select_n3A_632 = arith.select %and3A_630, %add3A_631, %rem3A_622 : i32
      %eq3A_633 = vector.broadcast %select_n3A_632 : i32 to vector<16xi32>
      %eq3A_634 = arith.cmpi eq, %iota3A_616, %eq3A_633 : vector<16xi32>
      %broadcast_in_dim3A_635 = vector.broadcast %reduce_sum3A_615 : f32 to vector<16xf32>
      %select_n3A_636 = arith.select %eq3A_634, %broadcast_in_dim3A_635, %select_n3A_554 : vector<16xi1>, vector<16xf32>
      %lt3A_637 = arith.constant 512 : i32
      %lt3A_638 = arith.cmpi slt, %add3A_221, %lt3A_637 : i32
      %convert_element_type3A_639 = arith.extui %lt3A_638 : i1 to i32
      %cond3A_640 = arith.constant 0 : i32
      %cond3A_641 = arith.cmpi ne, %convert_element_type3A_639, %cond3A_640 : i32
      scf.if %cond3A_641 {
        %add3A_956 = arith.constant 4 : i32
        %add3A_957 = arith.addi %add3A_221, %add3A_956 : i32
        %jit3A_958 = arith.constant 16 : i32
        %div3A = arith.divsi %add3A_957, %jit3A_958 : i32
        %sign3A = arith.constant 0 : i32
        %sign3A_959 = arith.cmpi sgt, %add3A_957, %sign3A : i32
        %sign3A_960 = arith.extui %sign3A_959 : i1 to i32
        %sign3A_961 = arith.constant 0 : i32
        %sign3A_962 = arith.cmpi slt, %add3A_957, %sign3A_961 : i32
        %sign3A_963 = arith.extui %sign3A_962 : i1 to i32
        %sign3A_964 = arith.subi %sign3A_960, %sign3A_963 : i32
        %sign3A_965 = arith.constant 0 : i32
        %sign3A_966 = arith.cmpi sgt, %jit3A_958, %sign3A_965 : i32
        %sign3A_967 = arith.extui %sign3A_966 : i1 to i32
        %sign3A_968 = arith.constant 0 : i32
        %sign3A_969 = arith.cmpi slt, %jit3A_958, %sign3A_968 : i32
        %sign3A_970 = arith.extui %sign3A_969 : i1 to i32
        %sign3A_971 = arith.subi %sign3A_967, %sign3A_970 : i32
        %ne3A_972 = arith.cmpi ne, %sign3A_964, %sign3A_971 : i32
        %rem3A_973 = arith.remsi %add3A_957, %jit3A_958 : i32
        %ne3A_974 = arith.constant 0 : i32
        %ne3A_975 = arith.cmpi ne, %rem3A_973, %ne3A_974 : i32
        %and3A_976 = arith.andi %ne3A_972, %ne3A_975 : i1
        %sub3A = arith.constant 1 : i32
        %sub3A_977 = arith.subi %div3A, %sub3A : i32
        %select_n3A_978 = arith.select %and3A_976, %sub3A_977, %div3A : i32
        %jit3A_979 = arith.constant 2 : i32
        %eq3A_980 = arith.constant 0 : i32
        %eq3A_981 = arith.cmpi eq, %jit3A_979, %eq3A_980 : i32
        %jit3A_982 = arith.constant 1 : i32
        %select_n3A_983 = arith.select %eq3A_981, %jit3A_982, %jit3A_979 : i32
        %rem3A_984 = arith.remsi %select_n3A_978, %select_n3A_983 : i32
        %ne3A_985 = arith.constant 0 : i32
        %ne3A_986 = arith.cmpi ne, %rem3A_984, %ne3A_985 : i32
        %lt3A_987 = arith.constant 0 : i32
        %lt3A_988 = arith.cmpi slt, %rem3A_984, %lt3A_987 : i32
        %lt3A_989 = arith.constant 0 : i32
        %lt3A_990 = arith.cmpi slt, %select_n3A_983, %lt3A_989 : i32
        %ne3A_991 = arith.xori %lt3A_988, %lt3A_990 : i1
        %and3A_992 = arith.andi %ne3A_991, %ne3A_986 : i1
        %add3A_993 = arith.addi %rem3A_984, %select_n3A_983 : i32
        %select_n3A_994 = arith.select %and3A_992, %add3A_993, %rem3A_984 : i32
        %jit3A_995 = arith.constant 16 : i32
        %eq3A_996 = arith.constant 0 : i32
        %eq3A_997 = arith.cmpi eq, %jit3A_995, %eq3A_996 : i32
        %jit3A_998 = arith.constant 1 : i32
        %select_n3A_999 = arith.select %eq3A_997, %jit3A_998, %jit3A_995 : i32
        %rem3A_1000 = arith.remsi %add3A_957, %select_n3A_999 : i32
        %ne3A_1001 = arith.constant 0 : i32
        %ne3A_1002 = arith.cmpi ne, %rem3A_1000, %ne3A_1001 : i32
        %lt3A_1003 = arith.constant 0 : i32
        %lt3A_1004 = arith.cmpi slt, %rem3A_1000, %lt3A_1003 : i32
        %lt3A_1005 = arith.constant 0 : i32
        %lt3A_1006 = arith.cmpi slt, %select_n3A_999, %lt3A_1005 : i32
        %ne3A_1007 = arith.xori %lt3A_1004, %lt3A_1006 : i1
        %and3A_1008 = arith.andi %ne3A_1007, %ne3A_1002 : i1
        %add3A_1009 = arith.addi %rem3A_1000, %select_n3A_999 : i32
        %select_n3A_1010 = arith.select %and3A_1008, %add3A_1009, %rem3A_1000 : i32
        %dma_start3A_1011 = arith.constant 0 : i32
        %dma_start3A_1012 = arith.constant 0 : i32
        %dma_start3A_1013 = tpu.memref_slice %arg13[%dma_start3A_1011, %dma_start3A_1012] : memref<200x64xbf16, #tpu.memory_space<vmem>> -> memref<104x64xbf16, #tpu.memory_space<vmem>>
        %dma_start3A_1014 = arith.constant 0 : i32
        %dma_start3A_1015 = tpu.memref_slice %arg8[%select_n3A_994, %select_n3A_1010, %dma_start3A_1014] : memref<2x16x200xi32, #tpu.memory_space<vmem>> -> memref<1x1x104xi32, #tpu.memory_space<vmem>>
        %dma_start3A_1016 = tpu.memref_squeeze %dma_start3A_1015 : memref<1x1x104xi32, #tpu.memory_space<vmem>> -> memref<104xi32, #tpu.memory_space<vmem>>
        %dma_start3A_1017 = arith.constant 0 : i32
        %dma_start3A_1018 = arith.constant 0 : i32
        %dma_start3A_1019 = tpu.memref_slice %arg3[%dma_start3A_1017, %dma_start3A_1018] : memref<100000x64xbf16, #tpu.memory_space<hbm>> -> memref<100000x64xbf16, #tpu.memory_space<hbm>>
        tpu.enqueue_indirect_dma source(%dma_start3A_1019 : memref<100000x64xbf16, #tpu.memory_space<hbm>>) target(%dma_start3A_1013 : memref<104x64xbf16, #tpu.memory_space<vmem>>) offsets(%dma_start3A_1016 : memref<104xi32, #tpu.memory_space<vmem>>) semaphore(%arg25 : memref<!tpu.dma_semaphore, #tpu.memory_space<semaphore_mem>>)
        %dma_start3A_1020 = arith.constant 104 : i32
        %dma_start3A_1021 = arith.constant 0 : i32
        %dma_start3A_1022 = tpu.memref_slice %arg13[%dma_start3A_1020, %dma_start3A_1021] : memref<200x64xbf16, #tpu.memory_space<vmem>> -> memref<96x64xbf16, #tpu.memory_space<vmem>>
        %dma_start3A_1023 = arith.constant 104 : i32
        %dma_start3A_1024 = tpu.memref_slice %arg8[%select_n3A_994, %select_n3A_1010, %dma_start3A_1023] : memref<2x16x200xi32, #tpu.memory_space<vmem>> -> memref<1x1x96xi32, #tpu.memory_space<vmem>>
        %dma_start3A_1025 = tpu.memref_squeeze %dma_start3A_1024 : memref<1x1x96xi32, #tpu.memory_space<vmem>> -> memref<96xi32, #tpu.memory_space<vmem>>
        %dma_start3A_1026 = arith.constant 0 : i32
        %dma_start3A_1027 = arith.constant 0 : i32
        %dma_start3A_1028 = tpu.memref_slice %arg3[%dma_start3A_1026, %dma_start3A_1027] : memref<100000x64xbf16, #tpu.memory_space<hbm>> -> memref<100000x64xbf16, #tpu.memory_space<hbm>>
        tpu.enqueue_indirect_dma source(%dma_start3A_1028 : memref<100000x64xbf16, #tpu.memory_space<hbm>>) target(%dma_start3A_1022 : memref<96x64xbf16, #tpu.memory_space<vmem>>) offsets(%dma_start3A_1025 : memref<96xi32, #tpu.memory_space<vmem>>) semaphore(%arg25 : memref<!tpu.dma_semaphore, #tpu.memory_space<semaphore_mem>>)
      } else {
      }
      %dma_wait3A_642 = arith.constant 0 : i32
      %dma_wait3A_643 = arith.constant 0 : i32
      %dma_wait3A_644 = arith.constant 0 : i32
      %dma_wait3A_645 = arith.constant 0 : i32
      %dma_wait3A_646 = tpu.memref_slice %arg14[%dma_wait3A_644, %dma_wait3A_645] : memref<200x64xbf16, #tpu.memory_space<vmem>> -> memref<104x64xbf16, #tpu.memory_space<vmem>>
      %dma_wait3A_647 = arith.constant 0 : i32
      %dma_wait3A_648 = tpu.memref_slice %arg8[%dma_wait3A_642, %dma_wait3A_643, %dma_wait3A_647] : memref<2x16x200xi32, #tpu.memory_space<vmem>> -> memref<1x1x104xi32, #tpu.memory_space<vmem>>
      %dma_wait3A_649 = tpu.memref_squeeze %dma_wait3A_648 : memref<1x1x104xi32, #tpu.memory_space<vmem>> -> memref<104xi32, #tpu.memory_space<vmem>>
      %dma_wait3A_650 = arith.constant 0 : i32
      %dma_wait3A_651 = arith.constant 0 : i32
      %dma_wait3A_652 = tpu.memref_slice %arg3[%dma_wait3A_650, %dma_wait3A_651] : memref<100000x64xbf16, #tpu.memory_space<hbm>> -> memref<100000x64xbf16, #tpu.memory_space<hbm>>
      tpu.wait_indirect_dma semaphore(%arg26 : memref<!tpu.dma_semaphore, #tpu.memory_space<semaphore_mem>>) src(%dma_wait3A_652 : memref<100000x64xbf16, #tpu.memory_space<hbm>>) dst(%dma_wait3A_646 : memref<104x64xbf16, #tpu.memory_space<vmem>>)
      %dma_wait3A_653 = arith.constant 0 : i32
      %dma_wait3A_654 = arith.constant 0 : i32
      %dma_wait3A_655 = arith.constant 104 : i32
      %dma_wait3A_656 = arith.constant 0 : i32
      %dma_wait3A_657 = tpu.memref_slice %arg14[%dma_wait3A_655, %dma_wait3A_656] : memref<200x64xbf16, #tpu.memory_space<vmem>> -> memref<96x64xbf16, #tpu.memory_space<vmem>>
      %dma_wait3A_658 = arith.constant 0 : i32
      %dma_wait3A_659 = tpu.memref_slice %arg8[%dma_wait3A_653, %dma_wait3A_654, %dma_wait3A_658] : memref<2x16x200xi32, #tpu.memory_space<vmem>> -> memref<1x1x96xi32, #tpu.memory_space<vmem>>
      %dma_wait3A_660 = tpu.memref_squeeze %dma_wait3A_659 : memref<1x1x96xi32, #tpu.memory_space<vmem>> -> memref<96xi32, #tpu.memory_space<vmem>>
      %dma_wait3A_661 = arith.constant 0 : i32
      %dma_wait3A_662 = arith.constant 0 : i32
      %dma_wait3A_663 = tpu.memref_slice %arg3[%dma_wait3A_661, %dma_wait3A_662] : memref<100000x64xbf16, #tpu.memory_space<hbm>> -> memref<100000x64xbf16, #tpu.memory_space<hbm>>
      tpu.wait_indirect_dma semaphore(%arg26 : memref<!tpu.dma_semaphore, #tpu.memory_space<semaphore_mem>>) src(%dma_wait3A_663 : memref<100000x64xbf16, #tpu.memory_space<hbm>>) dst(%dma_wait3A_657 : memref<96x64xbf16, #tpu.memory_space<vmem>>)
      %add3A_664 = arith.constant 5 : i32
      %add3A_665 = arith.addi %mul3A_219, %add3A_664 : i32
      %broadcast_in_dim3A_666 = arith.constant 0.000000e+00 : bf16
      %broadcast_in_dim3A_667 = vector.broadcast %broadcast_in_dim3A_666 : bf16 to vector<32xbf16>
      %scan3A_668 = arith.constant 0 : i32
      %scan3A_669 = arith.constant 25 : i32
      %scan3A_670 = arith.addi %scan3A_668, %scan3A_669 : i32
      %scan3A_671 = arith.constant 1 : i32
      %scan3A_672:2 = scf.for %scan3A_956 = %scan3A_668 to %scan3A_670 step %scan3A_671 iter_args(%scan3A_957 = %broadcast_in_dim3A_667, %scan3A_958 = %broadcast_in_dim3A_667) -> (vector<32xbf16>, vector<32xbf16>)  : i32 {
        %mul3A_959 = arith.constant 8 : i32
        %mul3A_960 = arith.muli %scan3A_956, %mul3A_959 : i32
        %add3A_961 = arith.constant 0 : i32
        %add3A_962 = arith.addi %mul3A_960, %add3A_961 : i32
        %get3A_963 = arith.index_cast %add3A_962 : i32 to index
        %get3A_964 = arith.constant 0 : index
        %get3A_965 = tpu.vector_load %arg14[%get3A_963, %get3A_964] {strides = array<i32>} : memref<200x64xbf16, #tpu.memory_space<vmem>>, vector<32xbf16>,
        %add3A_966 = arith.addf %scan3A_957, %get3A_965 : vector<32xbf16>
        %get3A_967 = arith.index_cast %add3A_962 : i32 to index
        %get3A_968 = arith.constant 32 : index
        %get3A_969 = tpu.vector_load %arg14[%get3A_967, %get3A_968] {strides = array<i32>} : memref<200x64xbf16, #tpu.memory_space<vmem>>, vector<32xbf16>,
        %add3A_970 = arith.addf %scan3A_958, %get3A_969 : vector<32xbf16>
        %add3A_971 = arith.constant 1 : i32
        %add3A_972 = arith.addi %mul3A_960, %add3A_971 : i32
        %get3A_973 = arith.index_cast %add3A_972 : i32 to index
        %get3A_974 = arith.constant 0 : index
        %get3A_975 = tpu.vector_load %arg14[%get3A_973, %get3A_974] {strides = array<i32>} : memref<200x64xbf16, #tpu.memory_space<vmem>>, vector<32xbf16>,
        %add3A_976 = arith.addf %add3A_966, %get3A_975 : vector<32xbf16>
        %get3A_977 = arith.index_cast %add3A_972 : i32 to index
        %get3A_978 = arith.constant 32 : index
        %get3A_979 = tpu.vector_load %arg14[%get3A_977, %get3A_978] {strides = array<i32>} : memref<200x64xbf16, #tpu.memory_space<vmem>>, vector<32xbf16>,
        %add3A_980 = arith.addf %add3A_970, %get3A_979 : vector<32xbf16>
        %add3A_981 = arith.constant 2 : i32
        %add3A_982 = arith.addi %mul3A_960, %add3A_981 : i32
        %get3A_983 = arith.index_cast %add3A_982 : i32 to index
        %get3A_984 = arith.constant 0 : index
        %get3A_985 = tpu.vector_load %arg14[%get3A_983, %get3A_984] {strides = array<i32>} : memref<200x64xbf16, #tpu.memory_space<vmem>>, vector<32xbf16>,
        %add3A_986 = arith.addf %add3A_976, %get3A_985 : vector<32xbf16>
        %get3A_987 = arith.index_cast %add3A_982 : i32 to index
        %get3A_988 = arith.constant 32 : index
        %get3A_989 = tpu.vector_load %arg14[%get3A_987, %get3A_988] {strides = array<i32>} : memref<200x64xbf16, #tpu.memory_space<vmem>>, vector<32xbf16>,
        %add3A_990 = arith.addf %add3A_980, %get3A_989 : vector<32xbf16>
        %add3A_991 = arith.constant 3 : i32
        %add3A_992 = arith.addi %mul3A_960, %add3A_991 : i32
        %get3A_993 = arith.index_cast %add3A_992 : i32 to index
        %get3A_994 = arith.constant 0 : index
        %get3A_995 = tpu.vector_load %arg14[%get3A_993, %get3A_994] {strides = array<i32>} : memref<200x64xbf16, #tpu.memory_space<vmem>>, vector<32xbf16>,
        %add3A_996 = arith.addf %add3A_986, %get3A_995 : vector<32xbf16>
        %get3A_997 = arith.index_cast %add3A_992 : i32 to index
        %get3A_998 = arith.constant 32 : index
        %get3A_999 = tpu.vector_load %arg14[%get3A_997, %get3A_998] {strides = array<i32>} : memref<200x64xbf16, #tpu.memory_space<vmem>>, vector<32xbf16>,
        %add3A_1000 = arith.addf %add3A_990, %get3A_999 : vector<32xbf16>
        %add3A_1001 = arith.constant 4 : i32
        %add3A_1002 = arith.addi %mul3A_960, %add3A_1001 : i32
        %get3A_1003 = arith.index_cast %add3A_1002 : i32 to index
        %get3A_1004 = arith.constant 0 : index
        %get3A_1005 = tpu.vector_load %arg14[%get3A_1003, %get3A_1004] {strides = array<i32>} : memref<200x64xbf16, #tpu.memory_space<vmem>>, vector<32xbf16>,
        %add3A_1006 = arith.addf %add3A_996, %get3A_1005 : vector<32xbf16>
        %get3A_1007 = arith.index_cast %add3A_1002 : i32 to index
        %get3A_1008 = arith.constant 32 : index
        %get3A_1009 = tpu.vector_load %arg14[%get3A_1007, %get3A_1008] {strides = array<i32>} : memref<200x64xbf16, #tpu.memory_space<vmem>>, vector<32xbf16>,
        %add3A_1010 = arith.addf %add3A_1000, %get3A_1009 : vector<32xbf16>
        %add3A_1011 = arith.constant 5 : i32
        %add3A_1012 = arith.addi %mul3A_960, %add3A_1011 : i32
        %get3A_1013 = arith.index_cast %add3A_1012 : i32 to index
        %get3A_1014 = arith.constant 0 : index
        %get3A_1015 = tpu.vector_load %arg14[%get3A_1013, %get3A_1014] {strides = array<i32>} : memref<200x64xbf16, #tpu.memory_space<vmem>>, vector<32xbf16>,
        %add3A_1016 = arith.addf %add3A_1006, %get3A_1015 : vector<32xbf16>
        %get3A_1017 = arith.index_cast %add3A_1012 : i32 to index
        %get3A_1018 = arith.constant 32 : index
        %get3A_1019 = tpu.vector_load %arg14[%get3A_1017, %get3A_1018] {strides = array<i32>} : memref<200x64xbf16, #tpu.memory_space<vmem>>, vector<32xbf16>,
        %add3A_1020 = arith.addf %add3A_1010, %get3A_1019 : vector<32xbf16>
        %add3A_1021 = arith.constant 6 : i32
        %add3A_1022 = arith.addi %mul3A_960, %add3A_1021 : i32
        %get3A_1023 = arith.index_cast %add3A_1022 : i32 to index
        %get3A_1024 = arith.constant 0 : index
        %get3A_1025 = tpu.vector_load %arg14[%get3A_1023, %get3A_1024] {strides = array<i32>} : memref<200x64xbf16, #tpu.memory_space<vmem>>, vector<32xbf16>,
        %add3A_1026 = arith.addf %add3A_1016, %get3A_1025 : vector<32xbf16>
        %get3A_1027 = arith.index_cast %add3A_1022 : i32 to index
        %get3A_1028 = arith.constant 32 : index
        %get3A_1029 = tpu.vector_load %arg14[%get3A_1027, %get3A_1028] {strides = array<i32>} : memref<200x64xbf16, #tpu.memory_space<vmem>>, vector<32xbf16>,
        %add3A_1030 = arith.addf %add3A_1020, %get3A_1029 : vector<32xbf16>
        %add3A_1031 = arith.constant 7 : i32
        %add3A_1032 = arith.addi %mul3A_960, %add3A_1031 : i32
        %get3A_1033 = arith.index_cast %add3A_1032 : i32 to index
        %get3A_1034 = arith.constant 0 : index
        %get3A_1035 = tpu.vector_load %arg14[%get3A_1033, %get3A_1034] {strides = array<i32>} : memref<200x64xbf16, #tpu.memory_space<vmem>>, vector<32xbf16>,
        %add3A_1036 = arith.addf %add3A_1026, %get3A_1035 : vector<32xbf16>
        %get3A_1037 = arith.index_cast %add3A_1032 : i32 to index
        %get3A_1038 = arith.constant 32 : index
        %get3A_1039 = tpu.vector_load %arg14[%get3A_1037, %get3A_1038] {strides = array<i32>} : memref<200x64xbf16, #tpu.memory_space<vmem>>, vector<32xbf16>,
        %add3A_1040 = arith.addf %add3A_1030, %get3A_1039 : vector<32xbf16>
        scf.yield %add3A_1036, %add3A_1040 : vector<32xbf16>, vector<32xbf16>
      }
      %scan3A_673 = arith.constant 25 : i32
      %broadcast_in_dim3A_674 = arith.constant 0.000000e+00 : bf16
      %broadcast_in_dim3A_675 = vector.broadcast %broadcast_in_dim3A_674 : bf16 to vector<32xbf16>
      %get3A_676 = arith.constant 0 : index
      %get3A_677 = tpu.vector_load %arg18[%get3A_676] {strides = array<i32>} : memref<64xbf16, #tpu.memory_space<vmem>>, vector<32xbf16>,
      %add3A_678 = arith.addf %scan3A_672#0, %get3A_677 : vector<32xbf16>
      %max3A_679 = arith.maximumf %add3A_678, %broadcast_in_dim3A_675 : vector<32xbf16>
      %get3A_680 = arith.constant 32 : index
      %get3A_681 = tpu.vector_load %arg18[%get3A_680] {strides = array<i32>} : memref<64xbf16, #tpu.memory_space<vmem>>, vector<32xbf16>,
      %add3A_682 = arith.addf %scan3A_672#1, %get3A_681 : vector<32xbf16>
      %max3A_683 = arith.maximumf %add3A_682, %broadcast_in_dim3A_675 : vector<32xbf16>
      %get3A_684 = arith.constant 0 : index
      %get3A_685 = tpu.vector_load %arg19[%get3A_684] {strides = array<i32>} : memref<64xbf16, #tpu.memory_space<vmem>>, vector<32xbf16>,
      %mul3A_686 = arith.mulf %max3A_679, %get3A_685 : vector<32xbf16>
      %get3A_687 = arith.constant 32 : index
      %get3A_688 = tpu.vector_load %arg19[%get3A_687] {strides = array<i32>} : memref<64xbf16, #tpu.memory_space<vmem>>, vector<32xbf16>,
      %mul3A_689 = arith.mulf %max3A_683, %get3A_688 : vector<32xbf16>
      %add3A_690 = arith.addf %mul3A_686, %mul3A_689 : vector<32xbf16>
      %unpack3A_691 = tpu.unpack_subelements %add3A_690, 0 {pack_format = #tpu.pack_format<interleaved>} : vector<32xbf16> -> vector<16xf32>
      %unpack3A_692 = tpu.unpack_subelements %add3A_690, 1 {pack_format = #tpu.pack_format<interleaved>} : vector<32xbf16> -> vector<16xf32>
      %add3A_693 = arith.addf %unpack3A_691, %unpack3A_692 : vector<16xf32>
      %reduce_sum3A_694 = arith.constant true
      %reduce_sum3A_695 = vector.broadcast %reduce_sum3A_694 : i1 to vector<16xi1>
      %reduce_sum3A_696 = tpu.scan <sum>, %add3A_693 masked %reduce_sum3A_695 : vector<16xf32>, vector<16xi1> -> vector<16xf32>
      %reduce_sum3A_697 = vector.extract %reduce_sum3A_696[15] : f32 from vector<16xf32>
      %iota3A_698 = tpu.iota {dimensions = array<i32: 0>} : vector<16xi32>
      %jit3A_699 = arith.constant 16 : i32
      %eq3A_700 = arith.constant 0 : i32
      %eq3A_701 = arith.cmpi eq, %jit3A_699, %eq3A_700 : i32
      %jit3A_702 = arith.constant 1 : i32
      %select_n3A_703 = arith.select %eq3A_701, %jit3A_702, %jit3A_699 : i32
      %rem3A_704 = arith.remsi %add3A_665, %select_n3A_703 : i32
      %ne3A_705 = arith.constant 0 : i32
      %ne3A_706 = arith.cmpi ne, %rem3A_704, %ne3A_705 : i32
      %lt3A_707 = arith.constant 0 : i32
      %lt3A_708 = arith.cmpi slt, %rem3A_704, %lt3A_707 : i32
      %lt3A_709 = arith.constant 0 : i32
      %lt3A_710 = arith.cmpi slt, %select_n3A_703, %lt3A_709 : i32
      %ne3A_711 = arith.xori %lt3A_708, %lt3A_710 : i1
      %and3A_712 = arith.andi %ne3A_711, %ne3A_706 : i1
      %add3A_713 = arith.addi %rem3A_704, %select_n3A_703 : i32
      %select_n3A_714 = arith.select %and3A_712, %add3A_713, %rem3A_704 : i32
      %eq3A_715 = vector.broadcast %select_n3A_714 : i32 to vector<16xi32>
      %eq3A_716 = arith.cmpi eq, %iota3A_698, %eq3A_715 : vector<16xi32>
      %broadcast_in_dim3A_717 = vector.broadcast %reduce_sum3A_697 : f32 to vector<16xf32>
      %select_n3A_718 = arith.select %eq3A_716, %broadcast_in_dim3A_717, %select_n3A_636 : vector<16xi1>, vector<16xf32>
      %lt3A_719 = arith.constant 512 : i32
      %lt3A_720 = arith.cmpi slt, %add3A_221, %lt3A_719 : i32
      %convert_element_type3A_721 = arith.extui %lt3A_720 : i1 to i32
      %cond3A_722 = arith.constant 0 : i32
      %cond3A_723 = arith.cmpi ne, %convert_element_type3A_721, %cond3A_722 : i32
      scf.if %cond3A_723 {
        %add3A_956 = arith.constant 5 : i32
        %add3A_957 = arith.addi %add3A_221, %add3A_956 : i32
        %jit3A_958 = arith.constant 16 : i32
        %div3A = arith.divsi %add3A_957, %jit3A_958 : i32
        %sign3A = arith.constant 0 : i32
        %sign3A_959 = arith.cmpi sgt, %add3A_957, %sign3A : i32
        %sign3A_960 = arith.extui %sign3A_959 : i1 to i32
        %sign3A_961 = arith.constant 0 : i32
        %sign3A_962 = arith.cmpi slt, %add3A_957, %sign3A_961 : i32
        %sign3A_963 = arith.extui %sign3A_962 : i1 to i32
        %sign3A_964 = arith.subi %sign3A_960, %sign3A_963 : i32
        %sign3A_965 = arith.constant 0 : i32
        %sign3A_966 = arith.cmpi sgt, %jit3A_958, %sign3A_965 : i32
        %sign3A_967 = arith.extui %sign3A_966 : i1 to i32
        %sign3A_968 = arith.constant 0 : i32
        %sign3A_969 = arith.cmpi slt, %jit3A_958, %sign3A_968 : i32
        %sign3A_970 = arith.extui %sign3A_969 : i1 to i32
        %sign3A_971 = arith.subi %sign3A_967, %sign3A_970 : i32
        %ne3A_972 = arith.cmpi ne, %sign3A_964, %sign3A_971 : i32
        %rem3A_973 = arith.remsi %add3A_957, %jit3A_958 : i32
        %ne3A_974 = arith.constant 0 : i32
        %ne3A_975 = arith.cmpi ne, %rem3A_973, %ne3A_974 : i32
        %and3A_976 = arith.andi %ne3A_972, %ne3A_975 : i1
        %sub3A = arith.constant 1 : i32
        %sub3A_977 = arith.subi %div3A, %sub3A : i32
        %select_n3A_978 = arith.select %and3A_976, %sub3A_977, %div3A : i32
        %jit3A_979 = arith.constant 2 : i32
        %eq3A_980 = arith.constant 0 : i32
        %eq3A_981 = arith.cmpi eq, %jit3A_979, %eq3A_980 : i32
        %jit3A_982 = arith.constant 1 : i32
        %select_n3A_983 = arith.select %eq3A_981, %jit3A_982, %jit3A_979 : i32
        %rem3A_984 = arith.remsi %select_n3A_978, %select_n3A_983 : i32
        %ne3A_985 = arith.constant 0 : i32
        %ne3A_986 = arith.cmpi ne, %rem3A_984, %ne3A_985 : i32
        %lt3A_987 = arith.constant 0 : i32
        %lt3A_988 = arith.cmpi slt, %rem3A_984, %lt3A_987 : i32
        %lt3A_989 = arith.constant 0 : i32
        %lt3A_990 = arith.cmpi slt, %select_n3A_983, %lt3A_989 : i32
        %ne3A_991 = arith.xori %lt3A_988, %lt3A_990 : i1
        %and3A_992 = arith.andi %ne3A_991, %ne3A_986 : i1
        %add3A_993 = arith.addi %rem3A_984, %select_n3A_983 : i32
        %select_n3A_994 = arith.select %and3A_992, %add3A_993, %rem3A_984 : i32
        %jit3A_995 = arith.constant 16 : i32
        %eq3A_996 = arith.constant 0 : i32
        %eq3A_997 = arith.cmpi eq, %jit3A_995, %eq3A_996 : i32
        %jit3A_998 = arith.constant 1 : i32
        %select_n3A_999 = arith.select %eq3A_997, %jit3A_998, %jit3A_995 : i32
        %rem3A_1000 = arith.remsi %add3A_957, %select_n3A_999 : i32
        %ne3A_1001 = arith.constant 0 : i32
        %ne3A_1002 = arith.cmpi ne, %rem3A_1000, %ne3A_1001 : i32
        %lt3A_1003 = arith.constant 0 : i32
        %lt3A_1004 = arith.cmpi slt, %rem3A_1000, %lt3A_1003 : i32
        %lt3A_1005 = arith.constant 0 : i32
        %lt3A_1006 = arith.cmpi slt, %select_n3A_999, %lt3A_1005 : i32
        %ne3A_1007 = arith.xori %lt3A_1004, %lt3A_1006 : i1
        %and3A_1008 = arith.andi %ne3A_1007, %ne3A_1002 : i1
        %add3A_1009 = arith.addi %rem3A_1000, %select_n3A_999 : i32
        %select_n3A_1010 = arith.select %and3A_1008, %add3A_1009, %rem3A_1000 : i32
        %dma_start3A_1011 = arith.constant 0 : i32
        %dma_start3A_1012 = arith.constant 0 : i32
        %dma_start3A_1013 = tpu.memref_slice %arg14[%dma_start3A_1011, %dma_start3A_1012] : memref<200x64xbf16, #tpu.memory_space<vmem>> -> memref<104x64xbf16, #tpu.memory_space<vmem>>
        %dma_start3A_1014 = arith.constant 0 : i32
        %dma_start3A_1015 = tpu.memref_slice %arg8[%select_n3A_994, %select_n3A_1010, %dma_start3A_1014] : memref<2x16x200xi32, #tpu.memory_space<vmem>> -> memref<1x1x104xi32, #tpu.memory_space<vmem>>
        %dma_start3A_1016 = tpu.memref_squeeze %dma_start3A_1015 : memref<1x1x104xi32, #tpu.memory_space<vmem>> -> memref<104xi32, #tpu.memory_space<vmem>>
        %dma_start3A_1017 = arith.constant 0 : i32
        %dma_start3A_1018 = arith.constant 0 : i32
        %dma_start3A_1019 = tpu.memref_slice %arg3[%dma_start3A_1017, %dma_start3A_1018] : memref<100000x64xbf16, #tpu.memory_space<hbm>> -> memref<100000x64xbf16, #tpu.memory_space<hbm>>
        tpu.enqueue_indirect_dma source(%dma_start3A_1019 : memref<100000x64xbf16, #tpu.memory_space<hbm>>) target(%dma_start3A_1013 : memref<104x64xbf16, #tpu.memory_space<vmem>>) offsets(%dma_start3A_1016 : memref<104xi32, #tpu.memory_space<vmem>>) semaphore(%arg26 : memref<!tpu.dma_semaphore, #tpu.memory_space<semaphore_mem>>)
        %dma_start3A_1020 = arith.constant 104 : i32
        %dma_start3A_1021 = arith.constant 0 : i32
        %dma_start3A_1022 = tpu.memref_slice %arg14[%dma_start3A_1020, %dma_start3A_1021] : memref<200x64xbf16, #tpu.memory_space<vmem>> -> memref<96x64xbf16, #tpu.memory_space<vmem>>
        %dma_start3A_1023 = arith.constant 104 : i32
        %dma_start3A_1024 = tpu.memref_slice %arg8[%select_n3A_994, %select_n3A_1010, %dma_start3A_1023] : memref<2x16x200xi32, #tpu.memory_space<vmem>> -> memref<1x1x96xi32, #tpu.memory_space<vmem>>
        %dma_start3A_1025 = tpu.memref_squeeze %dma_start3A_1024 : memref<1x1x96xi32, #tpu.memory_space<vmem>> -> memref<96xi32, #tpu.memory_space<vmem>>
        %dma_start3A_1026 = arith.constant 0 : i32
        %dma_start3A_1027 = arith.constant 0 : i32
        %dma_start3A_1028 = tpu.memref_slice %arg3[%dma_start3A_1026, %dma_start3A_1027] : memref<100000x64xbf16, #tpu.memory_space<hbm>> -> memref<100000x64xbf16, #tpu.memory_space<hbm>>
        tpu.enqueue_indirect_dma source(%dma_start3A_1028 : memref<100000x64xbf16, #tpu.memory_space<hbm>>) target(%dma_start3A_1022 : memref<96x64xbf16, #tpu.memory_space<vmem>>) offsets(%dma_start3A_1025 : memref<96xi32, #tpu.memory_space<vmem>>) semaphore(%arg26 : memref<!tpu.dma_semaphore, #tpu.memory_space<semaphore_mem>>)
      } else {
      }
      %dma_wait3A_724 = arith.constant 0 : i32
      %dma_wait3A_725 = arith.constant 0 : i32
      %dma_wait3A_726 = arith.constant 0 : i32
      %dma_wait3A_727 = arith.constant 0 : i32
      %dma_wait3A_728 = tpu.memref_slice %arg15[%dma_wait3A_726, %dma_wait3A_727] : memref<200x64xbf16, #tpu.memory_space<vmem>> -> memref<104x64xbf16, #tpu.memory_space<vmem>>
      %dma_wait3A_729 = arith.constant 0 : i32
      %dma_wait3A_730 = tpu.memref_slice %arg8[%dma_wait3A_724, %dma_wait3A_725, %dma_wait3A_729] : memref<2x16x200xi32, #tpu.memory_space<vmem>> -> memref<1x1x104xi32, #tpu.memory_space<vmem>>
      %dma_wait3A_731 = tpu.memref_squeeze %dma_wait3A_730 : memref<1x1x104xi32, #tpu.memory_space<vmem>> -> memref<104xi32, #tpu.memory_space<vmem>>
      %dma_wait3A_732 = arith.constant 0 : i32
      %dma_wait3A_733 = arith.constant 0 : i32
      %dma_wait3A_734 = tpu.memref_slice %arg3[%dma_wait3A_732, %dma_wait3A_733] : memref<100000x64xbf16, #tpu.memory_space<hbm>> -> memref<100000x64xbf16, #tpu.memory_space<hbm>>
      tpu.wait_indirect_dma semaphore(%arg27 : memref<!tpu.dma_semaphore, #tpu.memory_space<semaphore_mem>>) src(%dma_wait3A_734 : memref<100000x64xbf16, #tpu.memory_space<hbm>>) dst(%dma_wait3A_728 : memref<104x64xbf16, #tpu.memory_space<vmem>>)
      %dma_wait3A_735 = arith.constant 0 : i32
      %dma_wait3A_736 = arith.constant 0 : i32
      %dma_wait3A_737 = arith.constant 104 : i32
      %dma_wait3A_738 = arith.constant 0 : i32
      %dma_wait3A_739 = tpu.memref_slice %arg15[%dma_wait3A_737, %dma_wait3A_738] : memref<200x64xbf16, #tpu.memory_space<vmem>> -> memref<96x64xbf16, #tpu.memory_space<vmem>>
      %dma_wait3A_740 = arith.constant 0 : i32
      %dma_wait3A_741 = tpu.memref_slice %arg8[%dma_wait3A_735, %dma_wait3A_736, %dma_wait3A_740] : memref<2x16x200xi32, #tpu.memory_space<vmem>> -> memref<1x1x96xi32, #tpu.memory_space<vmem>>
      %dma_wait3A_742 = tpu.memref_squeeze %dma_wait3A_741 : memref<1x1x96xi32, #tpu.memory_space<vmem>> -> memref<96xi32, #tpu.memory_space<vmem>>
      %dma_wait3A_743 = arith.constant 0 : i32
      %dma_wait3A_744 = arith.constant 0 : i32
      %dma_wait3A_745 = tpu.memref_slice %arg3[%dma_wait3A_743, %dma_wait3A_744] : memref<100000x64xbf16, #tpu.memory_space<hbm>> -> memref<100000x64xbf16, #tpu.memory_space<hbm>>
      tpu.wait_indirect_dma semaphore(%arg27 : memref<!tpu.dma_semaphore, #tpu.memory_space<semaphore_mem>>) src(%dma_wait3A_745 : memref<100000x64xbf16, #tpu.memory_space<hbm>>) dst(%dma_wait3A_739 : memref<96x64xbf16, #tpu.memory_space<vmem>>)
      %add3A_746 = arith.constant 6 : i32
      %add3A_747 = arith.addi %mul3A_219, %add3A_746 : i32
      %broadcast_in_dim3A_748 = arith.constant 0.000000e+00 : bf16
      %broadcast_in_dim3A_749 = vector.broadcast %broadcast_in_dim3A_748 : bf16 to vector<32xbf16>
      %scan3A_750 = arith.constant 0 : i32
      %scan3A_751 = arith.constant 25 : i32
      %scan3A_752 = arith.addi %scan3A_750, %scan3A_751 : i32
      %scan3A_753 = arith.constant 1 : i32
      %scan3A_754:2 = scf.for %scan3A_956 = %scan3A_750 to %scan3A_752 step %scan3A_753 iter_args(%scan3A_957 = %broadcast_in_dim3A_749, %scan3A_958 = %broadcast_in_dim3A_749) -> (vector<32xbf16>, vector<32xbf16>)  : i32 {
        %mul3A_959 = arith.constant 8 : i32
        %mul3A_960 = arith.muli %scan3A_956, %mul3A_959 : i32
        %add3A_961 = arith.constant 0 : i32
        %add3A_962 = arith.addi %mul3A_960, %add3A_961 : i32
        %get3A_963 = arith.index_cast %add3A_962 : i32 to index
        %get3A_964 = arith.constant 0 : index
        %get3A_965 = tpu.vector_load %arg15[%get3A_963, %get3A_964] {strides = array<i32>} : memref<200x64xbf16, #tpu.memory_space<vmem>>, vector<32xbf16>,
        %add3A_966 = arith.addf %scan3A_957, %get3A_965 : vector<32xbf16>
        %get3A_967 = arith.index_cast %add3A_962 : i32 to index
        %get3A_968 = arith.constant 32 : index
        %get3A_969 = tpu.vector_load %arg15[%get3A_967, %get3A_968] {strides = array<i32>} : memref<200x64xbf16, #tpu.memory_space<vmem>>, vector<32xbf16>,
        %add3A_970 = arith.addf %scan3A_958, %get3A_969 : vector<32xbf16>
        %add3A_971 = arith.constant 1 : i32
        %add3A_972 = arith.addi %mul3A_960, %add3A_971 : i32
        %get3A_973 = arith.index_cast %add3A_972 : i32 to index
        %get3A_974 = arith.constant 0 : index
        %get3A_975 = tpu.vector_load %arg15[%get3A_973, %get3A_974] {strides = array<i32>} : memref<200x64xbf16, #tpu.memory_space<vmem>>, vector<32xbf16>,
        %add3A_976 = arith.addf %add3A_966, %get3A_975 : vector<32xbf16>
        %get3A_977 = arith.index_cast %add3A_972 : i32 to index
        %get3A_978 = arith.constant 32 : index
        %get3A_979 = tpu.vector_load %arg15[%get3A_977, %get3A_978] {strides = array<i32>} : memref<200x64xbf16, #tpu.memory_space<vmem>>, vector<32xbf16>,
        %add3A_980 = arith.addf %add3A_970, %get3A_979 : vector<32xbf16>
        %add3A_981 = arith.constant 2 : i32
        %add3A_982 = arith.addi %mul3A_960, %add3A_981 : i32
        %get3A_983 = arith.index_cast %add3A_982 : i32 to index
        %get3A_984 = arith.constant 0 : index
        %get3A_985 = tpu.vector_load %arg15[%get3A_983, %get3A_984] {strides = array<i32>} : memref<200x64xbf16, #tpu.memory_space<vmem>>, vector<32xbf16>,
        %add3A_986 = arith.addf %add3A_976, %get3A_985 : vector<32xbf16>
        %get3A_987 = arith.index_cast %add3A_982 : i32 to index
        %get3A_988 = arith.constant 32 : index
        %get3A_989 = tpu.vector_load %arg15[%get3A_987, %get3A_988] {strides = array<i32>} : memref<200x64xbf16, #tpu.memory_space<vmem>>, vector<32xbf16>,
        %add3A_990 = arith.addf %add3A_980, %get3A_989 : vector<32xbf16>
        %add3A_991 = arith.constant 3 : i32
        %add3A_992 = arith.addi %mul3A_960, %add3A_991 : i32
        %get3A_993 = arith.index_cast %add3A_992 : i32 to index
        %get3A_994 = arith.constant 0 : index
        %get3A_995 = tpu.vector_load %arg15[%get3A_993, %get3A_994] {strides = array<i32>} : memref<200x64xbf16, #tpu.memory_space<vmem>>, vector<32xbf16>,
        %add3A_996 = arith.addf %add3A_986, %get3A_995 : vector<32xbf16>
        %get3A_997 = arith.index_cast %add3A_992 : i32 to index
        %get3A_998 = arith.constant 32 : index
        %get3A_999 = tpu.vector_load %arg15[%get3A_997, %get3A_998] {strides = array<i32>} : memref<200x64xbf16, #tpu.memory_space<vmem>>, vector<32xbf16>,
        %add3A_1000 = arith.addf %add3A_990, %get3A_999 : vector<32xbf16>
        %add3A_1001 = arith.constant 4 : i32
        %add3A_1002 = arith.addi %mul3A_960, %add3A_1001 : i32
        %get3A_1003 = arith.index_cast %add3A_1002 : i32 to index
        %get3A_1004 = arith.constant 0 : index
        %get3A_1005 = tpu.vector_load %arg15[%get3A_1003, %get3A_1004] {strides = array<i32>} : memref<200x64xbf16, #tpu.memory_space<vmem>>, vector<32xbf16>,
        %add3A_1006 = arith.addf %add3A_996, %get3A_1005 : vector<32xbf16>
        %get3A_1007 = arith.index_cast %add3A_1002 : i32 to index
        %get3A_1008 = arith.constant 32 : index
        %get3A_1009 = tpu.vector_load %arg15[%get3A_1007, %get3A_1008] {strides = array<i32>} : memref<200x64xbf16, #tpu.memory_space<vmem>>, vector<32xbf16>,
        %add3A_1010 = arith.addf %add3A_1000, %get3A_1009 : vector<32xbf16>
        %add3A_1011 = arith.constant 5 : i32
        %add3A_1012 = arith.addi %mul3A_960, %add3A_1011 : i32
        %get3A_1013 = arith.index_cast %add3A_1012 : i32 to index
        %get3A_1014 = arith.constant 0 : index
        %get3A_1015 = tpu.vector_load %arg15[%get3A_1013, %get3A_1014] {strides = array<i32>} : memref<200x64xbf16, #tpu.memory_space<vmem>>, vector<32xbf16>,
        %add3A_1016 = arith.addf %add3A_1006, %get3A_1015 : vector<32xbf16>
        %get3A_1017 = arith.index_cast %add3A_1012 : i32 to index
        %get3A_1018 = arith.constant 32 : index
        %get3A_1019 = tpu.vector_load %arg15[%get3A_1017, %get3A_1018] {strides = array<i32>} : memref<200x64xbf16, #tpu.memory_space<vmem>>, vector<32xbf16>,
        %add3A_1020 = arith.addf %add3A_1010, %get3A_1019 : vector<32xbf16>
        %add3A_1021 = arith.constant 6 : i32
        %add3A_1022 = arith.addi %mul3A_960, %add3A_1021 : i32
        %get3A_1023 = arith.index_cast %add3A_1022 : i32 to index
        %get3A_1024 = arith.constant 0 : index
        %get3A_1025 = tpu.vector_load %arg15[%get3A_1023, %get3A_1024] {strides = array<i32>} : memref<200x64xbf16, #tpu.memory_space<vmem>>, vector<32xbf16>,
        %add3A_1026 = arith.addf %add3A_1016, %get3A_1025 : vector<32xbf16>
        %get3A_1027 = arith.index_cast %add3A_1022 : i32 to index
        %get3A_1028 = arith.constant 32 : index
        %get3A_1029 = tpu.vector_load %arg15[%get3A_1027, %get3A_1028] {strides = array<i32>} : memref<200x64xbf16, #tpu.memory_space<vmem>>, vector<32xbf16>,
        %add3A_1030 = arith.addf %add3A_1020, %get3A_1029 : vector<32xbf16>
        %add3A_1031 = arith.constant 7 : i32
        %add3A_1032 = arith.addi %mul3A_960, %add3A_1031 : i32
        %get3A_1033 = arith.index_cast %add3A_1032 : i32 to index
        %get3A_1034 = arith.constant 0 : index
        %get3A_1035 = tpu.vector_load %arg15[%get3A_1033, %get3A_1034] {strides = array<i32>} : memref<200x64xbf16, #tpu.memory_space<vmem>>, vector<32xbf16>,
        %add3A_1036 = arith.addf %add3A_1026, %get3A_1035 : vector<32xbf16>
        %get3A_1037 = arith.index_cast %add3A_1032 : i32 to index
        %get3A_1038 = arith.constant 32 : index
        %get3A_1039 = tpu.vector_load %arg15[%get3A_1037, %get3A_1038] {strides = array<i32>} : memref<200x64xbf16, #tpu.memory_space<vmem>>, vector<32xbf16>,
        %add3A_1040 = arith.addf %add3A_1030, %get3A_1039 : vector<32xbf16>
        scf.yield %add3A_1036, %add3A_1040 : vector<32xbf16>, vector<32xbf16>
      }
      %scan3A_755 = arith.constant 25 : i32
      %broadcast_in_dim3A_756 = arith.constant 0.000000e+00 : bf16
      %broadcast_in_dim3A_757 = vector.broadcast %broadcast_in_dim3A_756 : bf16 to vector<32xbf16>
      %get3A_758 = arith.constant 0 : index
      %get3A_759 = tpu.vector_load %arg18[%get3A_758] {strides = array<i32>} : memref<64xbf16, #tpu.memory_space<vmem>>, vector<32xbf16>,
      %add3A_760 = arith.addf %scan3A_754#0, %get3A_759 : vector<32xbf16>
      %max3A_761 = arith.maximumf %add3A_760, %broadcast_in_dim3A_757 : vector<32xbf16>
      %get3A_762 = arith.constant 32 : index
      %get3A_763 = tpu.vector_load %arg18[%get3A_762] {strides = array<i32>} : memref<64xbf16, #tpu.memory_space<vmem>>, vector<32xbf16>,
      %add3A_764 = arith.addf %scan3A_754#1, %get3A_763 : vector<32xbf16>
      %max3A_765 = arith.maximumf %add3A_764, %broadcast_in_dim3A_757 : vector<32xbf16>
      %get3A_766 = arith.constant 0 : index
      %get3A_767 = tpu.vector_load %arg19[%get3A_766] {strides = array<i32>} : memref<64xbf16, #tpu.memory_space<vmem>>, vector<32xbf16>,
      %mul3A_768 = arith.mulf %max3A_761, %get3A_767 : vector<32xbf16>
      %get3A_769 = arith.constant 32 : index
      %get3A_770 = tpu.vector_load %arg19[%get3A_769] {strides = array<i32>} : memref<64xbf16, #tpu.memory_space<vmem>>, vector<32xbf16>,
      %mul3A_771 = arith.mulf %max3A_765, %get3A_770 : vector<32xbf16>
      %add3A_772 = arith.addf %mul3A_768, %mul3A_771 : vector<32xbf16>
      %unpack3A_773 = tpu.unpack_subelements %add3A_772, 0 {pack_format = #tpu.pack_format<interleaved>} : vector<32xbf16> -> vector<16xf32>
      %unpack3A_774 = tpu.unpack_subelements %add3A_772, 1 {pack_format = #tpu.pack_format<interleaved>} : vector<32xbf16> -> vector<16xf32>
      %add3A_775 = arith.addf %unpack3A_773, %unpack3A_774 : vector<16xf32>
      %reduce_sum3A_776 = arith.constant true
      %reduce_sum3A_777 = vector.broadcast %reduce_sum3A_776 : i1 to vector<16xi1>
      %reduce_sum3A_778 = tpu.scan <sum>, %add3A_775 masked %reduce_sum3A_777 : vector<16xf32>, vector<16xi1> -> vector<16xf32>
      %reduce_sum3A_779 = vector.extract %reduce_sum3A_778[15] : f32 from vector<16xf32>
      %iota3A_780 = tpu.iota {dimensions = array<i32: 0>} : vector<16xi32>
      %jit3A_781 = arith.constant 16 : i32
      %eq3A_782 = arith.constant 0 : i32
      %eq3A_783 = arith.cmpi eq, %jit3A_781, %eq3A_782 : i32
      %jit3A_784 = arith.constant 1 : i32
      %select_n3A_785 = arith.select %eq3A_783, %jit3A_784, %jit3A_781 : i32
      %rem3A_786 = arith.remsi %add3A_747, %select_n3A_785 : i32
      %ne3A_787 = arith.constant 0 : i32
      %ne3A_788 = arith.cmpi ne, %rem3A_786, %ne3A_787 : i32
      %lt3A_789 = arith.constant 0 : i32
      %lt3A_790 = arith.cmpi slt, %rem3A_786, %lt3A_789 : i32
      %lt3A_791 = arith.constant 0 : i32
      %lt3A_792 = arith.cmpi slt, %select_n3A_785, %lt3A_791 : i32
      %ne3A_793 = arith.xori %lt3A_790, %lt3A_792 : i1
      %and3A_794 = arith.andi %ne3A_793, %ne3A_788 : i1
      %add3A_795 = arith.addi %rem3A_786, %select_n3A_785 : i32
      %select_n3A_796 = arith.select %and3A_794, %add3A_795, %rem3A_786 : i32
      %eq3A_797 = vector.broadcast %select_n3A_796 : i32 to vector<16xi32>
      %eq3A_798 = arith.cmpi eq, %iota3A_780, %eq3A_797 : vector<16xi32>
      %broadcast_in_dim3A_799 = vector.broadcast %reduce_sum3A_779 : f32 to vector<16xf32>
      %select_n3A_800 = arith.select %eq3A_798, %broadcast_in_dim3A_799, %select_n3A_718 : vector<16xi1>, vector<16xf32>
      %lt3A_801 = arith.constant 512 : i32
      %lt3A_802 = arith.cmpi slt, %add3A_221, %lt3A_801 : i32
      %convert_element_type3A_803 = arith.extui %lt3A_802 : i1 to i32
      %cond3A_804 = arith.constant 0 : i32
      %cond3A_805 = arith.cmpi ne, %convert_element_type3A_803, %cond3A_804 : i32
      scf.if %cond3A_805 {
        %add3A_956 = arith.constant 6 : i32
        %add3A_957 = arith.addi %add3A_221, %add3A_956 : i32
        %jit3A_958 = arith.constant 16 : i32
        %div3A = arith.divsi %add3A_957, %jit3A_958 : i32
        %sign3A = arith.constant 0 : i32
        %sign3A_959 = arith.cmpi sgt, %add3A_957, %sign3A : i32
        %sign3A_960 = arith.extui %sign3A_959 : i1 to i32
        %sign3A_961 = arith.constant 0 : i32
        %sign3A_962 = arith.cmpi slt, %add3A_957, %sign3A_961 : i32
        %sign3A_963 = arith.extui %sign3A_962 : i1 to i32
        %sign3A_964 = arith.subi %sign3A_960, %sign3A_963 : i32
        %sign3A_965 = arith.constant 0 : i32
        %sign3A_966 = arith.cmpi sgt, %jit3A_958, %sign3A_965 : i32
        %sign3A_967 = arith.extui %sign3A_966 : i1 to i32
        %sign3A_968 = arith.constant 0 : i32
        %sign3A_969 = arith.cmpi slt, %jit3A_958, %sign3A_968 : i32
        %sign3A_970 = arith.extui %sign3A_969 : i1 to i32
        %sign3A_971 = arith.subi %sign3A_967, %sign3A_970 : i32
        %ne3A_972 = arith.cmpi ne, %sign3A_964, %sign3A_971 : i32
        %rem3A_973 = arith.remsi %add3A_957, %jit3A_958 : i32
        %ne3A_974 = arith.constant 0 : i32
        %ne3A_975 = arith.cmpi ne, %rem3A_973, %ne3A_974 : i32
        %and3A_976 = arith.andi %ne3A_972, %ne3A_975 : i1
        %sub3A = arith.constant 1 : i32
        %sub3A_977 = arith.subi %div3A, %sub3A : i32
        %select_n3A_978 = arith.select %and3A_976, %sub3A_977, %div3A : i32
        %jit3A_979 = arith.constant 2 : i32
        %eq3A_980 = arith.constant 0 : i32
        %eq3A_981 = arith.cmpi eq, %jit3A_979, %eq3A_980 : i32
        %jit3A_982 = arith.constant 1 : i32
        %select_n3A_983 = arith.select %eq3A_981, %jit3A_982, %jit3A_979 : i32
        %rem3A_984 = arith.remsi %select_n3A_978, %select_n3A_983 : i32
        %ne3A_985 = arith.constant 0 : i32
        %ne3A_986 = arith.cmpi ne, %rem3A_984, %ne3A_985 : i32
        %lt3A_987 = arith.constant 0 : i32
        %lt3A_988 = arith.cmpi slt, %rem3A_984, %lt3A_987 : i32
        %lt3A_989 = arith.constant 0 : i32
        %lt3A_990 = arith.cmpi slt, %select_n3A_983, %lt3A_989 : i32
        %ne3A_991 = arith.xori %lt3A_988, %lt3A_990 : i1
        %and3A_992 = arith.andi %ne3A_991, %ne3A_986 : i1
        %add3A_993 = arith.addi %rem3A_984, %select_n3A_983 : i32
        %select_n3A_994 = arith.select %and3A_992, %add3A_993, %rem3A_984 : i32
        %jit3A_995 = arith.constant 16 : i32
        %eq3A_996 = arith.constant 0 : i32
        %eq3A_997 = arith.cmpi eq, %jit3A_995, %eq3A_996 : i32
        %jit3A_998 = arith.constant 1 : i32
        %select_n3A_999 = arith.select %eq3A_997, %jit3A_998, %jit3A_995 : i32
        %rem3A_1000 = arith.remsi %add3A_957, %select_n3A_999 : i32
        %ne3A_1001 = arith.constant 0 : i32
        %ne3A_1002 = arith.cmpi ne, %rem3A_1000, %ne3A_1001 : i32
        %lt3A_1003 = arith.constant 0 : i32
        %lt3A_1004 = arith.cmpi slt, %rem3A_1000, %lt3A_1003 : i32
        %lt3A_1005 = arith.constant 0 : i32
        %lt3A_1006 = arith.cmpi slt, %select_n3A_999, %lt3A_1005 : i32
        %ne3A_1007 = arith.xori %lt3A_1004, %lt3A_1006 : i1
        %and3A_1008 = arith.andi %ne3A_1007, %ne3A_1002 : i1
        %add3A_1009 = arith.addi %rem3A_1000, %select_n3A_999 : i32
        %select_n3A_1010 = arith.select %and3A_1008, %add3A_1009, %rem3A_1000 : i32
        %dma_start3A_1011 = arith.constant 0 : i32
        %dma_start3A_1012 = arith.constant 0 : i32
        %dma_start3A_1013 = tpu.memref_slice %arg15[%dma_start3A_1011, %dma_start3A_1012] : memref<200x64xbf16, #tpu.memory_space<vmem>> -> memref<104x64xbf16, #tpu.memory_space<vmem>>
        %dma_start3A_1014 = arith.constant 0 : i32
        %dma_start3A_1015 = tpu.memref_slice %arg8[%select_n3A_994, %select_n3A_1010, %dma_start3A_1014] : memref<2x16x200xi32, #tpu.memory_space<vmem>> -> memref<1x1x104xi32, #tpu.memory_space<vmem>>
        %dma_start3A_1016 = tpu.memref_squeeze %dma_start3A_1015 : memref<1x1x104xi32, #tpu.memory_space<vmem>> -> memref<104xi32, #tpu.memory_space<vmem>>
        %dma_start3A_1017 = arith.constant 0 : i32
        %dma_start3A_1018 = arith.constant 0 : i32
        %dma_start3A_1019 = tpu.memref_slice %arg3[%dma_start3A_1017, %dma_start3A_1018] : memref<100000x64xbf16, #tpu.memory_space<hbm>> -> memref<100000x64xbf16, #tpu.memory_space<hbm>>
        tpu.enqueue_indirect_dma source(%dma_start3A_1019 : memref<100000x64xbf16, #tpu.memory_space<hbm>>) target(%dma_start3A_1013 : memref<104x64xbf16, #tpu.memory_space<vmem>>) offsets(%dma_start3A_1016 : memref<104xi32, #tpu.memory_space<vmem>>) semaphore(%arg27 : memref<!tpu.dma_semaphore, #tpu.memory_space<semaphore_mem>>)
        %dma_start3A_1020 = arith.constant 104 : i32
        %dma_start3A_1021 = arith.constant 0 : i32
        %dma_start3A_1022 = tpu.memref_slice %arg15[%dma_start3A_1020, %dma_start3A_1021] : memref<200x64xbf16, #tpu.memory_space<vmem>> -> memref<96x64xbf16, #tpu.memory_space<vmem>>
        %dma_start3A_1023 = arith.constant 104 : i32
        %dma_start3A_1024 = tpu.memref_slice %arg8[%select_n3A_994, %select_n3A_1010, %dma_start3A_1023] : memref<2x16x200xi32, #tpu.memory_space<vmem>> -> memref<1x1x96xi32, #tpu.memory_space<vmem>>
        %dma_start3A_1025 = tpu.memref_squeeze %dma_start3A_1024 : memref<1x1x96xi32, #tpu.memory_space<vmem>> -> memref<96xi32, #tpu.memory_space<vmem>>
        %dma_start3A_1026 = arith.constant 0 : i32
        %dma_start3A_1027 = arith.constant 0 : i32
        %dma_start3A_1028 = tpu.memref_slice %arg3[%dma_start3A_1026, %dma_start3A_1027] : memref<100000x64xbf16, #tpu.memory_space<hbm>> -> memref<100000x64xbf16, #tpu.memory_space<hbm>>
        tpu.enqueue_indirect_dma source(%dma_start3A_1028 : memref<100000x64xbf16, #tpu.memory_space<hbm>>) target(%dma_start3A_1022 : memref<96x64xbf16, #tpu.memory_space<vmem>>) offsets(%dma_start3A_1025 : memref<96xi32, #tpu.memory_space<vmem>>) semaphore(%arg27 : memref<!tpu.dma_semaphore, #tpu.memory_space<semaphore_mem>>)
      } else {
      }
      %dma_wait3A_806 = arith.constant 0 : i32
      %dma_wait3A_807 = arith.constant 0 : i32
      %dma_wait3A_808 = arith.constant 0 : i32
      %dma_wait3A_809 = arith.constant 0 : i32
      %dma_wait3A_810 = tpu.memref_slice %arg16[%dma_wait3A_808, %dma_wait3A_809] : memref<200x64xbf16, #tpu.memory_space<vmem>> -> memref<104x64xbf16, #tpu.memory_space<vmem>>
      %dma_wait3A_811 = arith.constant 0 : i32
      %dma_wait3A_812 = tpu.memref_slice %arg8[%dma_wait3A_806, %dma_wait3A_807, %dma_wait3A_811] : memref<2x16x200xi32, #tpu.memory_space<vmem>> -> memref<1x1x104xi32, #tpu.memory_space<vmem>>
      %dma_wait3A_813 = tpu.memref_squeeze %dma_wait3A_812 : memref<1x1x104xi32, #tpu.memory_space<vmem>> -> memref<104xi32, #tpu.memory_space<vmem>>
      %dma_wait3A_814 = arith.constant 0 : i32
      %dma_wait3A_815 = arith.constant 0 : i32
      %dma_wait3A_816 = tpu.memref_slice %arg3[%dma_wait3A_814, %dma_wait3A_815] : memref<100000x64xbf16, #tpu.memory_space<hbm>> -> memref<100000x64xbf16, #tpu.memory_space<hbm>>
      tpu.wait_indirect_dma semaphore(%arg28 : memref<!tpu.dma_semaphore, #tpu.memory_space<semaphore_mem>>) src(%dma_wait3A_816 : memref<100000x64xbf16, #tpu.memory_space<hbm>>) dst(%dma_wait3A_810 : memref<104x64xbf16, #tpu.memory_space<vmem>>)
      %dma_wait3A_817 = arith.constant 0 : i32
      %dma_wait3A_818 = arith.constant 0 : i32
      %dma_wait3A_819 = arith.constant 104 : i32
      %dma_wait3A_820 = arith.constant 0 : i32
      %dma_wait3A_821 = tpu.memref_slice %arg16[%dma_wait3A_819, %dma_wait3A_820] : memref<200x64xbf16, #tpu.memory_space<vmem>> -> memref<96x64xbf16, #tpu.memory_space<vmem>>
      %dma_wait3A_822 = arith.constant 0 : i32
      %dma_wait3A_823 = tpu.memref_slice %arg8[%dma_wait3A_817, %dma_wait3A_818, %dma_wait3A_822] : memref<2x16x200xi32, #tpu.memory_space<vmem>> -> memref<1x1x96xi32, #tpu.memory_space<vmem>>
      %dma_wait3A_824 = tpu.memref_squeeze %dma_wait3A_823 : memref<1x1x96xi32, #tpu.memory_space<vmem>> -> memref<96xi32, #tpu.memory_space<vmem>>
      %dma_wait3A_825 = arith.constant 0 : i32
      %dma_wait3A_826 = arith.constant 0 : i32
      %dma_wait3A_827 = tpu.memref_slice %arg3[%dma_wait3A_825, %dma_wait3A_826] : memref<100000x64xbf16, #tpu.memory_space<hbm>> -> memref<100000x64xbf16, #tpu.memory_space<hbm>>
      tpu.wait_indirect_dma semaphore(%arg28 : memref<!tpu.dma_semaphore, #tpu.memory_space<semaphore_mem>>) src(%dma_wait3A_827 : memref<100000x64xbf16, #tpu.memory_space<hbm>>) dst(%dma_wait3A_821 : memref<96x64xbf16, #tpu.memory_space<vmem>>)
      %add3A_828 = arith.constant 7 : i32
      %add3A_829 = arith.addi %mul3A_219, %add3A_828 : i32
      %broadcast_in_dim3A_830 = arith.constant 0.000000e+00 : bf16
      %broadcast_in_dim3A_831 = vector.broadcast %broadcast_in_dim3A_830 : bf16 to vector<32xbf16>
      %scan3A_832 = arith.constant 0 : i32
      %scan3A_833 = arith.constant 25 : i32
      %scan3A_834 = arith.addi %scan3A_832, %scan3A_833 : i32
      %scan3A_835 = arith.constant 1 : i32
      %scan3A_836:2 = scf.for %scan3A_956 = %scan3A_832 to %scan3A_834 step %scan3A_835 iter_args(%scan3A_957 = %broadcast_in_dim3A_831, %scan3A_958 = %broadcast_in_dim3A_831) -> (vector<32xbf16>, vector<32xbf16>)  : i32 {
        %mul3A_959 = arith.constant 8 : i32
        %mul3A_960 = arith.muli %scan3A_956, %mul3A_959 : i32
        %add3A_961 = arith.constant 0 : i32
        %add3A_962 = arith.addi %mul3A_960, %add3A_961 : i32
        %get3A_963 = arith.index_cast %add3A_962 : i32 to index
        %get3A_964 = arith.constant 0 : index
        %get3A_965 = tpu.vector_load %arg16[%get3A_963, %get3A_964] {strides = array<i32>} : memref<200x64xbf16, #tpu.memory_space<vmem>>, vector<32xbf16>,
        %add3A_966 = arith.addf %scan3A_957, %get3A_965 : vector<32xbf16>
        %get3A_967 = arith.index_cast %add3A_962 : i32 to index
        %get3A_968 = arith.constant 32 : index
        %get3A_969 = tpu.vector_load %arg16[%get3A_967, %get3A_968] {strides = array<i32>} : memref<200x64xbf16, #tpu.memory_space<vmem>>, vector<32xbf16>,
        %add3A_970 = arith.addf %scan3A_958, %get3A_969 : vector<32xbf16>
        %add3A_971 = arith.constant 1 : i32
        %add3A_972 = arith.addi %mul3A_960, %add3A_971 : i32
        %get3A_973 = arith.index_cast %add3A_972 : i32 to index
        %get3A_974 = arith.constant 0 : index
        %get3A_975 = tpu.vector_load %arg16[%get3A_973, %get3A_974] {strides = array<i32>} : memref<200x64xbf16, #tpu.memory_space<vmem>>, vector<32xbf16>,
        %add3A_976 = arith.addf %add3A_966, %get3A_975 : vector<32xbf16>
        %get3A_977 = arith.index_cast %add3A_972 : i32 to index
        %get3A_978 = arith.constant 32 : index
        %get3A_979 = tpu.vector_load %arg16[%get3A_977, %get3A_978] {strides = array<i32>} : memref<200x64xbf16, #tpu.memory_space<vmem>>, vector<32xbf16>,
        %add3A_980 = arith.addf %add3A_970, %get3A_979 : vector<32xbf16>
        %add3A_981 = arith.constant 2 : i32
        %add3A_982 = arith.addi %mul3A_960, %add3A_981 : i32
        %get3A_983 = arith.index_cast %add3A_982 : i32 to index
        %get3A_984 = arith.constant 0 : index
        %get3A_985 = tpu.vector_load %arg16[%get3A_983, %get3A_984] {strides = array<i32>} : memref<200x64xbf16, #tpu.memory_space<vmem>>, vector<32xbf16>,
        %add3A_986 = arith.addf %add3A_976, %get3A_985 : vector<32xbf16>
        %get3A_987 = arith.index_cast %add3A_982 : i32 to index
        %get3A_988 = arith.constant 32 : index
        %get3A_989 = tpu.vector_load %arg16[%get3A_987, %get3A_988] {strides = array<i32>} : memref<200x64xbf16, #tpu.memory_space<vmem>>, vector<32xbf16>,
        %add3A_990 = arith.addf %add3A_980, %get3A_989 : vector<32xbf16>
        %add3A_991 = arith.constant 3 : i32
        %add3A_992 = arith.addi %mul3A_960, %add3A_991 : i32
        %get3A_993 = arith.index_cast %add3A_992 : i32 to index
        %get3A_994 = arith.constant 0 : index
        %get3A_995 = tpu.vector_load %arg16[%get3A_993, %get3A_994] {strides = array<i32>} : memref<200x64xbf16, #tpu.memory_space<vmem>>, vector<32xbf16>,
        %add3A_996 = arith.addf %add3A_986, %get3A_995 : vector<32xbf16>
        %get3A_997 = arith.index_cast %add3A_992 : i32 to index
        %get3A_998 = arith.constant 32 : index
        %get3A_999 = tpu.vector_load %arg16[%get3A_997, %get3A_998] {strides = array<i32>} : memref<200x64xbf16, #tpu.memory_space<vmem>>, vector<32xbf16>,
        %add3A_1000 = arith.addf %add3A_990, %get3A_999 : vector<32xbf16>
        %add3A_1001 = arith.constant 4 : i32
        %add3A_1002 = arith.addi %mul3A_960, %add3A_1001 : i32
        %get3A_1003 = arith.index_cast %add3A_1002 : i32 to index
        %get3A_1004 = arith.constant 0 : index
        %get3A_1005 = tpu.vector_load %arg16[%get3A_1003, %get3A_1004] {strides = array<i32>} : memref<200x64xbf16, #tpu.memory_space<vmem>>, vector<32xbf16>,
        %add3A_1006 = arith.addf %add3A_996, %get3A_1005 : vector<32xbf16>
        %get3A_1007 = arith.index_cast %add3A_1002 : i32 to index
        %get3A_1008 = arith.constant 32 : index
        %get3A_1009 = tpu.vector_load %arg16[%get3A_1007, %get3A_1008] {strides = array<i32>} : memref<200x64xbf16, #tpu.memory_space<vmem>>, vector<32xbf16>,
        %add3A_1010 = arith.addf %add3A_1000, %get3A_1009 : vector<32xbf16>
        %add3A_1011 = arith.constant 5 : i32
        %add3A_1012 = arith.addi %mul3A_960, %add3A_1011 : i32
        %get3A_1013 = arith.index_cast %add3A_1012 : i32 to index
        %get3A_1014 = arith.constant 0 : index
        %get3A_1015 = tpu.vector_load %arg16[%get3A_1013, %get3A_1014] {strides = array<i32>} : memref<200x64xbf16, #tpu.memory_space<vmem>>, vector<32xbf16>,
        %add3A_1016 = arith.addf %add3A_1006, %get3A_1015 : vector<32xbf16>
        %get3A_1017 = arith.index_cast %add3A_1012 : i32 to index
        %get3A_1018 = arith.constant 32 : index
        %get3A_1019 = tpu.vector_load %arg16[%get3A_1017, %get3A_1018] {strides = array<i32>} : memref<200x64xbf16, #tpu.memory_space<vmem>>, vector<32xbf16>,
        %add3A_1020 = arith.addf %add3A_1010, %get3A_1019 : vector<32xbf16>
        %add3A_1021 = arith.constant 6 : i32
        %add3A_1022 = arith.addi %mul3A_960, %add3A_1021 : i32
        %get3A_1023 = arith.index_cast %add3A_1022 : i32 to index
        %get3A_1024 = arith.constant 0 : index
        %get3A_1025 = tpu.vector_load %arg16[%get3A_1023, %get3A_1024] {strides = array<i32>} : memref<200x64xbf16, #tpu.memory_space<vmem>>, vector<32xbf16>,
        %add3A_1026 = arith.addf %add3A_1016, %get3A_1025 : vector<32xbf16>
        %get3A_1027 = arith.index_cast %add3A_1022 : i32 to index
        %get3A_1028 = arith.constant 32 : index
        %get3A_1029 = tpu.vector_load %arg16[%get3A_1027, %get3A_1028] {strides = array<i32>} : memref<200x64xbf16, #tpu.memory_space<vmem>>, vector<32xbf16>,
        %add3A_1030 = arith.addf %add3A_1020, %get3A_1029 : vector<32xbf16>
        %add3A_1031 = arith.constant 7 : i32
        %add3A_1032 = arith.addi %mul3A_960, %add3A_1031 : i32
        %get3A_1033 = arith.index_cast %add3A_1032 : i32 to index
        %get3A_1034 = arith.constant 0 : index
        %get3A_1035 = tpu.vector_load %arg16[%get3A_1033, %get3A_1034] {strides = array<i32>} : memref<200x64xbf16, #tpu.memory_space<vmem>>, vector<32xbf16>,
        %add3A_1036 = arith.addf %add3A_1026, %get3A_1035 : vector<32xbf16>
        %get3A_1037 = arith.index_cast %add3A_1032 : i32 to index
        %get3A_1038 = arith.constant 32 : index
        %get3A_1039 = tpu.vector_load %arg16[%get3A_1037, %get3A_1038] {strides = array<i32>} : memref<200x64xbf16, #tpu.memory_space<vmem>>, vector<32xbf16>,
        %add3A_1040 = arith.addf %add3A_1030, %get3A_1039 : vector<32xbf16>
        scf.yield %add3A_1036, %add3A_1040 : vector<32xbf16>, vector<32xbf16>
      }
      %scan3A_837 = arith.constant 25 : i32
      %broadcast_in_dim3A_838 = arith.constant 0.000000e+00 : bf16
      %broadcast_in_dim3A_839 = vector.broadcast %broadcast_in_dim3A_838 : bf16 to vector<32xbf16>
      %get3A_840 = arith.constant 0 : index
      %get3A_841 = tpu.vector_load %arg18[%get3A_840] {strides = array<i32>} : memref<64xbf16, #tpu.memory_space<vmem>>, vector<32xbf16>,
      %add3A_842 = arith.addf %scan3A_836#0, %get3A_841 : vector<32xbf16>
      %max3A_843 = arith.maximumf %add3A_842, %broadcast_in_dim3A_839 : vector<32xbf16>
      %get3A_844 = arith.constant 32 : index
      %get3A_845 = tpu.vector_load %arg18[%get3A_844] {strides = array<i32>} : memref<64xbf16, #tpu.memory_space<vmem>>, vector<32xbf16>,
      %add3A_846 = arith.addf %scan3A_836#1, %get3A_845 : vector<32xbf16>
      %max3A_847 = arith.maximumf %add3A_846, %broadcast_in_dim3A_839 : vector<32xbf16>
      %get3A_848 = arith.constant 0 : index
      %get3A_849 = tpu.vector_load %arg19[%get3A_848] {strides = array<i32>} : memref<64xbf16, #tpu.memory_space<vmem>>, vector<32xbf16>,
      %mul3A_850 = arith.mulf %max3A_843, %get3A_849 : vector<32xbf16>
      %get3A_851 = arith.constant 32 : index
      %get3A_852 = tpu.vector_load %arg19[%get3A_851] {strides = array<i32>} : memref<64xbf16, #tpu.memory_space<vmem>>, vector<32xbf16>,
      %mul3A_853 = arith.mulf %max3A_847, %get3A_852 : vector<32xbf16>
      %add3A_854 = arith.addf %mul3A_850, %mul3A_853 : vector<32xbf16>
      %unpack3A_855 = tpu.unpack_subelements %add3A_854, 0 {pack_format = #tpu.pack_format<interleaved>} : vector<32xbf16> -> vector<16xf32>
      %unpack3A_856 = tpu.unpack_subelements %add3A_854, 1 {pack_format = #tpu.pack_format<interleaved>} : vector<32xbf16> -> vector<16xf32>
      %add3A_857 = arith.addf %unpack3A_855, %unpack3A_856 : vector<16xf32>
      %reduce_sum3A_858 = arith.constant true
      %reduce_sum3A_859 = vector.broadcast %reduce_sum3A_858 : i1 to vector<16xi1>
      %reduce_sum3A_860 = tpu.scan <sum>, %add3A_857 masked %reduce_sum3A_859 : vector<16xf32>, vector<16xi1> -> vector<16xf32>
      %reduce_sum3A_861 = vector.extract %reduce_sum3A_860[15] : f32 from vector<16xf32>
      %iota3A_862 = tpu.iota {dimensions = array<i32: 0>} : vector<16xi32>
      %jit3A_863 = arith.constant 16 : i32
      %eq3A_864 = arith.constant 0 : i32
      %eq3A_865 = arith.cmpi eq, %jit3A_863, %eq3A_864 : i32
      %jit3A_866 = arith.constant 1 : i32
      %select_n3A_867 = arith.select %eq3A_865, %jit3A_866, %jit3A_863 : i32
      %rem3A_868 = arith.remsi %add3A_829, %select_n3A_867 : i32
      %ne3A_869 = arith.constant 0 : i32
      %ne3A_870 = arith.cmpi ne, %rem3A_868, %ne3A_869 : i32
      %lt3A_871 = arith.constant 0 : i32
      %lt3A_872 = arith.cmpi slt, %rem3A_868, %lt3A_871 : i32
      %lt3A_873 = arith.constant 0 : i32
      %lt3A_874 = arith.cmpi slt, %select_n3A_867, %lt3A_873 : i32
      %ne3A_875 = arith.xori %lt3A_872, %lt3A_874 : i1
      %and3A_876 = arith.andi %ne3A_875, %ne3A_870 : i1
      %add3A_877 = arith.addi %rem3A_868, %select_n3A_867 : i32
      %select_n3A_878 = arith.select %and3A_876, %add3A_877, %rem3A_868 : i32
      %eq3A_879 = vector.broadcast %select_n3A_878 : i32 to vector<16xi32>
      %eq3A_880 = arith.cmpi eq, %iota3A_862, %eq3A_879 : vector<16xi32>
      %broadcast_in_dim3A_881 = vector.broadcast %reduce_sum3A_861 : f32 to vector<16xf32>
      %select_n3A_882 = arith.select %eq3A_880, %broadcast_in_dim3A_881, %select_n3A_800 : vector<16xi1>, vector<16xf32>
      %lt3A_883 = arith.constant 512 : i32
      %lt3A_884 = arith.cmpi slt, %add3A_221, %lt3A_883 : i32
      %convert_element_type3A_885 = arith.extui %lt3A_884 : i1 to i32
      %cond3A_886 = arith.constant 0 : i32
      %cond3A_887 = arith.cmpi ne, %convert_element_type3A_885, %cond3A_886 : i32
      scf.if %cond3A_887 {
        %add3A_956 = arith.constant 7 : i32
        %add3A_957 = arith.addi %add3A_221, %add3A_956 : i32
        %jit3A_958 = arith.constant 16 : i32
        %div3A = arith.divsi %add3A_957, %jit3A_958 : i32
        %sign3A = arith.constant 0 : i32
        %sign3A_959 = arith.cmpi sgt, %add3A_957, %sign3A : i32
        %sign3A_960 = arith.extui %sign3A_959 : i1 to i32
        %sign3A_961 = arith.constant 0 : i32
        %sign3A_962 = arith.cmpi slt, %add3A_957, %sign3A_961 : i32
        %sign3A_963 = arith.extui %sign3A_962 : i1 to i32
        %sign3A_964 = arith.subi %sign3A_960, %sign3A_963 : i32
        %sign3A_965 = arith.constant 0 : i32
        %sign3A_966 = arith.cmpi sgt, %jit3A_958, %sign3A_965 : i32
        %sign3A_967 = arith.extui %sign3A_966 : i1 to i32
        %sign3A_968 = arith.constant 0 : i32
        %sign3A_969 = arith.cmpi slt, %jit3A_958, %sign3A_968 : i32
        %sign3A_970 = arith.extui %sign3A_969 : i1 to i32
        %sign3A_971 = arith.subi %sign3A_967, %sign3A_970 : i32
        %ne3A_972 = arith.cmpi ne, %sign3A_964, %sign3A_971 : i32
        %rem3A_973 = arith.remsi %add3A_957, %jit3A_958 : i32
        %ne3A_974 = arith.constant 0 : i32
        %ne3A_975 = arith.cmpi ne, %rem3A_973, %ne3A_974 : i32
        %and3A_976 = arith.andi %ne3A_972, %ne3A_975 : i1
        %sub3A = arith.constant 1 : i32
        %sub3A_977 = arith.subi %div3A, %sub3A : i32
        %select_n3A_978 = arith.select %and3A_976, %sub3A_977, %div3A : i32
        %jit3A_979 = arith.constant 2 : i32
        %eq3A_980 = arith.constant 0 : i32
        %eq3A_981 = arith.cmpi eq, %jit3A_979, %eq3A_980 : i32
        %jit3A_982 = arith.constant 1 : i32
        %select_n3A_983 = arith.select %eq3A_981, %jit3A_982, %jit3A_979 : i32
        %rem3A_984 = arith.remsi %select_n3A_978, %select_n3A_983 : i32
        %ne3A_985 = arith.constant 0 : i32
        %ne3A_986 = arith.cmpi ne, %rem3A_984, %ne3A_985 : i32
        %lt3A_987 = arith.constant 0 : i32
        %lt3A_988 = arith.cmpi slt, %rem3A_984, %lt3A_987 : i32
        %lt3A_989 = arith.constant 0 : i32
        %lt3A_990 = arith.cmpi slt, %select_n3A_983, %lt3A_989 : i32
        %ne3A_991 = arith.xori %lt3A_988, %lt3A_990 : i1
        %and3A_992 = arith.andi %ne3A_991, %ne3A_986 : i1
        %add3A_993 = arith.addi %rem3A_984, %select_n3A_983 : i32
        %select_n3A_994 = arith.select %and3A_992, %add3A_993, %rem3A_984 : i32
        %jit3A_995 = arith.constant 16 : i32
        %eq3A_996 = arith.constant 0 : i32
        %eq3A_997 = arith.cmpi eq, %jit3A_995, %eq3A_996 : i32
        %jit3A_998 = arith.constant 1 : i32
        %select_n3A_999 = arith.select %eq3A_997, %jit3A_998, %jit3A_995 : i32
        %rem3A_1000 = arith.remsi %add3A_957, %select_n3A_999 : i32
        %ne3A_1001 = arith.constant 0 : i32
        %ne3A_1002 = arith.cmpi ne, %rem3A_1000, %ne3A_1001 : i32
        %lt3A_1003 = arith.constant 0 : i32
        %lt3A_1004 = arith.cmpi slt, %rem3A_1000, %lt3A_1003 : i32
        %lt3A_1005 = arith.constant 0 : i32
        %lt3A_1006 = arith.cmpi slt, %select_n3A_999, %lt3A_1005 : i32
        %ne3A_1007 = arith.xori %lt3A_1004, %lt3A_1006 : i1
        %and3A_1008 = arith.andi %ne3A_1007, %ne3A_1002 : i1
        %add3A_1009 = arith.addi %rem3A_1000, %select_n3A_999 : i32
        %select_n3A_1010 = arith.select %and3A_1008, %add3A_1009, %rem3A_1000 : i32
        %dma_start3A_1011 = arith.constant 0 : i32
        %dma_start3A_1012 = arith.constant 0 : i32
        %dma_start3A_1013 = tpu.memref_slice %arg16[%dma_start3A_1011, %dma_start3A_1012] : memref<200x64xbf16, #tpu.memory_space<vmem>> -> memref<104x64xbf16, #tpu.memory_space<vmem>>
        %dma_start3A_1014 = arith.constant 0 : i32
        %dma_start3A_1015 = tpu.memref_slice %arg8[%select_n3A_994, %select_n3A_1010, %dma_start3A_1014] : memref<2x16x200xi32, #tpu.memory_space<vmem>> -> memref<1x1x104xi32, #tpu.memory_space<vmem>>
        %dma_start3A_1016 = tpu.memref_squeeze %dma_start3A_1015 : memref<1x1x104xi32, #tpu.memory_space<vmem>> -> memref<104xi32, #tpu.memory_space<vmem>>
        %dma_start3A_1017 = arith.constant 0 : i32
        %dma_start3A_1018 = arith.constant 0 : i32
        %dma_start3A_1019 = tpu.memref_slice %arg3[%dma_start3A_1017, %dma_start3A_1018] : memref<100000x64xbf16, #tpu.memory_space<hbm>> -> memref<100000x64xbf16, #tpu.memory_space<hbm>>
        tpu.enqueue_indirect_dma source(%dma_start3A_1019 : memref<100000x64xbf16, #tpu.memory_space<hbm>>) target(%dma_start3A_1013 : memref<104x64xbf16, #tpu.memory_space<vmem>>) offsets(%dma_start3A_1016 : memref<104xi32, #tpu.memory_space<vmem>>) semaphore(%arg28 : memref<!tpu.dma_semaphore, #tpu.memory_space<semaphore_mem>>)
        %dma_start3A_1020 = arith.constant 104 : i32
        %dma_start3A_1021 = arith.constant 0 : i32
        %dma_start3A_1022 = tpu.memref_slice %arg16[%dma_start3A_1020, %dma_start3A_1021] : memref<200x64xbf16, #tpu.memory_space<vmem>> -> memref<96x64xbf16, #tpu.memory_space<vmem>>
        %dma_start3A_1023 = arith.constant 104 : i32
        %dma_start3A_1024 = tpu.memref_slice %arg8[%select_n3A_994, %select_n3A_1010, %dma_start3A_1023] : memref<2x16x200xi32, #tpu.memory_space<vmem>> -> memref<1x1x96xi32, #tpu.memory_space<vmem>>
        %dma_start3A_1025 = tpu.memref_squeeze %dma_start3A_1024 : memref<1x1x96xi32, #tpu.memory_space<vmem>> -> memref<96xi32, #tpu.memory_space<vmem>>
        %dma_start3A_1026 = arith.constant 0 : i32
        %dma_start3A_1027 = arith.constant 0 : i32
        %dma_start3A_1028 = tpu.memref_slice %arg3[%dma_start3A_1026, %dma_start3A_1027] : memref<100000x64xbf16, #tpu.memory_space<hbm>> -> memref<100000x64xbf16, #tpu.memory_space<hbm>>
        tpu.enqueue_indirect_dma source(%dma_start3A_1028 : memref<100000x64xbf16, #tpu.memory_space<hbm>>) target(%dma_start3A_1022 : memref<96x64xbf16, #tpu.memory_space<vmem>>) offsets(%dma_start3A_1025 : memref<96xi32, #tpu.memory_space<vmem>>) semaphore(%arg28 : memref<!tpu.dma_semaphore, #tpu.memory_space<semaphore_mem>>)
      } else {
      }
      %jit3A_888 = arith.constant 16 : i32
      %eq3A_889 = arith.constant 0 : i32
      %eq3A_890 = arith.cmpi eq, %jit3A_888, %eq3A_889 : i32
      %jit3A_891 = arith.constant 1 : i32
      %select_n3A_892 = arith.select %eq3A_890, %jit3A_891, %jit3A_888 : i32
      %rem3A_893 = arith.remsi %add3A_221, %select_n3A_892 : i32
      %ne3A_894 = arith.constant 0 : i32
      %ne3A_895 = arith.cmpi ne, %rem3A_893, %ne3A_894 : i32
      %lt3A_896 = arith.constant 0 : i32
      %lt3A_897 = arith.cmpi slt, %rem3A_893, %lt3A_896 : i32
      %lt3A_898 = arith.constant 0 : i32
      %lt3A_899 = arith.cmpi slt, %select_n3A_892, %lt3A_898 : i32
      %ne3A_900 = arith.xori %lt3A_897, %lt3A_899 : i1
      %and3A_901 = arith.andi %ne3A_900, %ne3A_895 : i1
      %add3A_902 = arith.addi %rem3A_893, %select_n3A_892 : i32
      %select_n3A_903 = arith.select %and3A_901, %add3A_902, %rem3A_893 : i32
      %eq3A_904 = arith.constant 0 : i32
      %eq3A_905 = arith.cmpi eq, %select_n3A_903, %eq3A_904 : i32
      %add3A_906 = arith.constant 16 : i32
      %add3A_907 = arith.addi %add3A_221, %add3A_906 : i32
      %lt3A_908 = arith.constant 512 : i32
      %lt3A_909 = arith.cmpi slt, %add3A_907, %lt3A_908 : i32
      %and3A_910 = arith.andi %eq3A_905, %lt3A_909 : i1
      %convert_element_type3A_911 = arith.extui %and3A_910 : i1 to i32
      %cond3A_912 = arith.constant 0 : i32
      %cond3A_913 = arith.cmpi ne, %convert_element_type3A_911, %cond3A_912 : i32
      scf.if %cond3A_913 {
        %jit3A_956 = arith.constant 16 : i32
        %div3A = arith.divsi %add3A_221, %jit3A_956 : i32
        %sign3A = arith.constant 0 : i32
        %sign3A_957 = arith.cmpi sgt, %add3A_221, %sign3A : i32
        %sign3A_958 = arith.extui %sign3A_957 : i1 to i32
        %sign3A_959 = arith.constant 0 : i32
        %sign3A_960 = arith.cmpi slt, %add3A_221, %sign3A_959 : i32
        %sign3A_961 = arith.extui %sign3A_960 : i1 to i32
        %sign3A_962 = arith.subi %sign3A_958, %sign3A_961 : i32
        %sign3A_963 = arith.constant 0 : i32
        %sign3A_964 = arith.cmpi sgt, %jit3A_956, %sign3A_963 : i32
        %sign3A_965 = arith.extui %sign3A_964 : i1 to i32
        %sign3A_966 = arith.constant 0 : i32
        %sign3A_967 = arith.cmpi slt, %jit3A_956, %sign3A_966 : i32
        %sign3A_968 = arith.extui %sign3A_967 : i1 to i32
        %sign3A_969 = arith.subi %sign3A_965, %sign3A_968 : i32
        %ne3A_970 = arith.cmpi ne, %sign3A_962, %sign3A_969 : i32
        %rem3A_971 = arith.remsi %add3A_221, %jit3A_956 : i32
        %ne3A_972 = arith.constant 0 : i32
        %ne3A_973 = arith.cmpi ne, %rem3A_971, %ne3A_972 : i32
        %and3A_974 = arith.andi %ne3A_970, %ne3A_973 : i1
        %sub3A = arith.constant 1 : i32
        %sub3A_975 = arith.subi %div3A, %sub3A : i32
        %select_n3A_976 = arith.select %and3A_974, %sub3A_975, %div3A : i32
        %add3A_977 = arith.constant 1 : i32
        %add3A_978 = arith.addi %select_n3A_976, %add3A_977 : i32
        %mul3A_979 = arith.constant 16 : i32
        %mul3A_980 = arith.muli %add3A_978, %mul3A_979 : i32
        %add3A_981 = arith.addi %mul3A_2, %mul3A_980 : i32
        %add3A_982 = arith.constant 1 : i32
        %add3A_983 = arith.addi %select_n3A_976, %add3A_982 : i32
        %jit3A_984 = arith.constant 2 : i32
        %eq3A_985 = arith.constant 0 : i32
        %eq3A_986 = arith.cmpi eq, %jit3A_984, %eq3A_985 : i32
        %jit3A_987 = arith.constant 1 : i32
        %select_n3A_988 = arith.select %eq3A_986, %jit3A_987, %jit3A_984 : i32
        %rem3A_989 = arith.remsi %add3A_983, %select_n3A_988 : i32
        %ne3A_990 = arith.constant 0 : i32
        %ne3A_991 = arith.cmpi ne, %rem3A_989, %ne3A_990 : i32
        %lt3A_992 = arith.constant 0 : i32
        %lt3A_993 = arith.cmpi slt, %rem3A_989, %lt3A_992 : i32
        %lt3A_994 = arith.constant 0 : i32
        %lt3A_995 = arith.cmpi slt, %select_n3A_988, %lt3A_994 : i32
        %ne3A_996 = arith.xori %lt3A_993, %lt3A_995 : i1
        %and3A_997 = arith.andi %ne3A_996, %ne3A_991 : i1
        %add3A_998 = arith.addi %rem3A_989, %select_n3A_988 : i32
        %select_n3A_999 = arith.select %and3A_997, %add3A_998, %rem3A_989 : i32
        %dma_start3A_1000 = arith.constant 0 : i32
        %dma_start3A_1001 = arith.constant 0 : i32
        %dma_start3A_1002 = tpu.memref_slice %arg8[%select_n3A_999, %dma_start3A_1000, %dma_start3A_1001] : memref<2x16x200xi32, #tpu.memory_space<vmem>> -> memref<1x16x200xi32, #tpu.memory_space<vmem>>
        %dma_start3A_1003 = tpu.memref_squeeze %dma_start3A_1002 : memref<1x16x200xi32, #tpu.memory_space<vmem>> -> memref<16x200xi32, #tpu.memory_space<vmem>>
        %dma_start3A_1004 = arith.constant 0 : i32
        %dma_start3A_1005 = tpu.memref_slice %arg2[%add3A_981, %dma_start3A_1004] : memref<16384x200xi32, #tpu.memory_space<hbm>> -> memref<16x200xi32, #tpu.memory_space<hbm>>
        %dma_start3A_1006 = arith.constant 0 : i32
        %dma_start3A_1007 = arith.constant 0 : i32
        %dma_start3A_1008 = tpu.memref_slice %arg8[%select_n3A_999, %dma_start3A_1006, %dma_start3A_1007] : memref<2x16x200xi32, #tpu.memory_space<vmem>> -> memref<1x16x200xi32, #tpu.memory_space<vmem>>
        %dma_start3A_1009 = tpu.memref_squeeze %dma_start3A_1008 : memref<1x16x200xi32, #tpu.memory_space<vmem>> -> memref<16x200xi32, #tpu.memory_space<vmem>>
        %dma_start3A_1010 = arith.constant 0 : i32
        %dma_start3A_1011 = tpu.memref_slice %arg2[%add3A_981, %dma_start3A_1010] : memref<16384x200xi32, #tpu.memory_space<hbm>> -> memref<16x200xi32, #tpu.memory_space<hbm>>
        tpu.enqueue_dma source(%dma_start3A_1011 : memref<16x200xi32, #tpu.memory_space<hbm>>) target(%dma_start3A_1009 : memref<16x200xi32, #tpu.memory_space<vmem>>) target_semaphore(%arg29 : memref<!tpu.dma_semaphore, #tpu.memory_space<semaphore_mem>>)
      } else {
      }
      %jit3A_914 = arith.constant 16 : i32
      %eq3A_915 = arith.constant 0 : i32
      %eq3A_916 = arith.cmpi eq, %jit3A_914, %eq3A_915 : i32
      %jit3A_917 = arith.constant 1 : i32
      %select_n3A_918 = arith.select %eq3A_916, %jit3A_917, %jit3A_914 : i32
      %rem3A_919 = arith.remsi %add3A_221, %select_n3A_918 : i32
      %ne3A_920 = arith.constant 0 : i32
      %ne3A_921 = arith.cmpi ne, %rem3A_919, %ne3A_920 : i32
      %lt3A_922 = arith.constant 0 : i32
      %lt3A_923 = arith.cmpi slt, %rem3A_919, %lt3A_922 : i32
      %lt3A_924 = arith.constant 0 : i32
      %lt3A_925 = arith.cmpi slt, %select_n3A_918, %lt3A_924 : i32
      %ne3A_926 = arith.xori %lt3A_923, %lt3A_925 : i1
      %and3A_927 = arith.andi %ne3A_926, %ne3A_921 : i1
      %add3A_928 = arith.addi %rem3A_919, %select_n3A_918 : i32
      %select_n3A_929 = arith.select %and3A_927, %add3A_928, %rem3A_919 : i32
      %eq3A_930 = arith.constant 0 : i32
      %eq3A_931 = arith.cmpi eq, %select_n3A_929, %eq3A_930 : i32
      %convert_element_type3A_932 = arith.extui %eq3A_931 : i1 to i32
      %cond3A_933 = arith.constant 0 : i32
      %cond3A_934 = arith.cmpi ne, %convert_element_type3A_932, %cond3A_933 : i32
      scf.if %cond3A_934 {
        %jit3A_956 = arith.constant 16 : i32
        %div3A = arith.divsi %mul3A_219, %jit3A_956 : i32
        %sign3A = arith.constant 0 : i32
        %sign3A_957 = arith.cmpi sgt, %mul3A_219, %sign3A : i32
        %sign3A_958 = arith.extui %sign3A_957 : i1 to i32
        %sign3A_959 = arith.constant 0 : i32
        %sign3A_960 = arith.cmpi slt, %mul3A_219, %sign3A_959 : i32
        %sign3A_961 = arith.extui %sign3A_960 : i1 to i32
        %sign3A_962 = arith.subi %sign3A_958, %sign3A_961 : i32
        %sign3A_963 = arith.constant 0 : i32
        %sign3A_964 = arith.cmpi sgt, %jit3A_956, %sign3A_963 : i32
        %sign3A_965 = arith.extui %sign3A_964 : i1 to i32
        %sign3A_966 = arith.constant 0 : i32
        %sign3A_967 = arith.cmpi slt, %jit3A_956, %sign3A_966 : i32
        %sign3A_968 = arith.extui %sign3A_967 : i1 to i32
        %sign3A_969 = arith.subi %sign3A_965, %sign3A_968 : i32
        %ne3A_970 = arith.cmpi ne, %sign3A_962, %sign3A_969 : i32
        %rem3A_971 = arith.remsi %mul3A_219, %jit3A_956 : i32
        %ne3A_972 = arith.constant 0 : i32
        %ne3A_973 = arith.cmpi ne, %rem3A_971, %ne3A_972 : i32
        %and3A_974 = arith.andi %ne3A_970, %ne3A_973 : i1
        %sub3A = arith.constant 1 : i32
        %sub3A_975 = arith.subi %div3A, %sub3A : i32
        %select_n3A_976 = arith.select %and3A_974, %sub3A_975, %div3A : i32
        %ge3A = arith.constant 2 : i32
        %ge3A_977 = arith.cmpi sge, %select_n3A_976, %ge3A : i32
        %convert_element_type3A_978 = arith.extui %ge3A_977 : i1 to i32
        %cond3A_979 = arith.constant 0 : i32
        %cond3A_980 = arith.cmpi ne, %convert_element_type3A_978, %cond3A_979 : i32
        scf.if %cond3A_980 {
          %dma_wait3A_1037 = arith.constant 0 : i32
          %dma_wait3A_1038 = arith.constant 0 : i32
          %dma_wait3A_1039 = tpu.memref_slice %arg17[%dma_wait3A_1037, %dma_wait3A_1038] : memref<2x16xf32, #tpu.memory_space<vmem>> -> memref<1x16xf32, #tpu.memory_space<vmem>>
          %dma_wait3A_1040 = tpu.memref_squeeze %dma_wait3A_1039 : memref<1x16xf32, #tpu.memory_space<vmem>> -> memref<16xf32, #tpu.memory_space<vmem>>
          %dma_wait3A_1041 = tpu.memref_slice %arg7[%mul3A_2] : memref<16384xf32, #tpu.memory_space<hbm>> -> memref<16xf32, #tpu.memory_space<hbm>>
          %dma_wait3A_1042 = tpu.memref_slice %arg7[%mul3A_2] : memref<16384xf32, #tpu.memory_space<hbm>> -> memref<16xf32, #tpu.memory_space<hbm>>
          %dma_wait3A_1043 = arith.constant 0 : i32
          %dma_wait3A_1044 = tpu.memref_slice %arg17[%dma_wait3A_1037, %dma_wait3A_1043] : memref<2x16xf32, #tpu.memory_space<vmem>> -> memref<1x16xf32, #tpu.memory_space<vmem>>
          %dma_wait3A_1045 = tpu.memref_squeeze %dma_wait3A_1044 : memref<1x16xf32, #tpu.memory_space<vmem>> -> memref<16xf32, #tpu.memory_space<vmem>>
          tpu.wait_dma2 semaphore(%arg30 : memref<!tpu.dma_semaphore, #tpu.memory_space<semaphore_mem>>) src(%dma_wait3A_1045 : memref<16xf32, #tpu.memory_space<vmem>>) dst(%dma_wait3A_1042 : memref<16xf32, #tpu.memory_space<hbm>>)
        } else {
        }
        %get3A_981 = arith.constant 0 : index
        %get3A_982 = tpu.vector_load %arg20[%get3A_981] {strides = array<i32>} : memref<16xf32, #tpu.memory_space<vmem>>, vector<16xf32>,
        %add3A_983 = arith.addf %select_n3A_882, %get3A_982 : vector<16xf32>
        %neg3A = arith.constant 0.000000e+00 : f32
        %neg3A_984 = vector.broadcast %neg3A : f32 to vector<16xf32>
        %neg3A_985 = arith.subf %neg3A_984, %add3A_983 : vector<16xf32>
        %exp3A = math.exp %neg3A_985 : vector<16xf32>
        %add3A_986 = arith.constant 1.000000e+00 : f32
        %add3A_987 = vector.broadcast %add3A_986 : f32 to vector<16xf32>
        %add3A_988 = arith.addf %add3A_987, %exp3A : vector<16xf32>
        %div3A_989 = arith.constant 1.000000e+00 : f32
        %div3A_990 = vector.broadcast %div3A_989 : f32 to vector<16xf32>
        %div3A_991 = arith.divf %div3A_990, %add3A_988 : vector<16xf32>
        %jit3A_992 = arith.constant 2 : i32
        %eq3A_993 = arith.constant 0 : i32
        %eq3A_994 = arith.cmpi eq, %jit3A_992, %eq3A_993 : i32
        %jit3A_995 = arith.constant 1 : i32
        %select_n3A_996 = arith.select %eq3A_994, %jit3A_995, %jit3A_992 : i32
        %rem3A_997 = arith.remsi %select_n3A_976, %select_n3A_996 : i32
        %ne3A_998 = arith.constant 0 : i32
        %ne3A_999 = arith.cmpi ne, %rem3A_997, %ne3A_998 : i32
        %lt3A_1000 = arith.constant 0 : i32
        %lt3A_1001 = arith.cmpi slt, %rem3A_997, %lt3A_1000 : i32
        %lt3A_1002 = arith.constant 0 : i32
        %lt3A_1003 = arith.cmpi slt, %select_n3A_996, %lt3A_1002 : i32
        %ne3A_1004 = arith.xori %lt3A_1001, %lt3A_1003 : i1
        %and3A_1005 = arith.andi %ne3A_1004, %ne3A_999 : i1
        %add3A_1006 = arith.addi %rem3A_997, %select_n3A_996 : i32
        %select_n3A_1007 = arith.select %and3A_1005, %add3A_1006, %rem3A_997 : i32
        %swap3A = arith.index_cast %select_n3A_1007 : i32 to index
        %swap3A_1008 = arith.constant 0 : index
        %swap3A_1009 = tpu.vector_load %arg17[%swap3A, %swap3A_1008] {strides = array<i32>} : memref<2x16xf32, #tpu.memory_space<vmem>>, vector<16xf32>,
        tpu.vector_store %arg17[%swap3A, %swap3A_1008], %div3A_991 {strides = array<i32>} : memref<2x16xf32, #tpu.memory_space<vmem>>, vector<16xf32>,
        %jit3A_1010 = arith.constant 2 : i32
        %eq3A_1011 = arith.constant 0 : i32
        %eq3A_1012 = arith.cmpi eq, %jit3A_1010, %eq3A_1011 : i32
        %jit3A_1013 = arith.constant 1 : i32
        %select_n3A_1014 = arith.select %eq3A_1012, %jit3A_1013, %jit3A_1010 : i32
        %rem3A_1015 = arith.remsi %select_n3A_976, %select_n3A_1014 : i32
        %ne3A_1016 = arith.constant 0 : i32
        %ne3A_1017 = arith.cmpi ne, %rem3A_1015, %ne3A_1016 : i32
        %lt3A_1018 = arith.constant 0 : i32
        %lt3A_1019 = arith.cmpi slt, %rem3A_1015, %lt3A_1018 : i32
        %lt3A_1020 = arith.constant 0 : i32
        %lt3A_1021 = arith.cmpi slt, %select_n3A_1014, %lt3A_1020 : i32
        %ne3A_1022 = arith.xori %lt3A_1019, %lt3A_1021 : i1
        %and3A_1023 = arith.andi %ne3A_1022, %ne3A_1017 : i1
        %add3A_1024 = arith.addi %rem3A_1015, %select_n3A_1014 : i32
        %select_n3A_1025 = arith.select %and3A_1023, %add3A_1024, %rem3A_1015 : i32
        %mul3A_1026 = arith.constant 16 : i32
        %mul3A_1027 = arith.muli %select_n3A_976, %mul3A_1026 : i32
        %add3A_1028 = arith.addi %mul3A_2, %mul3A_1027 : i32
        %dma_start3A_1029 = arith.constant 0 : i32
        %dma_start3A_1030 = tpu.memref_slice %arg17[%select_n3A_1025, %dma_start3A_1029] : memref<2x16xf32, #tpu.memory_space<vmem>> -> memref<1x16xf32, #tpu.memory_space<vmem>>
        %dma_start3A_1031 = tpu.memref_squeeze %dma_start3A_1030 : memref<1x16xf32, #tpu.memory_space<vmem>> -> memref<16xf32, #tpu.memory_space<vmem>>
        %dma_start3A_1032 = tpu.memref_slice %arg7[%add3A_1028] : memref<16384xf32, #tpu.memory_space<hbm>> -> memref<16xf32, #tpu.memory_space<hbm>>
        %dma_start3A_1033 = tpu.memref_slice %arg7[%add3A_1028] : memref<16384xf32, #tpu.memory_space<hbm>> -> memref<16xf32, #tpu.memory_space<hbm>>
        %dma_start3A_1034 = arith.constant 0 : i32
        %dma_start3A_1035 = tpu.memref_slice %arg17[%select_n3A_1025, %dma_start3A_1034] : memref<2x16xf32, #tpu.memory_space<vmem>> -> memref<1x16xf32, #tpu.memory_space<vmem>>
        %dma_start3A_1036 = tpu.memref_squeeze %dma_start3A_1035 : memref<1x16xf32, #tpu.memory_space<vmem>> -> memref<16xf32, #tpu.memory_space<vmem>>
        tpu.enqueue_dma source(%dma_start3A_1036 : memref<16xf32, #tpu.memory_space<vmem>>) target(%dma_start3A_1033 : memref<16xf32, #tpu.memory_space<hbm>>) target_semaphore(%arg30 : memref<!tpu.dma_semaphore, #tpu.memory_space<semaphore_mem>>)
      } else {
      }
      %jit3A_935 = arith.constant 16 : i32
      %eq3A_936 = arith.constant 0 : i32
      %eq3A_937 = arith.cmpi eq, %jit3A_935, %eq3A_936 : i32
      %jit3A_938 = arith.constant 1 : i32
      %select_n3A_939 = arith.select %eq3A_937, %jit3A_938, %jit3A_935 : i32
      %rem3A_940 = arith.remsi %add3A_221, %select_n3A_939 : i32
      %ne3A_941 = arith.constant 0 : i32
      %ne3A_942 = arith.cmpi ne, %rem3A_940, %ne3A_941 : i32
      %lt3A_943 = arith.constant 0 : i32
      %lt3A_944 = arith.cmpi slt, %rem3A_940, %lt3A_943 : i32
      %lt3A_945 = arith.constant 0 : i32
      %lt3A_946 = arith.cmpi slt, %select_n3A_939, %lt3A_945 : i32
      %ne3A_947 = arith.xori %lt3A_944, %lt3A_946 : i1
      %and3A_948 = arith.andi %ne3A_947, %ne3A_942 : i1
      %add3A_949 = arith.addi %rem3A_940, %select_n3A_939 : i32
      %select_n3A_950 = arith.select %and3A_948, %add3A_949, %rem3A_940 : i32
      %eq3A_951 = arith.constant 0 : i32
      %eq3A_952 = arith.cmpi eq, %select_n3A_950, %eq3A_951 : i32
      %broadcast_in_dim3A_953 = arith.constant 0.000000e+00 : f32
      %broadcast_in_dim3A_954 = vector.broadcast %broadcast_in_dim3A_953 : f32 to vector<16xf32>
      %select_n3A_955 = arith.select %eq3A_952, %broadcast_in_dim3A_954, %select_n3A_882 : vector<16xf32>
      scf.yield %select_n3A_955 : vector<16xf32>
    }
    %scan3A_198 = arith.constant 64 : i32
    %dma_wait3A = arith.constant 0 : i32
    %dma_wait3A_199 = arith.constant 0 : i32
    %dma_wait3A_200 = tpu.memref_slice %arg17[%dma_wait3A, %dma_wait3A_199] : memref<2x16xf32, #tpu.memory_space<vmem>> -> memref<1x16xf32, #tpu.memory_space<vmem>>
    %dma_wait3A_201 = tpu.memref_squeeze %dma_wait3A_200 : memref<1x16xf32, #tpu.memory_space<vmem>> -> memref<16xf32, #tpu.memory_space<vmem>>
    %dma_wait3A_202 = tpu.memref_slice %arg7[%mul3A_2] : memref<16384xf32, #tpu.memory_space<hbm>> -> memref<16xf32, #tpu.memory_space<hbm>>
    %dma_wait3A_203 = tpu.memref_slice %arg7[%mul3A_2] : memref<16384xf32, #tpu.memory_space<hbm>> -> memref<16xf32, #tpu.memory_space<hbm>>
    %dma_wait3A_204 = arith.constant 0 : i32
    %dma_wait3A_205 = tpu.memref_slice %arg17[%dma_wait3A, %dma_wait3A_204] : memref<2x16xf32, #tpu.memory_space<vmem>> -> memref<1x16xf32, #tpu.memory_space<vmem>>
    %dma_wait3A_206 = tpu.memref_squeeze %dma_wait3A_205 : memref<1x16xf32, #tpu.memory_space<vmem>> -> memref<16xf32, #tpu.memory_space<vmem>>
    tpu.wait_dma2 semaphore(%arg30 : memref<!tpu.dma_semaphore, #tpu.memory_space<semaphore_mem>>) src(%dma_wait3A_206 : memref<16xf32, #tpu.memory_space<vmem>>) dst(%dma_wait3A_203 : memref<16xf32, #tpu.memory_space<hbm>>)
    %dma_wait3A_207 = arith.constant 0 : i32
    %dma_wait3A_208 = arith.constant 0 : i32
    %dma_wait3A_209 = tpu.memref_slice %arg17[%dma_wait3A_207, %dma_wait3A_208] : memref<2x16xf32, #tpu.memory_space<vmem>> -> memref<1x16xf32, #tpu.memory_space<vmem>>
    %dma_wait3A_210 = tpu.memref_squeeze %dma_wait3A_209 : memref<1x16xf32, #tpu.memory_space<vmem>> -> memref<16xf32, #tpu.memory_space<vmem>>
    %dma_wait3A_211 = tpu.memref_slice %arg7[%mul3A_2] : memref<16384xf32, #tpu.memory_space<hbm>> -> memref<16xf32, #tpu.memory_space<hbm>>
    %dma_wait3A_212 = tpu.memref_slice %arg7[%mul3A_2] : memref<16384xf32, #tpu.memory_space<hbm>> -> memref<16xf32, #tpu.memory_space<hbm>>
    %dma_wait3A_213 = arith.constant 0 : i32
    %dma_wait3A_214 = tpu.memref_slice %arg17[%dma_wait3A_207, %dma_wait3A_213] : memref<2x16xf32, #tpu.memory_space<vmem>> -> memref<1x16xf32, #tpu.memory_space<vmem>>
    %dma_wait3A_215 = tpu.memref_squeeze %dma_wait3A_214 : memref<1x16xf32, #tpu.memory_space<vmem>> -> memref<16xf32, #tpu.memory_space<vmem>>
    tpu.wait_dma2 semaphore(%arg30 : memref<!tpu.dma_semaphore, #tpu.memory_space<semaphore_mem>>) src(%dma_wait3A_215 : memref<16xf32, #tpu.memory_space<vmem>>) dst(%dma_wait3A_212 : memref<16xf32, #tpu.memory_space<hbm>>)
    return
  }
}

module attributes {stable_mosaic.version = 14 : i64} {
  func.func @_t2_body(%arg0: i32, %arg1: memref<4000x128xf32, #tpu.memory_space<vmem>>, %arg2: memref<128x64xf32, #tpu.memory_space<vmem>>, %arg3: memref<4000x64xbf16, #tpu.memory_space<vmem>>) attributes {dimension_semantics = [#tpu.dimension_semantics<arbitrary>], iteration_bounds = array<i64: 25>, scalar_prefetch = 0 : i64, scratch_operands = 0 : i64, tpu.core_type = #tpu.core_type<tc>, window_params = [{transform_indices = @transform_0, window_bounds = array<i64: 4000, 128>}, {pipeline_mode = #tpu.pipeline_mode<synchronous>, transform_indices = @transform_1, window_bounds = array<i64: 128, 64>}, {transform_indices = @transform_2, window_bounds = array<i64: 4000, 64>}]} {
    %get3A = arith.constant 0 : index
    %get3A_0 = arith.constant 0 : index
    %get3A_1 = vector.load %arg1[%get3A, %get3A_0] : memref<4000x128xf32, #tpu.memory_space<vmem>>, vector<4000x128xf32>
    %get3A_2 = arith.constant 0 : index
    %get3A_3 = arith.constant 0 : index
    %get3A_4 = vector.load %arg2[%get3A_2, %get3A_3] : memref<128x64xf32, #tpu.memory_space<vmem>>, vector<128x64xf32>
    %dot_general3A = arith.constant dense<0.000000e+00> : vector<4000x64xf32>
    %dot_general3A_5 = tpu.matmul %get3A_1, %get3A_4, %dot_general3A {dimension_numbers = #tpu.dot_dimension_numbers<[1], [0], [0], [1], [0, 0, 1, 1], [], []>, transpose_lhs_hint = false} : vector<4000x128xf32>, vector<128x64xf32>, vector<4000x64xf32> -> vector<4000x64xf32>
    %mul3A = arith.constant 5.000000e-03 : f32
    %mul3A_6 = vector.broadcast %mul3A : f32 to vector<4000x64xf32>
    %mul3A_7 = arith.mulf %dot_general3A_5, %mul3A_6 : vector<4000x64xf32>
    %convert_element_type3A = arith.truncf %mul3A_7 : vector<4000x64xf32> to vector<4000x64xbf16>
    %swap3A = arith.constant 0 : index
    %swap3A_8 = arith.constant 0 : index
    %swap3A_9 = vector.load %arg3[%swap3A, %swap3A_8] : memref<4000x64xbf16, #tpu.memory_space<vmem>>, vector<4000x64xbf16>
    tpu.vector_store %arg3[%swap3A, %swap3A_8], %convert_element_type3A {strides = array<i32>} : memref<4000x64xbf16, #tpu.memory_space<vmem>>, vector<4000x64xbf16>,
    return
  }
  func.func @transform_0(%arg0: i32) -> (i32, i32) {
    %c0_i32 = arith.constant 0 : i32
    %c0_i32_0 = arith.constant 0 : i32
    return %arg0, %c0_i32 : i32, i32
  }
  func.func @transform_1(%arg0: i32) -> (i32, i32) {
    %c0_i32 = arith.constant 0 : i32
    %c0_i32_0 = arith.constant 0 : i32
    %c0_i32_1 = arith.constant 0 : i32
    return %c0_i32, %c0_i32_0 : i32, i32
  }
  func.func @transform_2(%arg0: i32) -> (i32, i32) {
    %c0_i32 = arith.constant 0 : i32
    %c0_i32_0 = arith.constant 0 : i32
    return %arg0, %c0_i32 : i32, i32
  }
}

</mosaic_0001>

<sc_bundles>
// kernel: kernel.4.cloned.1.call-start
scs
__scs_entry_jumppad:
0x0: {  	(pc) =	sbr.rel $0x88, $3  }
0x1: {  	(tag) =	ssettag $0x0;
	lr =	simm.s32 $0x1  }
0x2: {  	[smem:$0x3F9B] =	sst lr;
	_ =	strace $0xD0000000  }
0x3: {  	_ = 	snop  }
0x4: {  	_ = 	snop  }
0x5: {  	_ = 	snop  }
0x6: {  	_ = 	snop  }
0x7: {  	_ = 	snop  }
__scs_overlays_trampoline_lowered:
0x8: {  	[smem:$0x3FAA] =	sst s0  }
0x9: {  	[smem:$0x3FAB] =	sst s1  }
0xa: {  	[smem:$0x3FAC] =	sst s2  }
0xb: {  	[smem:$0x3FAD] =	sst s3  }
0xc: {  	[smem:$0x3FAE] =	sst s4  }
0xd: {  	[smem:$0x3FAF] =	sst s5  }
0xe: {  	[smem:$0x3FB0] =	sst s6  }
0xf: {  	[smem:$0x3FB1] =	sst s7  }
0x10: {  	[smem:$0x3FB2] =	sst s8  }
0x11: {  	[smem:$0x3FB3] =	sst s9;
	s0 =	simm.s32 @!p0 $0x0  }
0x12: {  	s1 =	sld [smem:$0x3F99];
	s0 =	simm.s32 @p0 $0x1  }
0x13: {  	[smem:$0x3FB4] =	sst s0;
	s0 =	simm.s32 @!p1 $0x0  }
0x14: {  	s2 =	sld [smem:$0x3F98];
	s0 =	simm.s32 @p1 $0x1  }
0x15: {  	[smem:$0x3FB5] =	sst s0;
	s0 =	simm.s32 @!p2 $0x0  }
0x16: {  	s3 =	sld [smem:$0x3FDB];
	s0 =	simm.s32 @p2 $0x1  }
0x17: {  	s4 =	simm.s32 $0x1BF5;
	[smem:$0x3FB7] =	sst s0  }
0x18: {  	s0 =	sld [smem:$0x3F9A];
	_ =	swait.ge [sflag:s4], $0x0  }
0x19: {  	s7 =	sld [smem:$0x3F9B]  }
0x1a: {  	s8 =	sadd.s32 $0xFFFFE003, lr  }
0x1b: {  	s9 =	sadd.s32 $0xFFFFFEF7, lr;
	s5 =	simm.s32 $0xFFFFFFFF;
	p2 =	slt.u32 s8, $0xFFFFF086  }
0x1c: {  	p1 =	slt.u32 s9, $0xF7A;
	s5 =	simm.s32 @!p2 $0x0  }
0x1d: {  	s5 =	simm.s32 @p1 $0x1;
	p0 =	seq.s32 s7, s2  }
0x1e: {  	s7 =	smul.u32 @!p0 $0xF7A, s2;
	p2 =	seq.s32 @!p0 s5, $0x0  }
0x1f: {  	s9 =	smul.u32 $0xF7A, s1;
	s8 =	simm.s32 @!p0 $0x1BF5;
	p2 =	por !p2, p0  }
0x20: {  	[sflag:s8] =	ssyncset.s32 @!p0 $0xFFFFF086;
	s6 =	sadd.s32 @!p0 s3, s7;
	s7 =	simm.s32 @!p0 $0x108  }
0x21: {  	s3 =	sadd.s32 s3, s9;
	s6 =	sadd.s32 @!p0 $0x88, s6;
	s7 =	simm.s32 @p2 $0x1082  }
0x22: {  	[simem:s7], [sflag:s8] =	dma.local @!p0 [hbm:s6], $0xF7A  }
0x23: {  	s9 =	sor.u32 $0xD0000000, s2;
	s6 =	simm.s32 $0x108;
	_ =	swait.ge @!p0 [sflag:s8], $0x0  }
0x24: {  	s3 =	sadd.s32 $0x88, s3;
	s6 =	simm.s32 @!p1 $0x1082;
	[sflag:s4] =	ssyncset.s32 $0xFFFFF086  }
0x25: {  	[simem:s6], [sflag:s4] =	dma.local [hbm:s3], $0xF7A  }
0x26: {  	[smem:$0x3F9B] =	sst s1;
	(tag) =	ssettag s2;
	_ =	strace s9  }
0x27: {  	s1 =	sld [smem:$0x3FAB]  }
0x28: {  	s2 =	sld [smem:$0x3FAC]  }
0x29: {  	s4 =	sld [smem:$0x3FAE]  }
0x2a: {  	p0 =	seq.s32 s5, $0x0;
	s5 =	sld [smem:$0x3FAF]  }
0x2b: {  	s6 =	sld [smem:$0x3FB0]  }
0x2c: {  	s7 =	sld [smem:$0x3FB1]  }
0x2d: {  	s3 =	simm.s32 $0x108;
	s8 =	sld [smem:$0x3FB2]  }
0x2e: {  	s3 =	simm.s32 @!p0 $0x1082;
	s9 =	sld [smem:$0x3FB3]  }
0x2f: {  	lr =	sadd.s32 s0, s3;
	s0 =	sld [smem:$0x3FAA]  }
0x30: {  	s3 =	sld [smem:$0x3FAD]  }
0x31: {  	[smem:$0x3FB6] =	sst s10  }
0x32: {  	s10 =	sld [smem:$0x3FB4];
	_ =	sdelay $0x3  }
0x33: {  	p0 =	seq.s32 s10, $0x1;
	s10 =	sld [smem:$0x3FB6];
	_ =	sdelay $0x3  }
0x34: {  	[smem:$0x3FB6] =	sst s10  }
0x35: {  	s10 =	sld [smem:$0x3FB5];
	_ =	sdelay $0x3  }
0x36: {  	p1 =	seq.s32 s10, $0x1;
	s10 =	sld [smem:$0x3FB6];
	_ =	sdelay $0x3  }
0x37: {  	[smem:$0x3FB6] =	sst s10  }
0x38: {  	s10 =	sld [smem:$0x3FB7]  }
0x39: {  	_ = 	snop;
	(pc) =	sbr.ind lr, $3  }
0x3a: {  	_ = 	snop  }
0x3b: {  	_ = 	snop  }
0x3c: {  	p2 =	seq.s32 s10, $0x1;
	s10 =	sld [smem:$0x3FB6]  }
0x3d: {  	_ =	shalt  }
0x3e: {  	_ =	shalt  }
0x3f: {  	_ =	shalt  }
0x40: {  	_ =	shalt  }
0x41: {  	_ =	shalt  }
0x42: {  	_ =	shalt  }
0x43: {  	_ =	shalt  }
0x44: {  	_ =	shalt  }
0x45: {  	_ =	shalt  }
0x46: {  	_ =	shalt  }
0x47: {  	_ =	shalt  }
0x48: {  	_ =	shalt  }
0x49: {  	_ =	shalt  }
0x4a: {  	_ =	shalt  }
0x4b: {  	_ =	shalt  }
0x4c: {  	_ =	shalt  }
0x4d: {  	_ =	shalt  }
0x4e: {  	_ =	shalt  }
0x4f: {  	_ =	shalt  }
0x50: {  	_ =	shalt  }
0x51: {  	_ =	shalt  }
0x52: {  	_ =	shalt  }
0x53: {  	_ =	shalt  }
0x54: {  	_ =	shalt  }
0x55: {  	_ =	shalt  }
0x56: {  	_ =	shalt  }
0x57: {  	_ =	shalt  }
0x58: {  	_ =	shalt  }
0x59: {  	_ =	shalt  }
0x5a: {  	_ =	shalt  }
0x5b: {  	_ =	shalt  }
0x5c: {  	_ =	shalt  }
0x5d: {  	_ =	shalt  }
0x5e: {  	_ =	shalt  }
0x5f: {  	_ =	shalt  }
0x60: {  	_ =	shalt  }
0x61: {  	_ =	shalt  }
0x62: {  	_ =	shalt  }
0x63: {  	_ =	shalt  }
0x64: {  	_ =	shalt  }
0x65: {  	_ =	shalt  }
0x66: {  	_ =	shalt  }
0x67: {  	_ =	shalt  }
0x68: {  	_ =	shalt  }
0x69: {  	_ =	shalt  }
0x6a: {  	_ =	shalt  }
0x6b: {  	_ =	shalt  }
0x6c: {  	_ =	shalt  }
0x6d: {  	_ =	shalt  }
0x6e: {  	_ =	shalt  }
0x6f: {  	_ =	shalt  }
0x70: {  	_ =	shalt  }
0x71: {  	_ =	shalt  }
0x72: {  	_ =	shalt  }
0x73: {  	_ =	shalt  }
0x74: {  	_ =	shalt  }
0x75: {  	_ =	shalt  }
0x76: {  	_ =	shalt  }
0x77: {  	_ =	shalt  }
0x78: {  	_ =	shalt  }
0x79: {  	_ =	shalt  }
0x7a: {  	_ =	shalt  }
0x7b: {  	_ =	shalt  }
0x7c: {  	_ =	shalt  }
0x7d: {  	_ =	shalt  }
0x7e: {  	_ =	shalt  }
0x7f: {  	_ =	shalt  }
0x80: {  	_ =	shalt  }
0x81: {  	_ =	shalt  }
0x82: {  	_ =	shalt  }
0x83: {  	_ =	shalt  }
0x84: {  	_ =	shalt  }
0x85: {  	_ =	shalt  }
0x86: {  	_ =	shalt  }
0x87: {  	_ =	shalt  }
.Lfunc_end0:
.L_simem_size_0:
called_computation_lowered:
.L_overlay_start_0:
0x88: {  	s2 =	sld [smem:$0x3FD9]  }
0x89: {  	s3 =	sld [smem:$0x3FFE];
	_ =	sdelay $0x1  }
0x8a: {  	s1 =	srdreg.scid  }
0x8b: {  	s0 =	sand.u32 $0x1, s1  }
0x8c: {  	s17 =	sshll.u32 s0, $0xA;
	s2 =	sadd.s32 s3, s2  }
0x8d: {  	s2 =	sadd.s32 s2, s17  }
0x8e: {  	[smem:$0x3FC2] =	sst s2  }
0x8f: {  	_ = 	snop  }
0x90: {  	s2 =	sld [smem:$0x3FD0];
	(tm) =	ssettm $0x1  }
0x91: {  	s18 =	sld [smem:$0x3FFB];
	_ =	sdelay $0x3  }
0x92: {  	_ =	strace s18  }
0x93: {  	s3 =	sld [smem:$0x3FFC];
	_ =	sdelay $0x3  }
0x94: {  	_ =	strace s3  }
0x95: {  	s3 =	sld [smem:$0x3FFD];
	_ =	sdelay $0x3  }
0x96: {  	_ =	strace s3  }
0x97: {  	_ =	strace $0x8FFFFFFF  }
0x98: {  	s19 =	sld [smem:$0x3FDB];
	_ =	sdelay $0x1  }
0x99: {  	s4 =	simm.s32 $_scs_section_size  }
0x9a: {  	s5 =	simm.s32 $_size__tile_overlayer_lowered;
	s6 =	simm.s32 $_tile_overlayer_lowered  }
0x9b: {  	s22 =	simm.s32 $0x1BFF;
	s21 =	sshll.u32 s6, $0x1;
	s3 =	sadd.s32 s4, s19  }
0x9c: {  	s7 =	simm.s32 $0x0;
	s20 =	sshll.u32 s5, $0x1;
	s5 =	sadd.s32 s21, s3  }
0x9d: {  	[timem:s7], [sflag:s22] =	dma.local [hbm:s5], s20  }
0x9e: {  	_ =	swait.ge [sflag:s22], s20  }
0x9f: {  	s4 =	ssub.s32 $0x0, s20;
	[sflag:s22] =	ssyncset.done $0x0  }
0xa0: {  	[sflag:s22] =	ssyncadd.s32 s4;
	_ =	sdelay $0x1  }
0xa1: {  	s23 =	simm.s32 $0x1B8B  }
0xa2: {  	_ =	swait.ge [sflag:s23], $0x1  }
0xa3: {  	[sflag:s23] =	ssyncset.done $0x0  }
0xa4: {  	s25 =	simm.s32 $0x1B8E;
	s24 =	sld [smem:$0x3FFE];
	[sflag:s23] =	ssyncadd.s32 $0xFFFFFFFF  }
0xa5: {  	s26 =	simm.s32 $execute0_lowered;
	[smem:$0x3FD2] =	sst s25  }
0xa6: {  	s5 =	sshll.u32 s26, $0x1;
	_ =	strace $0x80000046;
	[dreg:$0x1] =	wrdreg $0xFFFFFFFF  }
0xa7: {  	s28 =	simm.s32 $_size_execute0_lowered;
	s3 =	sadd.s32 s3, s5;
	[dreg:$0x0] =	wrdreg $0x0  }
0xa8: {  	s5 =	sshll.u32 s28, $0x1;
	[dreg:$0x2] =	wrdreg s3  }
0xa9: {  	[dreg:$0x3] =	wrdreg s5  }
0xaa: {  	[dreg:$0x4] =	wrdreg $0xC0  }
0xab: {  	_ =	task [dreg:s7], $0x5FFFF  }
0xac: {  	[dreg:$0x1] =	wrdreg $0xFFFFFFFF  }
0xad: {  	[dreg:$0x0] =	wrdreg $0x60  }
0xae: {  	[dreg:$0x2] =	wrdreg s24  }
0xaf: {  	[dreg:$0x3] =	wrdreg s2  }
0xb0: {  	[dreg:$0x4] =	wrdreg $0x9  }
0xb1: {  	_ =	task.clear_ibuf [dreg:s7], $0x5FFFF;
	_ =	strace $0x90000046  }
0xb2: {  	s29 =	simm.s32 $0x9;
	_ =	strace $0x80000048  }
0xb3: {  	_ =	swait.ge [sflag:s29], $0x1  }
0xb4: {  	[sflag:s29] =	ssyncadd.s32 $0xFFFFFFFF  }
0xb5: {  	_ =	strace $0x90000048  }
0xb6: {  	_ =	sfence  }
0xb7: {  	s30 =	sld [smem:$0x0];
	_ =	sdelay $0x2  }
0xb8: {  	s31 =	sshll.u32 s1, $0xD;
	s1 =	sshrl.u32 s1, $0x2  }
0xb9: {  	s3 =	sand.u32 $0x4000, s31;
	s1 =	sadd.s32 s1, s30  }
0xba: {  	s0 =	sor.u32 s3, s0;
	s1 =	sshll.u32 s1, $0x11  }
0xbb: {  	s0 =	sor.u32 s1, s0  }
0xbc: {  	s0 =	sadd.s32 $0x8F2B, s0  }
0xbd: {  	[sflag:s0] =	ssyncadd.remote.s32 $0x1  }
0xbe: {  	_ =	sfence.sel $0xFFFF  }
0xbf: {  	[dreg:$0x0] =	wrdreg $0xFFFFFFFF;
	(pc) =	sbr.abs _section_cstart, $3  }
0xc0: {  	[dreg:$0x1] =	wrdreg $0xFFFFFFFF  }
0xc1: {  	_ =	task.clear_ibuf [dreg:s7], $0x2FFFF;
	_ =	strace $0x9FFFFFFF  }
0xc2: {  	(tm) =	ssettm $0x7FFFFFFF  }
0xc3: {  	_ =	shalt  }
tec
execute0_lowered:
.L_overlay_start_1:
0x0: {  	(tag) =	ssettag $0x1  }
0x1: {  	s0 =	rddreg [dreg:$0x0]  }
0x2: {  	s2 =	rddreg [dreg:$0x1]  }
0x3: {  	s1 =	srdreg.scid;
	s4 =	stileid.u32;
	s3 =	simm.s32 $0x0  }
0x4: {  	s14 =	simm.s32 $0xB;
	s18 =	simm.s32 $0x68;
	s20 =	simm.s32 $0x60  }
0x5: {  	s13 =	simm.s32 $0x1;
	s15 =	simm.s32 $0x2;
	s16 =	simm.s32 $0x3  }
0x6: {  	s17 =	simm.s32 $0x4;
	s19 =	simm.s32 $0x5;
	s21 =	simm.s32 $0x6  }
0x7: {  	s22 =	simm.s32 $0x7;
	s23 =	simm.s32 $0x8;
	s24 =	simm.s32 $0xA  }
0x8: {  	s25 =	simm.s32 $0x0;
	s1 =	sand.u32 $0x1, s1;
	s4 =	sshll.u32 s4, $0xA  }
0x9: {  	[smem:$0x7FF] =	sst s3;
	s6 =	sadd.s32 $0x62A00, s0;
	s5 =	sshll.u32 s1, $0x9  }
.Ltmp0:
0xa: {  	s7 =	sadd.s32 $0x1000, s0;
	s4 =	sor.u32 s5, s4;
	(pc) =	sbr.rel .LBB2_1-.Ltmp0, $4  }
0xb: {  	s8 =	sadd.s32 $0xE00, s0;
	s1 =	ssub.s32 $0x2, s1;
	s9 =	smul.u32 $0x19, s4  }
0xc: {  	s10 =	sadd.s32 $0x1200, s0;
	s5 =	sadd.s32 $0xC4600, s0;
	s11 =	sshrl.u32 s1, $0x1  }
0xd: {  	_ =	strace $0x80000047;
	s31 =	ssub.s32 s1, s11;
	s9 =	sadd.s32 s5, s9  }
0xe: {  	v0 =	vimm.bf16 $0.0e+00;
	v1 =	vlaneseq.u32;
	[dreg:$0x3] =	wrdreg s7;
	s12 =	smax.u32 s31, $0x1;
	s11 =	sadd.s32 $0x190, s9  }
.LBB2_23:
0xf: {  	s25 =	sadd.s32 $0x1, s25  }
0x10: {  	_ =	swait.ge [sflag:s24], $0x10;
	p0 =	sne.s32 s25, s12  }
.Ltmp1:
0x11: {  	[sflag:s24] =	ssyncset.done $0x0;
	(pc) =	sbr.rel @!p0 .LBB2_24-.Ltmp1, $4  }
0x12: {  	[sflag:s24] =	ssyncadd.s32 $0xFFFFFFF0  }
0x13: {  	_ =	swait.ge [sflag:s24], $0x10  }
0x14: {  	[sflag:s24] =	ssyncset.done $0x0  }
0x15: {  	[sflag:s24] =	ssyncadd.s32 $0xFFFFFFF0  }
.LBB2_1:
0x16: {  	s0 =	rddreg [dreg:$0x3];
	s1 =	simm.s32 $0xE120  }
0x17: {  	[tilespmem:s1], [sflag:$0xB] =	stream.linear.gather [hbm4b:s0+s3], $0x20, $0x38;
	[tilespmem:$0xE170] =	vst v63  }
0x18: {  	_ =	swait.ge [sflag:s14], $0x20  }
0x19: {  	[sflag:s14] =	ssyncset.done $0x0  }
0x1a: {  	s30 =	simm.s32 $0xE140;
	[sflag:s14] =	ssyncadd.s32 $0xFFFFFFE0  }
0x1b: {  	[tilespmem:s30], [sflag:$0xB] =	stream.linear.gather [hbm4b:s8+s3], $0x20, $0x38;
	[tilespmem:$0xE170] =	vst v63  }
0x1c: {  	_ =	swait.ge [sflag:s14], $0x20  }
0x1d: {  	[sflag:s14] =	ssyncset.done $0x0  }
0x1e: {  	s31 =	simm.s32 $0xE160;
	[sflag:s14] =	ssyncadd.s32 $0xFFFFFFE0  }
0x1f: {  	[tilespmem:s31], [sflag:$0xB] =	stream.linear.gather [hbm4b:s10+s3], $0x10, $0x38;
	[tilespmem:$0xE170] =	vst v63  }
0x20: {  	_ =	swait.ge [sflag:s14], $0x10  }
0x21: {  	[sflag:s14] =	ssyncset.done $0x0  }
0x22: {  	[sflag:s14] =	ssyncadd.s32 $0xFFFFFFF0  }
0x23: {  	[tilespmem:s3], [sflag:$0xB] =	stream.linear.gather [hbm4b:s9+s3], $0xC80, $0x38;
	[tilespmem:$0xE170] =	vst v63  }
0x24: {  	_ =	swait.ge [sflag:s14], $0xC80  }
0x25: {  	[sflag:s14] =	ssyncset.done $0x0  }
0x26: {  	s1 =	simm.s32 $0xC80;
	[sflag:s14] =	ssyncadd.s32 $0xFFFFF380  }
0x27: {  	[tilespmem:s1], [sflag:$0x9] =	stream.linear.gather [hbm4b:s11+s3], $0xC80, $0x38;
	[tilespmem:$0xE170] =	vst v63  }
0x28: {  	s7 =	simm.s32 $0x1900  }
0x29: {  	[tilespmem:s7], [sflag:$0x1] =	stream.indirect.gather [hbm4b:s6+s18], $0x20, s3, s18, $0xb8;
	[tilespmem:$0xE170] =	vst v63  }
0x2a: {  	s26 =	simm.s32 $0x2600  }
0x2b: {  	[tilespmem:s26], [sflag:$0x1] =	stream.indirect.gather [hbm4b:s6+s20], $0x20, s18, s20, $0xb8;
	[tilespmem:$0xE170] =	vst v63  }
0x2c: {  	s28 =	simm.s32 $0xC8;
	s29 =	simm.s32 $0x3200  }
0x2d: {  	[tilespmem:s29], [sflag:$0x2] =	stream.indirect.gather [hbm4b:s6+s18], $0x20, s28, s18, $0xb8;
	[tilespmem:$0xE170] =	vst v63  }
0x2e: {  	s30 =	simm.s32 $0x130;
	s31 =	simm.s32 $0x3F00  }
0x2f: {  	[tilespmem:s31], [sflag:$0x2] =	stream.indirect.gather [hbm4b:s6+s20], $0x20, s30, s20, $0xb8;
	[tilespmem:$0xE170] =	vst v63  }
0x30: {  	s7 =	simm.s32 $0x190;
	s26 =	simm.s32 $0x4B00  }
0x31: {  	[tilespmem:s26], [sflag:$0x3] =	stream.indirect.gather [hbm4b:s6+s18], $0x20, s7, s18, $0xb8;
	[tilespmem:$0xE170] =	vst v63  }
0x32: {  	s28 =	simm.s32 $0x1F8;
	s29 =	simm.s32 $0x5800  }
0x33: {  	[tilespmem:s29], [sflag:$0x3] =	stream.indirect.gather [hbm4b:s6+s20], $0x20, s28, s20, $0xb8;
	[tilespmem:$0xE170] =	vst v63  }
0x34: {  	s30 =	simm.s32 $0x258;
	s31 =	simm.s32 $0x6400  }
0x35: {  	[tilespmem:s31], [sflag:$0x4] =	stream.indirect.gather [hbm4b:s6+s18], $0x20, s30, s18, $0xb8;
	[tilespmem:$0xE170] =	vst v63  }
0x36: {  	s7 =	simm.s32 $0x2C0;
	s26 =	simm.s32 $0x7100  }
0x37: {  	[tilespmem:s26], [sflag:$0x4] =	stream.indirect.gather [hbm4b:s6+s20], $0x20, s7, s20, $0xb8;
	[tilespmem:$0xE170] =	vst v63  }
0x38: {  	s28 =	simm.s32 $0x320;
	s29 =	simm.s32 $0x7D00  }
0x39: {  	[tilespmem:s29], [sflag:$0x5] =	stream.indirect.gather [hbm4b:s6+s18], $0x20, s28, s18, $0xb8;
	[tilespmem:$0xE170] =	vst v63  }
0x3a: {  	s30 =	simm.s32 $0x388;
	s31 =	simm.s32 $0x8A00  }
0x3b: {  	[tilespmem:s31], [sflag:$0x5] =	stream.indirect.gather [hbm4b:s6+s20], $0x20, s30, s20, $0xb8;
	[tilespmem:$0xE170] =	vst v63  }
0x3c: {  	s7 =	simm.s32 $0x3E8;
	s26 =	simm.s32 $0x9600  }
0x3d: {  	[tilespmem:s26], [sflag:$0x6] =	stream.indirect.gather [hbm4b:s6+s18], $0x20, s7, s18, $0xb8;
	[tilespmem:$0xE170] =	vst v63  }
0x3e: {  	s28 =	simm.s32 $0x450;
	s29 =	simm.s32 $0xA300  }
0x3f: {  	[tilespmem:s29], [sflag:$0x6] =	stream.indirect.gather [hbm4b:s6+s20], $0x20, s28, s20, $0xb8;
	[tilespmem:$0xE170] =	vst v63  }
0x40: {  	s30 =	simm.s32 $0x4B0;
	s31 =	simm.s32 $0xAF00  }
0x41: {  	[tilespmem:s31], [sflag:$0x7] =	stream.indirect.gather [hbm4b:s6+s18], $0x20, s30, s18, $0xb8;
	[tilespmem:$0xE170] =	vst v63  }
0x42: {  	s7 =	simm.s32 $0x518;
	s26 =	simm.s32 $0xBC00  }
0x43: {  	[tilespmem:s26], [sflag:$0x7] =	stream.indirect.gather [hbm4b:s6+s20], $0x20, s7, s20, $0xb8;
	[tilespmem:$0xE170] =	vst v63  }
.Ltmp2:
0x44: {  	_ = 	snop;
	(pc) =	sbr.rel .LBB2_2-.Ltmp2, $4  }
0x45: {  	s28 =	simm.s32 $0x578;
	s29 =	simm.s32 $0xC800  }
0x46: {  	[tilespmem:s29], [sflag:$0x8] =	stream.indirect.gather [hbm4b:s6+s18], $0x20, s28, s18, $0xb8;
	[tilespmem:$0xE170] =	vst v63  }
0x47: {  	s30 =	simm.s32 $0x5E0;
	s31 =	simm.s32 $0xD500;
	s26 =	simm.s32 $0x0  }
0x48: {  	v2 =	vimm.f32 $0.0e+00;
	[tilespmem:s31], [sflag:$0x8] =	stream.indirect.gather [hbm4b:s6+s20], $0x20, s30, s20, $0xb8;
	[tilespmem:$0xE170] =	vst v63  }
.LBB2_19:
0x49: {  	s0 =	sshrl.u32 s29, $0x4  }
0x4a: {  	s0 =	sadd.s32 $0x1, s0  }
0x4b: {  	s1 =	sshll.u32 s0, $0x4  }
0x4c: {  	s1 =	sadd.s32 s4, s1  }
0x4d: {  	s0 =	sand.u32 $0x1, s0;
	s1 =	smul.u32 $0x19, s1  }
0x4e: {  	p0 =	seq.s32 s0, $0x1;
	s0 =	simm.s32 $0xC80  }
0x4f: {  	s0 =	simm.s32 @!p0 $0x0;
	s1 =	sadd.s32 s5, s1  }
0x50: {  	[tilespmem:s0], [sflag:$0x9] =	stream.linear.gather [hbm4b:s1+s3], $0xC80, $0x38;
	[tilespmem:$0xE170] =	vst v63  }
.LBB2_21:
0x51: {  	p0 =	slt.u32 s26, $0x4  }
0x52: {  	s0 =	simm.s32 @!p0 $0xA  }
0x53: {  	_ =	swait.ge @!p0 [sflag:s0], $0x10  }
0x54: {  	[sflag:s0] =	ssyncset.done @!p0 $0x0  }
0x55: {  	[sflag:s0] =	ssyncadd.s32 @!p0 $0xFFFFFFF0  }
0x56: {  	v3 =	vld [tilespmem:$0xE160];
	_ =	sdelay $0x4  }
0x57: {  	v2 =	vadd.f32 v3, v2;
	_ =	sdelay $0x1  }
0x58: {  	v2 =	vsub.f32 $0.0e+00, v2;
	_ =	sdelay $0x1  }
0x59: {  	v2 =	vmul.f32 $1.442695020e+00, v2;
	_ =	sdelay $0x1  }
0x5a: {  	(erf) = vpow2.f32 v2;
	_ =	sdelay $0x8  }
0x5b: {  	v2 =	vpop (erf)  }
0x5c: {  	v2 =	vadd.f32 $1.000000000e+00, v2;
	_ =	sdelay $0x1  }
0x5d: {  	(erf) = vrcp.f32 v2;
	_ =	sdelay $0x6  }
0x5e: {  	s31 =	sand.u32 $0x1F0, s28  }
0x5f: {  	s0 =	sor.u32 s4, s31  }
0x60: {  	s1 =	sand.u32 $0x10, s28;
	s0 =	sshrl.u32 s0, $0x3;
	v2 =	vpop (erf)  }
0x61: {  	s7 =	sor.u32 $0xE100, s1;
	s0 =	sadd.s32 s2, s0;
	[tilespmem:s1+$0xE100] =	vst v2  }
0x62: {  	v2 =	vimm.f32 $0.0e+00;
	[hbm4b:s0+s3] =	stream.linear.scatter [tilespmem:s7], [sflag:$0xA], $0x10, $0x38;
	[tilespmem:$0xE170] =	vst v63  }
.LBB2_22:
0x63: {  	s26 =	sadd.s32 $0x1, s26  }
0x64: {  	p0 =	sne.s32 s26, $0x40  }
.Ltmp3:
0x65: {  	_ = 	snop;
	(pc) =	sbr.rel @!p0 .LBB2_23-.Ltmp3, $1  }
0x66: {  	_ =	sdelay $0x3  }
.LBB2_2:
0x67: {  	s28 =	sshll.u32 s26, $0x3  }
0x68: {  	s29 =	sadd.s32 $0x8, s28  }
0x69: {  	p0 =	seq.s32 s26, $0x3F;
	s30 =	sand.u32 $0x8, s29  }
0x6a: {  	p1 =	sne.s32 @!p0 s30, $0x0  }
0x6b: {  	p1 =	por p1, p0  }
0x6c: {  	s0 =	simm.s32 @!p1 $0x9  }
0x6d: {  	_ =	swait.ge @!p1 [sflag:s0], $0xC80  }
0x6e: {  	[sflag:s0] =	ssyncset.done @!p1 $0x0  }
0x6f: {  	[sflag:s0] =	ssyncadd.s32 @!p1 $0xFFFFF380  }
0x70: {  	_ =	swait.ge [sflag:s13], $0xD00  }
0x71: {  	[sflag:s13] =	ssyncset.done $0x0  }
0x72: {  	[sflag:s13] =	ssyncadd.s32 $0xFFFFF300  }
0x73: {  	_ =	swait.ge [sflag:s13], $0xC00  }
0x74: {  	[sflag:s13] =	ssyncset.done $0x0  }
0x75: {  	s1 =	simm.s32 $0x0;
	[sflag:s13] =	ssyncadd.s32 $0xFFFFF400  }
0x76: {  	v3 =	vld [tilespmem:s1+$0x1900]  }
0x77: {  	v4 =	vld [tilespmem:s1+$0x1910]  }
0x78: {  	v5 =	vld [tilespmem:s1+$0x1920]  }
0x79: {  	v6 =	vld [tilespmem:s1+$0x1930]  }
0x7a: {  	v7 =	vld [tilespmem:s1+$0x1940]  }
0x7b: {  	v8 =	vimm.bf16 $0.0e+00;
	v9 =	vld [tilespmem:s1+$0x1950]  }
0x7c: {  	v10 =	vld [tilespmem:s1+$0x1970];
	v3 =	vadd.bf16 v3, v8;
	v4 =	vadd.bf16 v4, v8  }
0x7d: {  	v8 =	vld [tilespmem:s1+$0x1960]  }
0x7e: {  	v11 =	vld [tilespmem:s1+$0x1990];
	v3 =	vadd.bf16 v5, v3;
	v4 =	vadd.bf16 v6, v4  }
0x7f: {  	v5 =	vld [tilespmem:s1+$0x1980]  }
0x80: {  	v12 =	vld [tilespmem:s1+$0x19B0];
	v3 =	vadd.bf16 v7, v3;
	v4 =	vadd.bf16 v9, v4  }
0x81: {  	v9 =	vld [tilespmem:s1+$0x19A0]  }
0x82: {  	v6 =	vld [tilespmem:s1+$0x19D0];
	v7 =	vadd.bf16 v8, v3;
	v4 =	vadd.bf16 v10, v4  }
0x83: {  	v3 =	vld [tilespmem:s1+$0x19C0]  }
0x84: {  	v8 =	vadd.bf16 v5, v7;
	v10 =	vadd.bf16 v11, v4;
	v4 =	vld [tilespmem:s1+$0x19E0]  }
0x85: {  	s0 =	simm.s32 $0x100;
	v7 =	vld [tilespmem:s1+$0x19F0]  }
0x86: {  	s31 =	simm.s32 $0x800;
	v5 =	vld [tilespmem:s0+$0x1900];
	v8 =	vadd.bf16 v9, v8;
	v9 =	vadd.bf16 v12, v10  }
.LBB2_3:
0x87: {  	p1 =	sne.s32 s31, $0x6000;
	v10 =	vld [tilespmem:s0+$0x1910]  }
0x88: {  	v11 =	vld [tilespmem:s0+$0x1920];
	v3 =	vadd.bf16 v3, v8;
	v6 =	vadd.bf16 v6, v9  }
0x89: {  	v8 =	vld [tilespmem:s0+$0x1930]  }
0x8a: {  	v9 =	vld [tilespmem:s0+$0x1940];
	v3 =	vadd.bf16 v4, v3;
	v4 =	vadd.bf16 v7, v6  }
0x8b: {  	v6 =	vld [tilespmem:s0+$0x1950]  }
0x8c: {  	v3 =	vadd.bf16 v5, v3;
	v4 =	vadd.bf16 v10, v4;
	v5 =	vld [tilespmem:s0+$0x1960]  }
0x8d: {  	v7 =	vld [tilespmem:s0+$0x1970]  }
0x8e: {  	v3 =	vadd.bf16 v11, v3;
	v4 =	vadd.bf16 v8, v4;
	v8 =	vld [tilespmem:s0+$0x1980]  }
0x8f: {  	v10 =	vld [tilespmem:s0+$0x1990]  }
0x90: {  	v3 =	vadd.bf16 v9, v3;
	v4 =	vadd.bf16 v6, v4;
	v9 =	vld [tilespmem:s0+$0x19A0]  }
0x91: {  	v11 =	vld [tilespmem:s0+$0x19B0]  }
.Ltmp4:
0x92: {  	v5 =	vadd.bf16 v5, v3;
	v4 =	vadd.bf16 v7, v4;
	v3 =	vld [tilespmem:s0+$0x19C0];
	(pc) =	sbr.rel @p1 .LBB2_3-.Ltmp4, $4  }
0x93: {  	v6 =	vld [tilespmem:s0+$0x19D0]  }
0x94: {  	v8 =	vadd.bf16 v8, v5;
	v10 =	vadd.bf16 v10, v4;
	v4 =	vld [tilespmem:s0+$0x19E0]  }
0x95: {  	v7 =	vld [tilespmem:s0+$0x19F0];
	s0 =	sshra.s32 s31, $0x2  }
0x96: {  	s31 =	sadd.s32 $0x400, s31;
	v5 =	vld [tilespmem:s0+$0x1900];
	v8 =	vadd.bf16 v9, v8;
	v9 =	vadd.bf16 v11, v10  }
0x97: {  	v10 =	vld [tilespmem:s0+$0x1910]  }
0x98: {  	v11 =	vld [tilespmem:s0+$0x1920];
	v3 =	vadd.bf16 v3, v8;
	v6 =	vadd.bf16 v6, v9  }
0x99: {  	v8 =	vld [tilespmem:s0+$0x1930]  }
0x9a: {  	v9 =	vld [tilespmem:s0+$0x1940];
	v3 =	vadd.bf16 v4, v3;
	v4 =	vadd.bf16 v7, v6  }
0x9b: {  	v6 =	vld [tilespmem:s0+$0x1950]  }
0x9c: {  	v7 =	vld [tilespmem:s0+$0x1970];
	v3 =	vadd.bf16 v5, v3;
	v4 =	vadd.bf16 v10, v4  }
0x9d: {  	v5 =	vld [tilespmem:s0+$0x1960]  }
0x9e: {  	v10 =	vld [tilespmem:s0+$0x1990];
	v3 =	vadd.bf16 v11, v3;
	v4 =	vadd.bf16 v8, v4  }
0x9f: {  	v8 =	vld [tilespmem:s0+$0x1980]  }
0xa0: {  	v3 =	vadd.bf16 v9, v3;
	v4 =	vadd.bf16 v6, v4;
	v6 =	vld [tilespmem:s0+$0x19A0]  }
0xa1: {  	v9 =	vld [tilespmem:s0+$0x19B0]  }
0xa2: {  	v3 =	vadd.bf16 v5, v3;
	v4 =	vadd.bf16 v7, v4;
	v5 =	vld [tilespmem:s0+$0x19C0]  }
0xa3: {  	v7 =	vld [tilespmem:s0+$0x19D0]  }
0xa4: {  	v3 =	vadd.bf16 v8, v3;
	v4 =	vadd.bf16 v10, v4;
	v8 =	vld [tilespmem:s0+$0x19E0]  }
0xa5: {  	v10 =	vld [tilespmem:s0+$0x19F0]  }
0xa6: {  	v3 =	vadd.bf16 v6, v3;
	v4 =	vadd.bf16 v9, v4;
	v6 =	vld [tilespmem:$0xE120]  }
0xa7: {  	v9 =	vld [tilespmem:$0xE130]  }
0xa8: {  	v3 =	vadd.bf16 v5, v3;
	v4 =	vadd.bf16 v7, v4  }
0xa9: {  	v5 =	vld [tilespmem:$0xE140]  }
0xaa: {  	v7 =	vld [tilespmem:$0xE150];
	v3 =	vadd.bf16 v8, v3;
	v4 =	vadd.bf16 v10, v4;
	_ =	sdelay $0x1  }
0xab: {  	v3 =	vadd.bf16 v6, v3;
	v4 =	vadd.bf16 v9, v4;
	_ =	sdelay $0x1  }
0xac: {  	v3 =	vmax.bf16 v3, v0;
	v4 =	vmax.bf16 v4, v0  }
0xad: {  	v3 =	vmul.bf16 v5, v3;
	v4 =	vmul.bf16 v7, v4;
	_ =	sdelay $0x1  }
0xae: {  	v3 =	vadd.bf16 v4, v3;
	_ =	sdelay $0x1  }
0xaf: {  	v4 =	vunpack.i.u.bf16.f32 v3;
	v3 =	vunpack.i.l.bf16.f32 v3  }
0xb0: {  	v3 =	vadd.f32 v3, v4;
	_ =	sdelay $0x1  }
0xb1: {  	(xrf2) =	vadd.scan.msk.f32 $0xffff, v3;
	_ =	sdelay $0x3  }
0xb2: {  	s1 =	smul.u32 @!p0 $0x320, s30;
	s0 =	sshll.u32 @!p0 s29, $0x1B  }
0xb3: {  	s0 =	sshra.s32 @!p0 s0, $0x1F  }
0xb4: {  	s1 =	sshrl.u32 @!p0 s1, $0x2;
	s0 =	sand.u32 @!p0 $0xC80, s0  }
0xb5: {  	s31 =	simm.s32 @!p0 $0x1900;
	s0 =	sadd.s32 @!p0 s1, s0;
	s1 =	simm.s32 @!p0 $0x68  }
0xb6: {  	[tilespmem:s31], [sflag:$0x1] =	stream.indirect.gather @!p0 [hbm4b:s6+s1], $0x20, s0, s1, $0xb8;
	[tilespmem:$0xE170] =	vst v63  }
0xb7: {  	s0 =	sadd.s32 @!p0 $0x68, s0;
	s1 =	simm.s32 @!p0 $0x60;
	s31 =	simm.s32 @!p0 $0x2600  }
0xb8: {  	[tilespmem:s31], [sflag:$0x1] =	stream.indirect.gather @!p0 [hbm4b:s6+s1], $0x20, s0, s1, $0xb8;
	v5, _, _ =	vpop (xrf2);
	[tilespmem:$0xE170] =	vst v63  }
0xb9: {  	_ =	swait.ge [sflag:s15], $0xD00  }
0xba: {  	[sflag:s15] =	ssyncset.done $0x0  }
0xbb: {  	[sflag:s15] =	ssyncadd.s32 $0xFFFFF300  }
0xbc: {  	_ =	swait.ge [sflag:s15], $0xC00  }
0xbd: {  	[sflag:s15] =	ssyncset.done $0x0  }
0xbe: {  	s7 =	simm.s32 $0x0;
	[sflag:s15] =	ssyncadd.s32 $0xFFFFF400  }
0xbf: {  	v3 =	vld [tilespmem:s7+$0x3200]  }
0xc0: {  	v4 =	vld [tilespmem:s7+$0x3210]  }
0xc1: {  	v6 =	vld [tilespmem:s7+$0x3220]  }
0xc2: {  	v7 =	vld [tilespmem:s7+$0x3230]  }
0xc3: {  	v9 =	vld [tilespmem:s7+$0x3240]  }
0xc4: {  	v8 =	vimm.bf16 $0.0e+00;
	v10 =	vld [tilespmem:s7+$0x3250]  }
0xc5: {  	v11 =	vld [tilespmem:s7+$0x3270];
	v3 =	vadd.bf16 v3, v8;
	v4 =	vadd.bf16 v4, v8  }
0xc6: {  	v8 =	vld [tilespmem:s7+$0x3260]  }
0xc7: {  	v3 =	vadd.bf16 v6, v3;
	v4 =	vadd.bf16 v7, v4;
	v6 =	vld [tilespmem:s7+$0x3280]  }
0xc8: {  	v7 =	vld [tilespmem:s7+$0x3290]  }
0xc9: {  	v3 =	vadd.bf16 v9, v3;
	v4 =	vadd.bf16 v10, v4;
	v9 =	vld [tilespmem:s7+$0x32A0]  }
0xca: {  	v10 =	vld [tilespmem:s7+$0x32B0]  }
0xcb: {  	v8 =	vadd.bf16 v8, v3;
	v11 =	vadd.bf16 v11, v4;
	v3 =	vld [tilespmem:s7+$0x32C0]  }
0xcc: {  	s31 =	sand.u32 $0x8, s28;
	v12 =	vbroadcast v5, $0xF;
	v4 =	vld [tilespmem:s7+$0x32D0]  }
0xcd: {  	v5 =	vld [tilespmem:s7+$0x32E0];
	v8 =	vadd.bf16 v6, v8;
	v6 =	vmov s31;
	v11 =	vadd.bf16 v7, v11  }
0xce: {  	s0 =	simm.s32 $0x100;
	v7 =	vld [tilespmem:s7+$0x32F0];
	vm0 =	veq.s32 v6, v1  }
0xcf: {  	s1 =	simm.s32 $0x800;
	v6 =	vld [tilespmem:s0+$0x3200];
	v2 =	vsel vm0, v12, v2;
	v8 =	vadd.bf16 v9, v8;
	v9 =	vadd.bf16 v10, v11  }
.LBB2_5:
0xd0: {  	p1 =	sne.s32 s1, $0x6000;
	v10 =	vld [tilespmem:s0+$0x3210]  }
0xd1: {  	v11 =	vld [tilespmem:s0+$0x3220];
	v3 =	vadd.bf16 v3, v8;
	v4 =	vadd.bf16 v4, v9  }
0xd2: {  	v8 =	vld [tilespmem:s0+$0x3230]  }
0xd3: {  	v9 =	vld [tilespmem:s0+$0x3240];
	v3 =	vadd.bf16 v5, v3;
	v4 =	vadd.bf16 v7, v4  }
0xd4: {  	v5 =	vld [tilespmem:s0+$0x3250]  }
0xd5: {  	v3 =	vadd.bf16 v6, v3;
	v4 =	vadd.bf16 v10, v4;
	v6 =	vld [tilespmem:s0+$0x3260]  }
0xd6: {  	v7 =	vld [tilespmem:s0+$0x3270]  }
0xd7: {  	v3 =	vadd.bf16 v11, v3;
	v4 =	vadd.bf16 v8, v4;
	v8 =	vld [tilespmem:s0+$0x3280]  }
0xd8: {  	v10 =	vld [tilespmem:s0+$0x3290]  }
0xd9: {  	v3 =	vadd.bf16 v9, v3;
	v4 =	vadd.bf16 v5, v4;
	v9 =	vld [tilespmem:s0+$0x32A0]  }
0xda: {  	v11 =	vld [tilespmem:s0+$0x32B0]  }
.Ltmp5:
0xdb: {  	v5 =	vadd.bf16 v6, v3;
	v6 =	vadd.bf16 v7, v4;
	v3 =	vld [tilespmem:s0+$0x32C0];
	(pc) =	sbr.rel @p1 .LBB2_5-.Ltmp5, $4  }
0xdc: {  	v4 =	vld [tilespmem:s0+$0x32D0]  }
0xdd: {  	v8 =	vadd.bf16 v8, v5;
	v10 =	vadd.bf16 v10, v6;
	v5 =	vld [tilespmem:s0+$0x32E0]  }
0xde: {  	v7 =	vld [tilespmem:s0+$0x32F0];
	s0 =	sshra.s32 s1, $0x2  }
0xdf: {  	s1 =	sadd.s32 $0x400, s1;
	v6 =	vld [tilespmem:s0+$0x3200];
	v8 =	vadd.bf16 v9, v8;
	v9 =	vadd.bf16 v11, v10  }
0xe0: {  	v10 =	vld [tilespmem:s0+$0x3210]  }
0xe1: {  	v11 =	vld [tilespmem:s0+$0x3220];
	v3 =	vadd.bf16 v3, v8;
	v4 =	vadd.bf16 v4, v9  }
0xe2: {  	v8 =	vld [tilespmem:s0+$0x3230]  }
0xe3: {  	v9 =	vld [tilespmem:s0+$0x3240];
	v3 =	vadd.bf16 v5, v3;
	v4 =	vadd.bf16 v7, v4  }
0xe4: {  	v5 =	vld [tilespmem:s0+$0x3250]  }
0xe5: {  	v7 =	vld [tilespmem:s0+$0x3270];
	v3 =	vadd.bf16 v6, v3;
	v4 =	vadd.bf16 v10, v4  }
0xe6: {  	v6 =	vld [tilespmem:s0+$0x3260]  }
0xe7: {  	v10 =	vld [tilespmem:s0+$0x3290];
	v3 =	vadd.bf16 v11, v3;
	v4 =	vadd.bf16 v8, v4  }
0xe8: {  	v8 =	vld [tilespmem:s0+$0x3280]  }
0xe9: {  	v3 =	vadd.bf16 v9, v3;
	v4 =	vadd.bf16 v5, v4;
	v5 =	vld [tilespmem:s0+$0x32A0]  }
0xea: {  	v9 =	vld [tilespmem:s0+$0x32B0]  }
0xeb: {  	v3 =	vadd.bf16 v6, v3;
	v4 =	vadd.bf16 v7, v4;
	v6 =	vld [tilespmem:s0+$0x32C0]  }
0xec: {  	v7 =	vld [tilespmem:s0+$0x32D0]  }
0xed: {  	v3 =	vadd.bf16 v8, v3;
	v4 =	vadd.bf16 v10, v4;
	v8 =	vld [tilespmem:s0+$0x32E0]  }
0xee: {  	v10 =	vld [tilespmem:s0+$0x32F0]  }
0xef: {  	v3 =	vadd.bf16 v5, v3;
	v4 =	vadd.bf16 v9, v4;
	v5 =	vld [tilespmem:$0xE120]  }
0xf0: {  	v9 =	vld [tilespmem:$0xE130]  }
0xf1: {  	v3 =	vadd.bf16 v6, v3;
	v4 =	vadd.bf16 v7, v4  }
0xf2: {  	v6 =	vld [tilespmem:$0xE140]  }
0xf3: {  	v7 =	vld [tilespmem:$0xE150];
	v3 =	vadd.bf16 v8, v3;
	v4 =	vadd.bf16 v10, v4;
	_ =	sdelay $0x1  }
0xf4: {  	v3 =	vadd.bf16 v5, v3;
	v4 =	vadd.bf16 v9, v4;
	_ =	sdelay $0x1  }
0xf5: {  	v3 =	vmax.bf16 v3, v0;
	v4 =	vmax.bf16 v4, v0  }
0xf6: {  	v3 =	vmul.bf16 v6, v3;
	v4 =	vmul.bf16 v7, v4;
	_ =	sdelay $0x1  }
0xf7: {  	v3 =	vadd.bf16 v4, v3;
	_ =	sdelay $0x1  }
0xf8: {  	v4 =	vunpack.i.u.bf16.f32 v3;
	v3 =	vunpack.i.l.bf16.f32 v3  }
0xf9: {  	v3 =	vadd.f32 v3, v4;
	_ =	sdelay $0x1  }
0xfa: {  	(xrf2) =	vadd.scan.msk.f32 $0xffff, v3;
	_ =	sdelay $0x1  }
0xfb: {  	s0 =	sadd.s32 @!p0 $0x9, s28  }
0xfc: {  	s1 =	sand.u32 @!p0 $0x9, s0  }
0xfd: {  	s0 =	sshll.u32 @!p0 s0, $0x1B;
	s1 =	smul.u32 @!p0 $0x320, s1  }
0xfe: {  	s0 =	sshra.s32 @!p0 s0, $0x1F  }
0xff: {  	s0 =	sand.u32 @!p0 $0xC80, s0;
	s1 =	sshrl.u32 @!p0 s1, $0x2  }
0x100: {  	s7 =	simm.s32 @!p0 $0x3200;
	s0 =	sadd.s32 @!p0 s1, s0;
	s1 =	simm.s32 @!p0 $0x68  }
0x101: {  	[tilespmem:s7], [sflag:$0x2] =	stream.indirect.gather @!p0 [hbm4b:s6+s1], $0x20, s0, s1, $0xb8;
	[tilespmem:$0xE170] =	vst v63  }
0x102: {  	s0 =	sadd.s32 @!p0 $0x68, s0;
	s1 =	simm.s32 @!p0 $0x60;
	s7 =	simm.s32 @!p0 $0x3F00  }
0x103: {  	[tilespmem:s7], [sflag:$0x2] =	stream.indirect.gather @!p0 [hbm4b:s6+s1], $0x20, s0, s1, $0xb8;
	v5, _, _ =	vpop (xrf2);
	[tilespmem:$0xE170] =	vst v63  }
0x104: {  	_ =	swait.ge [sflag:s16], $0xD00  }
0x105: {  	[sflag:s16] =	ssyncset.done $0x0  }
0x106: {  	[sflag:s16] =	ssyncadd.s32 $0xFFFFF300  }
0x107: {  	_ =	swait.ge [sflag:s16], $0xC00  }
0x108: {  	[sflag:s16] =	ssyncset.done $0x0  }
0x109: {  	s1 =	simm.s32 $0x0;
	[sflag:s16] =	ssyncadd.s32 $0xFFFFF400  }
0x10a: {  	v3 =	vld [tilespmem:s1+$0x4B00]  }
0x10b: {  	v4 =	vld [tilespmem:s1+$0x4B10]  }
0x10c: {  	v6 =	vld [tilespmem:s1+$0x4B20]  }
0x10d: {  	v7 =	vld [tilespmem:s1+$0x4B30]  }
0x10e: {  	v9 =	vld [tilespmem:s1+$0x4B40]  }
0x10f: {  	v8 =	vimm.bf16 $0.0e+00;
	v10 =	vld [tilespmem:s1+$0x4B50]  }
0x110: {  	v11 =	vld [tilespmem:s1+$0x4B70];
	v3 =	vadd.bf16 v3, v8;
	v4 =	vadd.bf16 v4, v8  }
0x111: {  	v8 =	vld [tilespmem:s1+$0x4B60]  }
0x112: {  	v3 =	vadd.bf16 v6, v3;
	v4 =	vadd.bf16 v7, v4;
	v6 =	vld [tilespmem:s1+$0x4B80]  }
0x113: {  	v7 =	vld [tilespmem:s1+$0x4B90]  }
0x114: {  	v3 =	vadd.bf16 v9, v3;
	v4 =	vadd.bf16 v10, v4;
	v9 =	vld [tilespmem:s1+$0x4BA0]  }
0x115: {  	v10 =	vld [tilespmem:s1+$0x4BB0]  }
0x116: {  	v8 =	vadd.bf16 v8, v3;
	v11 =	vadd.bf16 v11, v4;
	v3 =	vld [tilespmem:s1+$0x4BC0]  }
0x117: {  	s7 =	sor.u32 $0x1, s31;
	v12 =	vbroadcast v5, $0xF;
	v4 =	vld [tilespmem:s1+$0x4BD0]  }
0x118: {  	v5 =	vld [tilespmem:s1+$0x4BE0];
	v8 =	vadd.bf16 v6, v8;
	v6 =	vmov s7;
	v11 =	vadd.bf16 v7, v11  }
0x119: {  	s0 =	simm.s32 $0x100;
	v7 =	vld [tilespmem:s1+$0x4BF0];
	vm0 =	veq.s32 v6, v1  }
0x11a: {  	s1 =	simm.s32 $0x800;
	v6 =	vld [tilespmem:s0+$0x4B00];
	v2 =	vsel vm0, v12, v2;
	v8 =	vadd.bf16 v9, v8;
	v9 =	vadd.bf16 v10, v11  }
.LBB2_7:
0x11b: {  	p1 =	sne.s32 s1, $0x6000;
	v10 =	vld [tilespmem:s0+$0x4B10]  }
0x11c: {  	v11 =	vld [tilespmem:s0+$0x4B20];
	v3 =	vadd.bf16 v3, v8;
	v4 =	vadd.bf16 v4, v9  }
0x11d: {  	v8 =	vld [tilespmem:s0+$0x4B30]  }
0x11e: {  	v9 =	vld [tilespmem:s0+$0x4B40];
	v3 =	vadd.bf16 v5, v3;
	v4 =	vadd.bf16 v7, v4  }
0x11f: {  	v5 =	vld [tilespmem:s0+$0x4B50]  }
0x120: {  	v3 =	vadd.bf16 v6, v3;
	v4 =	vadd.bf16 v10, v4;
	v6 =	vld [tilespmem:s0+$0x4B60]  }
0x121: {  	v7 =	vld [tilespmem:s0+$0x4B70]  }
0x122: {  	v3 =	vadd.bf16 v11, v3;
	v4 =	vadd.bf16 v8, v4;
	v8 =	vld [tilespmem:s0+$0x4B80]  }
0x123: {  	v10 =	vld [tilespmem:s0+$0x4B90]  }
0x124: {  	v3 =	vadd.bf16 v9, v3;
	v4 =	vadd.bf16 v5, v4;
	v9 =	vld [tilespmem:s0+$0x4BA0]  }
0x125: {  	v11 =	vld [tilespmem:s0+$0x4BB0]  }
.Ltmp6:
0x126: {  	v5 =	vadd.bf16 v6, v3;
	v6 =	vadd.bf16 v7, v4;
	v3 =	vld [tilespmem:s0+$0x4BC0];
	(pc) =	sbr.rel @p1 .LBB2_7-.Ltmp6, $4  }
0x127: {  	v4 =	vld [tilespmem:s0+$0x4BD0]  }
0x128: {  	v8 =	vadd.bf16 v8, v5;
	v10 =	vadd.bf16 v10, v6;
	v5 =	vld [tilespmem:s0+$0x4BE0]  }
0x129: {  	v7 =	vld [tilespmem:s0+$0x4BF0];
	s0 =	sshra.s32 s1, $0x2  }
0x12a: {  	s1 =	sadd.s32 $0x400, s1;
	v6 =	vld [tilespmem:s0+$0x4B00];
	v8 =	vadd.bf16 v9, v8;
	v9 =	vadd.bf16 v11, v10  }
0x12b: {  	v10 =	vld [tilespmem:s0+$0x4B10]  }
0x12c: {  	v11 =	vld [tilespmem:s0+$0x4B20];
	v3 =	vadd.bf16 v3, v8;
	v4 =	vadd.bf16 v4, v9  }
0x12d: {  	v8 =	vld [tilespmem:s0+$0x4B30]  }
0x12e: {  	v9 =	vld [tilespmem:s0+$0x4B40];
	v3 =	vadd.bf16 v5, v3;
	v4 =	vadd.bf16 v7, v4  }
0x12f: {  	v5 =	vld [tilespmem:s0+$0x4B50]  }
0x130: {  	v7 =	vld [tilespmem:s0+$0x4B70];
	v3 =	vadd.bf16 v6, v3;
	v4 =	vadd.bf16 v10, v4  }
0x131: {  	v6 =	vld [tilespmem:s0+$0x4B60]  }
0x132: {  	v10 =	vld [tilespmem:s0+$0x4B90];
	v3 =	vadd.bf16 v11, v3;
	v4 =	vadd.bf16 v8, v4  }
0x133: {  	v8 =	vld [tilespmem:s0+$0x4B80]  }
0x134: {  	v3 =	vadd.bf16 v9, v3;
	v4 =	vadd.bf16 v5, v4;
	v5 =	vld [tilespmem:s0+$0x4BA0]  }
0x135: {  	v9 =	vld [tilespmem:s0+$0x4BB0]  }
0x136: {  	v3 =	vadd.bf16 v6, v3;
	v4 =	vadd.bf16 v7, v4;
	v6 =	vld [tilespmem:s0+$0x4BC0]  }
0x137: {  	v7 =	vld [tilespmem:s0+$0x4BD0]  }
0x138: {  	v3 =	vadd.bf16 v8, v3;
	v4 =	vadd.bf16 v10, v4;
	v8 =	vld [tilespmem:s0+$0x4BE0]  }
0x139: {  	v10 =	vld [tilespmem:s0+$0x4BF0]  }
0x13a: {  	v3 =	vadd.bf16 v5, v3;
	v4 =	vadd.bf16 v9, v4;
	v5 =	vld [tilespmem:$0xE120]  }
0x13b: {  	v9 =	vld [tilespmem:$0xE130]  }
0x13c: {  	v3 =	vadd.bf16 v6, v3;
	v4 =	vadd.bf16 v7, v4  }
0x13d: {  	v6 =	vld [tilespmem:$0xE140]  }
0x13e: {  	v7 =	vld [tilespmem:$0xE150];
	v3 =	vadd.bf16 v8, v3;
	v4 =	vadd.bf16 v10, v4;
	_ =	sdelay $0x1  }
0x13f: {  	v3 =	vadd.bf16 v5, v3;
	v4 =	vadd.bf16 v9, v4;
	_ =	sdelay $0x1  }
0x140: {  	v3 =	vmax.bf16 v3, v0;
	v4 =	vmax.bf16 v4, v0  }
0x141: {  	v3 =	vmul.bf16 v6, v3;
	v4 =	vmul.bf16 v7, v4;
	_ =	sdelay $0x1  }
0x142: {  	v3 =	vadd.bf16 v4, v3;
	_ =	sdelay $0x1  }
0x143: {  	v4 =	vunpack.i.u.bf16.f32 v3;
	v3 =	vunpack.i.l.bf16.f32 v3  }
0x144: {  	v3 =	vadd.f32 v3, v4;
	_ =	sdelay $0x1  }
0x145: {  	(xrf2) =	vadd.scan.msk.f32 $0xffff, v3;
	_ =	sdelay $0x1  }
0x146: {  	s0 =	sadd.s32 @!p0 $0xA, s28  }
0x147: {  	s1 =	sand.u32 @!p0 $0xA, s0  }
0x148: {  	s0 =	sshll.u32 @!p0 s0, $0x1B;
	s1 =	smul.u32 @!p0 $0x320, s1  }
0x149: {  	s0 =	sshra.s32 @!p0 s0, $0x1F  }
0x14a: {  	s0 =	sand.u32 @!p0 $0xC80, s0;
	s1 =	sshrl.u32 @!p0 s1, $0x2  }
0x14b: {  	s7 =	simm.s32 @!p0 $0x4B00;
	s0 =	sadd.s32 @!p0 s1, s0;
	s1 =	simm.s32 @!p0 $0x68  }
0x14c: {  	[tilespmem:s7], [sflag:$0x3] =	stream.indirect.gather @!p0 [hbm4b:s6+s1], $0x20, s0, s1, $0xb8;
	[tilespmem:$0xE170] =	vst v63  }
0x14d: {  	s0 =	sadd.s32 @!p0 $0x68, s0;
	s1 =	simm.s32 @!p0 $0x60;
	s7 =	simm.s32 @!p0 $0x5800  }
0x14e: {  	[tilespmem:s7], [sflag:$0x3] =	stream.indirect.gather @!p0 [hbm4b:s6+s1], $0x20, s0, s1, $0xb8;
	v5, _, _ =	vpop (xrf2);
	[tilespmem:$0xE170] =	vst v63  }
0x14f: {  	_ =	swait.ge [sflag:s17], $0xD00  }
0x150: {  	[sflag:s17] =	ssyncset.done $0x0  }
0x151: {  	[sflag:s17] =	ssyncadd.s32 $0xFFFFF300  }
0x152: {  	_ =	swait.ge [sflag:s17], $0xC00  }
0x153: {  	[sflag:s17] =	ssyncset.done $0x0  }
0x154: {  	s1 =	simm.s32 $0x0;
	[sflag:s17] =	ssyncadd.s32 $0xFFFFF400  }
0x155: {  	v3 =	vld [tilespmem:s1+$0x6400]  }
0x156: {  	v4 =	vld [tilespmem:s1+$0x6410]  }
0x157: {  	v6 =	vld [tilespmem:s1+$0x6420]  }
0x158: {  	v7 =	vld [tilespmem:s1+$0x6430]  }
0x159: {  	v9 =	vld [tilespmem:s1+$0x6440]  }
0x15a: {  	v8 =	vimm.bf16 $0.0e+00;
	v10 =	vld [tilespmem:s1+$0x6450]  }
0x15b: {  	v11 =	vld [tilespmem:s1+$0x6470];
	v3 =	vadd.bf16 v3, v8;
	v4 =	vadd.bf16 v4, v8  }
0x15c: {  	v8 =	vld [tilespmem:s1+$0x6460]  }
0x15d: {  	v3 =	vadd.bf16 v6, v3;
	v4 =	vadd.bf16 v7, v4;
	v6 =	vld [tilespmem:s1+$0x6480]  }
0x15e: {  	v7 =	vld [tilespmem:s1+$0x6490]  }
0x15f: {  	v3 =	vadd.bf16 v9, v3;
	v4 =	vadd.bf16 v10, v4;
	v9 =	vld [tilespmem:s1+$0x64A0]  }
0x160: {  	v10 =	vld [tilespmem:s1+$0x64B0]  }
0x161: {  	v8 =	vadd.bf16 v8, v3;
	v11 =	vadd.bf16 v11, v4;
	v3 =	vld [tilespmem:s1+$0x64C0]  }
0x162: {  	s7 =	sor.u32 $0x2, s31;
	v12 =	vbroadcast v5, $0xF;
	v4 =	vld [tilespmem:s1+$0x64D0]  }
0x163: {  	v5 =	vld [tilespmem:s1+$0x64E0];
	v8 =	vadd.bf16 v6, v8;
	v6 =	vmov s7;
	v11 =	vadd.bf16 v7, v11  }
0x164: {  	s0 =	simm.s32 $0x100;
	v7 =	vld [tilespmem:s1+$0x64F0];
	vm0 =	veq.s32 v6, v1  }
0x165: {  	s1 =	simm.s32 $0x800;
	v6 =	vld [tilespmem:s0+$0x6400];
	v2 =	vsel vm0, v12, v2;
	v8 =	vadd.bf16 v9, v8;
	v9 =	vadd.bf16 v10, v11  }
.LBB2_9:
0x166: {  	p1 =	sne.s32 s1, $0x6000;
	v10 =	vld [tilespmem:s0+$0x6410]  }
0x167: {  	v11 =	vld [tilespmem:s0+$0x6420];
	v3 =	vadd.bf16 v3, v8;
	v4 =	vadd.bf16 v4, v9  }
0x168: {  	v8 =	vld [tilespmem:s0+$0x6430]  }
0x169: {  	v9 =	vld [tilespmem:s0+$0x6440];
	v3 =	vadd.bf16 v5, v3;
	v4 =	vadd.bf16 v7, v4  }
0x16a: {  	v5 =	vld [tilespmem:s0+$0x6450]  }
0x16b: {  	v3 =	vadd.bf16 v6, v3;
	v4 =	vadd.bf16 v10, v4;
	v6 =	vld [tilespmem:s0+$0x6460]  }
0x16c: {  	v7 =	vld [tilespmem:s0+$0x6470]  }
0x16d: {  	v3 =	vadd.bf16 v11, v3;
	v4 =	vadd.bf16 v8, v4;
	v8 =	vld [tilespmem:s0+$0x6480]  }
0x16e: {  	v10 =	vld [tilespmem:s0+$0x6490]  }
0x16f: {  	v3 =	vadd.bf16 v9, v3;
	v4 =	vadd.bf16 v5, v4;
	v9 =	vld [tilespmem:s0+$0x64A0]  }
0x170: {  	v11 =	vld [tilespmem:s0+$0x64B0]  }
.Ltmp7:
0x171: {  	v5 =	vadd.bf16 v6, v3;
	v6 =	vadd.bf16 v7, v4;
	v3 =	vld [tilespmem:s0+$0x64C0];
	(pc) =	sbr.rel @p1 .LBB2_9-.Ltmp7, $4  }
0x172: {  	v4 =	vld [tilespmem:s0+$0x64D0]  }
0x173: {  	v8 =	vadd.bf16 v8, v5;
	v10 =	vadd.bf16 v10, v6;
	v5 =	vld [tilespmem:s0+$0x64E0]  }
0x174: {  	v7 =	vld [tilespmem:s0+$0x64F0];
	s0 =	sshra.s32 s1, $0x2  }
0x175: {  	s1 =	sadd.s32 $0x400, s1;
	v6 =	vld [tilespmem:s0+$0x6400];
	v8 =	vadd.bf16 v9, v8;
	v9 =	vadd.bf16 v11, v10  }
0x176: {  	v10 =	vld [tilespmem:s0+$0x6410]  }
0x177: {  	v11 =	vld [tilespmem:s0+$0x6420];
	v3 =	vadd.bf16 v3, v8;
	v4 =	vadd.bf16 v4, v9  }
0x178: {  	v8 =	vld [tilespmem:s0+$0x6430]  }
0x179: {  	v9 =	vld [tilespmem:s0+$0x6440];
	v3 =	vadd.bf16 v5, v3;
	v4 =	vadd.bf16 v7, v4  }
0x17a: {  	v5 =	vld [tilespmem:s0+$0x6450]  }
0x17b: {  	v7 =	vld [tilespmem:s0+$0x6470];
	v3 =	vadd.bf16 v6, v3;
	v4 =	vadd.bf16 v10, v4  }
0x17c: {  	v6 =	vld [tilespmem:s0+$0x6460]  }
0x17d: {  	v10 =	vld [tilespmem:s0+$0x6490];
	v3 =	vadd.bf16 v11, v3;
	v4 =	vadd.bf16 v8, v4  }
0x17e: {  	v8 =	vld [tilespmem:s0+$0x6480]  }
0x17f: {  	v3 =	vadd.bf16 v9, v3;
	v4 =	vadd.bf16 v5, v4;
	v5 =	vld [tilespmem:s0+$0x64A0]  }
0x180: {  	v9 =	vld [tilespmem:s0+$0x64B0]  }
0x181: {  	v3 =	vadd.bf16 v6, v3;
	v4 =	vadd.bf16 v7, v4;
	v6 =	vld [tilespmem:s0+$0x64C0]  }
0x182: {  	v7 =	vld [tilespmem:s0+$0x64D0]  }
0x183: {  	v3 =	vadd.bf16 v8, v3;
	v4 =	vadd.bf16 v10, v4;
	v8 =	vld [tilespmem:s0+$0x64E0]  }
0x184: {  	v10 =	vld [tilespmem:s0+$0x64F0]  }
0x185: {  	v3 =	vadd.bf16 v5, v3;
	v4 =	vadd.bf16 v9, v4;
	v5 =	vld [tilespmem:$0xE120]  }
0x186: {  	v9 =	vld [tilespmem:$0xE130]  }
0x187: {  	v3 =	vadd.bf16 v6, v3;
	v4 =	vadd.bf16 v7, v4  }
0x188: {  	v6 =	vld [tilespmem:$0xE140]  }
0x189: {  	v7 =	vld [tilespmem:$0xE150];
	v3 =	vadd.bf16 v8, v3;
	v4 =	vadd.bf16 v10, v4;
	_ =	sdelay $0x1  }
0x18a: {  	v3 =	vadd.bf16 v5, v3;
	v4 =	vadd.bf16 v9, v4;
	_ =	sdelay $0x1  }
0x18b: {  	v3 =	vmax.bf16 v3, v0;
	v4 =	vmax.bf16 v4, v0  }
0x18c: {  	v3 =	vmul.bf16 v6, v3;
	v4 =	vmul.bf16 v7, v4;
	_ =	sdelay $0x1  }
0x18d: {  	v3 =	vadd.bf16 v4, v3;
	_ =	sdelay $0x1  }
0x18e: {  	v4 =	vunpack.i.u.bf16.f32 v3;
	v3 =	vunpack.i.l.bf16.f32 v3  }
0x18f: {  	v3 =	vadd.f32 v3, v4;
	_ =	sdelay $0x1  }
0x190: {  	(xrf2) =	vadd.scan.msk.f32 $0xffff, v3;
	_ =	sdelay $0x1  }
0x191: {  	s0 =	sadd.s32 @!p0 $0xB, s28  }
0x192: {  	s1 =	sand.u32 @!p0 $0xB, s0  }
0x193: {  	s0 =	sshll.u32 @!p0 s0, $0x1B;
	s1 =	smul.u32 @!p0 $0x320, s1  }
0x194: {  	s0 =	sshra.s32 @!p0 s0, $0x1F  }
0x195: {  	s0 =	sand.u32 @!p0 $0xC80, s0;
	s1 =	sshrl.u32 @!p0 s1, $0x2  }
0x196: {  	s7 =	simm.s32 @!p0 $0x6400;
	s0 =	sadd.s32 @!p0 s1, s0;
	s1 =	simm.s32 @!p0 $0x68  }
0x197: {  	[tilespmem:s7], [sflag:$0x4] =	stream.indirect.gather @!p0 [hbm4b:s6+s1], $0x20, s0, s1, $0xb8;
	[tilespmem:$0xE170] =	vst v63  }
0x198: {  	s0 =	sadd.s32 @!p0 $0x68, s0;
	s1 =	simm.s32 @!p0 $0x60;
	s7 =	simm.s32 @!p0 $0x7100  }
0x199: {  	[tilespmem:s7], [sflag:$0x4] =	stream.indirect.gather @!p0 [hbm4b:s6+s1], $0x20, s0, s1, $0xb8;
	v5, _, _ =	vpop (xrf2);
	[tilespmem:$0xE170] =	vst v63  }
0x19a: {  	_ =	swait.ge [sflag:s19], $0xD00  }
0x19b: {  	[sflag:s19] =	ssyncset.done $0x0  }
0x19c: {  	[sflag:s19] =	ssyncadd.s32 $0xFFFFF300  }
0x19d: {  	_ =	swait.ge [sflag:s19], $0xC00  }
0x19e: {  	[sflag:s19] =	ssyncset.done $0x0  }
0x19f: {  	s1 =	simm.s32 $0x0;
	[sflag:s19] =	ssyncadd.s32 $0xFFFFF400  }
0x1a0: {  	v3 =	vld [tilespmem:s1+$0x7D00]  }
0x1a1: {  	v4 =	vld [tilespmem:s1+$0x7D10]  }
0x1a2: {  	v6 =	vld [tilespmem:s1+$0x7D20]  }
0x1a3: {  	v7 =	vld [tilespmem:s1+$0x7D30]  }
0x1a4: {  	v9 =	vld [tilespmem:s1+$0x7D40]  }
0x1a5: {  	v8 =	vimm.bf16 $0.0e+00;
	v10 =	vld [tilespmem:s1+$0x7D50]  }
0x1a6: {  	v11 =	vld [tilespmem:s1+$0x7D70];
	v3 =	vadd.bf16 v3, v8;
	v4 =	vadd.bf16 v4, v8  }
0x1a7: {  	v8 =	vld [tilespmem:s1+$0x7D60]  }
0x1a8: {  	v3 =	vadd.bf16 v6, v3;
	v4 =	vadd.bf16 v7, v4;
	v6 =	vld [tilespmem:s1+$0x7D80]  }
0x1a9: {  	v7 =	vld [tilespmem:s1+$0x7D90]  }
0x1aa: {  	v3 =	vadd.bf16 v9, v3;
	v4 =	vadd.bf16 v10, v4;
	v9 =	vld [tilespmem:s1+$0x7DA0]  }
0x1ab: {  	v10 =	vld [tilespmem:s1+$0x7DB0]  }
0x1ac: {  	v8 =	vadd.bf16 v8, v3;
	v11 =	vadd.bf16 v11, v4;
	v3 =	vld [tilespmem:s1+$0x7DC0]  }
0x1ad: {  	s7 =	sor.u32 $0x3, s31;
	v12 =	vbroadcast v5, $0xF;
	v4 =	vld [tilespmem:s1+$0x7DD0]  }
0x1ae: {  	v5 =	vld [tilespmem:s1+$0x7DE0];
	v8 =	vadd.bf16 v6, v8;
	v6 =	vmov s7;
	v11 =	vadd.bf16 v7, v11  }
0x1af: {  	s0 =	simm.s32 $0x100;
	v7 =	vld [tilespmem:s1+$0x7DF0];
	vm0 =	veq.s32 v6, v1  }
0x1b0: {  	s1 =	simm.s32 $0x800;
	v6 =	vld [tilespmem:s0+$0x7D00];
	v2 =	vsel vm0, v12, v2;
	v8 =	vadd.bf16 v9, v8;
	v9 =	vadd.bf16 v10, v11  }
.LBB2_11:
0x1b1: {  	p1 =	sne.s32 s1, $0x6000;
	v10 =	vld [tilespmem:s0+$0x7D10]  }
0x1b2: {  	v11 =	vld [tilespmem:s0+$0x7D20];
	v3 =	vadd.bf16 v3, v8;
	v4 =	vadd.bf16 v4, v9  }
0x1b3: {  	v8 =	vld [tilespmem:s0+$0x7D30]  }
0x1b4: {  	v9 =	vld [tilespmem:s0+$0x7D40];
	v3 =	vadd.bf16 v5, v3;
	v4 =	vadd.bf16 v7, v4  }
0x1b5: {  	v5 =	vld [tilespmem:s0+$0x7D50]  }
0x1b6: {  	v3 =	vadd.bf16 v6, v3;
	v4 =	vadd.bf16 v10, v4;
	v6 =	vld [tilespmem:s0+$0x7D60]  }
0x1b7: {  	v7 =	vld [tilespmem:s0+$0x7D70]  }
0x1b8: {  	v3 =	vadd.bf16 v11, v3;
	v4 =	vadd.bf16 v8, v4;
	v8 =	vld [tilespmem:s0+$0x7D80]  }
0x1b9: {  	v10 =	vld [tilespmem:s0+$0x7D90]  }
0x1ba: {  	v3 =	vadd.bf16 v9, v3;
	v4 =	vadd.bf16 v5, v4;
	v9 =	vld [tilespmem:s0+$0x7DA0]  }
0x1bb: {  	v11 =	vld [tilespmem:s0+$0x7DB0]  }
.Ltmp8:
0x1bc: {  	v5 =	vadd.bf16 v6, v3;
	v6 =	vadd.bf16 v7, v4;
	v3 =	vld [tilespmem:s0+$0x7DC0];
	(pc) =	sbr.rel @p1 .LBB2_11-.Ltmp8, $4  }
0x1bd: {  	v4 =	vld [tilespmem:s0+$0x7DD0]  }
0x1be: {  	v8 =	vadd.bf16 v8, v5;
	v10 =	vadd.bf16 v10, v6;
	v5 =	vld [tilespmem:s0+$0x7DE0]  }
0x1bf: {  	v7 =	vld [tilespmem:s0+$0x7DF0];
	s0 =	sshra.s32 s1, $0x2  }
0x1c0: {  	s1 =	sadd.s32 $0x400, s1;
	v6 =	vld [tilespmem:s0+$0x7D00];
	v8 =	vadd.bf16 v9, v8;
	v9 =	vadd.bf16 v11, v10  }
0x1c1: {  	v10 =	vld [tilespmem:s0+$0x7D10]  }
0x1c2: {  	v11 =	vld [tilespmem:s0+$0x7D20];
	v3 =	vadd.bf16 v3, v8;
	v4 =	vadd.bf16 v4, v9  }
0x1c3: {  	v8 =	vld [tilespmem:s0+$0x7D30]  }
0x1c4: {  	v9 =	vld [tilespmem:s0+$0x7D40];
	v3 =	vadd.bf16 v5, v3;
	v4 =	vadd.bf16 v7, v4  }
0x1c5: {  	v5 =	vld [tilespmem:s0+$0x7D50]  }
0x1c6: {  	v7 =	vld [tilespmem:s0+$0x7D70];
	v3 =	vadd.bf16 v6, v3;
	v4 =	vadd.bf16 v10, v4  }
0x1c7: {  	v6 =	vld [tilespmem:s0+$0x7D60]  }
0x1c8: {  	v10 =	vld [tilespmem:s0+$0x7D90];
	v3 =	vadd.bf16 v11, v3;
	v4 =	vadd.bf16 v8, v4  }
0x1c9: {  	v8 =	vld [tilespmem:s0+$0x7D80]  }
0x1ca: {  	v3 =	vadd.bf16 v9, v3;
	v4 =	vadd.bf16 v5, v4;
	v5 =	vld [tilespmem:s0+$0x7DA0]  }
0x1cb: {  	v9 =	vld [tilespmem:s0+$0x7DB0]  }
0x1cc: {  	v3 =	vadd.bf16 v6, v3;
	v4 =	vadd.bf16 v7, v4;
	v6 =	vld [tilespmem:s0+$0x7DC0]  }
0x1cd: {  	v7 =	vld [tilespmem:s0+$0x7DD0]  }
0x1ce: {  	v3 =	vadd.bf16 v8, v3;
	v4 =	vadd.bf16 v10, v4;
	v8 =	vld [tilespmem:s0+$0x7DE0]  }
0x1cf: {  	v10 =	vld [tilespmem:s0+$0x7DF0]  }
0x1d0: {  	v3 =	vadd.bf16 v5, v3;
	v4 =	vadd.bf16 v9, v4;
	v5 =	vld [tilespmem:$0xE120]  }
0x1d1: {  	v9 =	vld [tilespmem:$0xE130]  }
0x1d2: {  	v3 =	vadd.bf16 v6, v3;
	v4 =	vadd.bf16 v7, v4  }
0x1d3: {  	v6 =	vld [tilespmem:$0xE140]  }
0x1d4: {  	v7 =	vld [tilespmem:$0xE150];
	v3 =	vadd.bf16 v8, v3;
	v4 =	vadd.bf16 v10, v4;
	_ =	sdelay $0x1  }
0x1d5: {  	v3 =	vadd.bf16 v5, v3;
	v4 =	vadd.bf16 v9, v4;
	_ =	sdelay $0x1  }
0x1d6: {  	v3 =	vmax.bf16 v3, v0;
	v4 =	vmax.bf16 v4, v0  }
0x1d7: {  	v3 =	vmul.bf16 v6, v3;
	v4 =	vmul.bf16 v7, v4;
	_ =	sdelay $0x1  }
0x1d8: {  	v3 =	vadd.bf16 v4, v3;
	_ =	sdelay $0x1  }
0x1d9: {  	v4 =	vunpack.i.u.bf16.f32 v3;
	v3 =	vunpack.i.l.bf16.f32 v3  }
0x1da: {  	v3 =	vadd.f32 v3, v4;
	_ =	sdelay $0x1  }
0x1db: {  	(xrf2) =	vadd.scan.msk.f32 $0xffff, v3;
	_ =	sdelay $0x1  }
0x1dc: {  	s0 =	sadd.s32 @!p0 $0xC, s28  }
0x1dd: {  	s1 =	sand.u32 @!p0 $0xC, s0  }
0x1de: {  	s0 =	sshll.u32 @!p0 s0, $0x1B;
	s1 =	smul.u32 @!p0 $0x320, s1  }
0x1df: {  	s0 =	sshra.s32 @!p0 s0, $0x1F  }
0x1e0: {  	s0 =	sand.u32 @!p0 $0xC80, s0;
	s1 =	sshrl.u32 @!p0 s1, $0x2  }
0x1e1: {  	s7 =	simm.s32 @!p0 $0x7D00;
	s0 =	sadd.s32 @!p0 s1, s0;
	s1 =	simm.s32 @!p0 $0x68  }
0x1e2: {  	[tilespmem:s7], [sflag:$0x5] =	stream.indirect.gather @!p0 [hbm4b:s6+s1], $0x20, s0, s1, $0xb8;
	[tilespmem:$0xE170] =	vst v63  }
0x1e3: {  	s0 =	sadd.s32 @!p0 $0x68, s0;
	s1 =	simm.s32 @!p0 $0x60;
	s7 =	simm.s32 @!p0 $0x8A00  }
0x1e4: {  	[tilespmem:s7], [sflag:$0x5] =	stream.indirect.gather @!p0 [hbm4b:s6+s1], $0x20, s0, s1, $0xb8;
	v5, _, _ =	vpop (xrf2);
	[tilespmem:$0xE170] =	vst v63  }
0x1e5: {  	_ =	swait.ge [sflag:s21], $0xD00  }
0x1e6: {  	[sflag:s21] =	ssyncset.done $0x0  }
0x1e7: {  	[sflag:s21] =	ssyncadd.s32 $0xFFFFF300  }
0x1e8: {  	_ =	swait.ge [sflag:s21], $0xC00  }
0x1e9: {  	[sflag:s21] =	ssyncset.done $0x0  }
0x1ea: {  	s1 =	simm.s32 $0x0;
	[sflag:s21] =	ssyncadd.s32 $0xFFFFF400  }
0x1eb: {  	v3 =	vld [tilespmem:s1+$0x9600]  }
0x1ec: {  	v4 =	vld [tilespmem:s1+$0x9610]  }
0x1ed: {  	v6 =	vld [tilespmem:s1+$0x9620]  }
0x1ee: {  	v7 =	vld [tilespmem:s1+$0x9630]  }
0x1ef: {  	v9 =	vld [tilespmem:s1+$0x9640]  }
0x1f0: {  	v8 =	vimm.bf16 $0.0e+00;
	v10 =	vld [tilespmem:s1+$0x9650]  }
0x1f1: {  	v11 =	vld [tilespmem:s1+$0x9670];
	v3 =	vadd.bf16 v3, v8;
	v4 =	vadd.bf16 v4, v8  }
0x1f2: {  	v8 =	vld [tilespmem:s1+$0x9660]  }
0x1f3: {  	v3 =	vadd.bf16 v6, v3;
	v4 =	vadd.bf16 v7, v4;
	v6 =	vld [tilespmem:s1+$0x9680]  }
0x1f4: {  	v7 =	vld [tilespmem:s1+$0x9690]  }
0x1f5: {  	v3 =	vadd.bf16 v9, v3;
	v4 =	vadd.bf16 v10, v4;
	v9 =	vld [tilespmem:s1+$0x96A0]  }
0x1f6: {  	v10 =	vld [tilespmem:s1+$0x96B0]  }
0x1f7: {  	v8 =	vadd.bf16 v8, v3;
	v11 =	vadd.bf16 v11, v4;
	v3 =	vld [tilespmem:s1+$0x96C0]  }
0x1f8: {  	s7 =	sor.u32 $0x4, s31;
	v12 =	vbroadcast v5, $0xF;
	v4 =	vld [tilespmem:s1+$0x96D0]  }
0x1f9: {  	v5 =	vld [tilespmem:s1+$0x96E0];
	v8 =	vadd.bf16 v6, v8;
	v6 =	vmov s7;
	v11 =	vadd.bf16 v7, v11  }
0x1fa: {  	s0 =	simm.s32 $0x100;
	v7 =	vld [tilespmem:s1+$0x96F0];
	vm0 =	veq.s32 v6, v1  }
0x1fb: {  	s1 =	simm.s32 $0x800;
	v6 =	vld [tilespmem:s0+$0x9600];
	v2 =	vsel vm0, v12, v2;
	v8 =	vadd.bf16 v9, v8;
	v9 =	vadd.bf16 v10, v11  }
.LBB2_13:
0x1fc: {  	p1 =	sne.s32 s1, $0x6000;
	v10 =	vld [tilespmem:s0+$0x9610]  }
0x1fd: {  	v11 =	vld [tilespmem:s0+$0x9620];
	v3 =	vadd.bf16 v3, v8;
	v4 =	vadd.bf16 v4, v9  }
0x1fe: {  	v8 =	vld [tilespmem:s0+$0x9630]  }
0x1ff: {  	v9 =	vld [tilespmem:s0+$0x9640];
	v3 =	vadd.bf16 v5, v3;
	v4 =	vadd.bf16 v7, v4  }
0x200: {  	v5 =	vld [tilespmem:s0+$0x9650]  }
0x201: {  	v3 =	vadd.bf16 v6, v3;
	v4 =	vadd.bf16 v10, v4;
	v6 =	vld [tilespmem:s0+$0x9660]  }
0x202: {  	v7 =	vld [tilespmem:s0+$0x9670]  }
0x203: {  	v3 =	vadd.bf16 v11, v3;
	v4 =	vadd.bf16 v8, v4;
	v8 =	vld [tilespmem:s0+$0x9680]  }
0x204: {  	v10 =	vld [tilespmem:s0+$0x9690]  }
0x205: {  	v3 =	vadd.bf16 v9, v3;
	v4 =	vadd.bf16 v5, v4;
	v9 =	vld [tilespmem:s0+$0x96A0]  }
0x206: {  	v11 =	vld [tilespmem:s0+$0x96B0]  }
.Ltmp9:
0x207: {  	v5 =	vadd.bf16 v6, v3;
	v6 =	vadd.bf16 v7, v4;
	v3 =	vld [tilespmem:s0+$0x96C0];
	(pc) =	sbr.rel @p1 .LBB2_13-.Ltmp9, $4  }
0x208: {  	v4 =	vld [tilespmem:s0+$0x96D0]  }
0x209: {  	v8 =	vadd.bf16 v8, v5;
	v10 =	vadd.bf16 v10, v6;
	v5 =	vld [tilespmem:s0+$0x96E0]  }
0x20a: {  	v7 =	vld [tilespmem:s0+$0x96F0];
	s0 =	sshra.s32 s1, $0x2  }
0x20b: {  	s1 =	sadd.s32 $0x400, s1;
	v6 =	vld [tilespmem:s0+$0x9600];
	v8 =	vadd.bf16 v9, v8;
	v9 =	vadd.bf16 v11, v10  }
0x20c: {  	v10 =	vld [tilespmem:s0+$0x9610]  }
0x20d: {  	v11 =	vld [tilespmem:s0+$0x9620];
	v3 =	vadd.bf16 v3, v8;
	v4 =	vadd.bf16 v4, v9  }
0x20e: {  	v8 =	vld [tilespmem:s0+$0x9630]  }
0x20f: {  	v9 =	vld [tilespmem:s0+$0x9640];
	v3 =	vadd.bf16 v5, v3;
	v4 =	vadd.bf16 v7, v4  }
0x210: {  	v5 =	vld [tilespmem:s0+$0x9650]  }
0x211: {  	v7 =	vld [tilespmem:s0+$0x9670];
	v3 =	vadd.bf16 v6, v3;
	v4 =	vadd.bf16 v10, v4  }
0x212: {  	v6 =	vld [tilespmem:s0+$0x9660]  }
0x213: {  	v10 =	vld [tilespmem:s0+$0x9690];
	v3 =	vadd.bf16 v11, v3;
	v4 =	vadd.bf16 v8, v4  }
0x214: {  	v8 =	vld [tilespmem:s0+$0x9680]  }
0x215: {  	v3 =	vadd.bf16 v9, v3;
	v4 =	vadd.bf16 v5, v4;
	v5 =	vld [tilespmem:s0+$0x96A0]  }
0x216: {  	v9 =	vld [tilespmem:s0+$0x96B0]  }
0x217: {  	v3 =	vadd.bf16 v6, v3;
	v4 =	vadd.bf16 v7, v4;
	v6 =	vld [tilespmem:s0+$0x96C0]  }
0x218: {  	v7 =	vld [tilespmem:s0+$0x96D0]  }
0x219: {  	v3 =	vadd.bf16 v8, v3;
	v4 =	vadd.bf16 v10, v4;
	v8 =	vld [tilespmem:s0+$0x96E0]  }
0x21a: {  	v10 =	vld [tilespmem:s0+$0x96F0]  }
0x21b: {  	v3 =	vadd.bf16 v5, v3;
	v4 =	vadd.bf16 v9, v4;
	v5 =	vld [tilespmem:$0xE120]  }
0x21c: {  	v9 =	vld [tilespmem:$0xE130]  }
0x21d: {  	v3 =	vadd.bf16 v6, v3;
	v4 =	vadd.bf16 v7, v4  }
0x21e: {  	v6 =	vld [tilespmem:$0xE140]  }
0x21f: {  	v7 =	vld [tilespmem:$0xE150];
	v3 =	vadd.bf16 v8, v3;
	v4 =	vadd.bf16 v10, v4;
	_ =	sdelay $0x1  }
0x220: {  	v3 =	vadd.bf16 v5, v3;
	v4 =	vadd.bf16 v9, v4;
	_ =	sdelay $0x1  }
0x221: {  	v3 =	vmax.bf16 v3, v0;
	v4 =	vmax.bf16 v4, v0  }
0x222: {  	v3 =	vmul.bf16 v6, v3;
	v4 =	vmul.bf16 v7, v4;
	_ =	sdelay $0x1  }
0x223: {  	v3 =	vadd.bf16 v4, v3;
	_ =	sdelay $0x1  }
0x224: {  	v4 =	vunpack.i.u.bf16.f32 v3;
	v3 =	vunpack.i.l.bf16.f32 v3  }
0x225: {  	v3 =	vadd.f32 v3, v4;
	_ =	sdelay $0x1  }
0x226: {  	(xrf2) =	vadd.scan.msk.f32 $0xffff, v3;
	_ =	sdelay $0x1  }
0x227: {  	s0 =	sadd.s32 @!p0 $0xD, s28  }
0x228: {  	s1 =	sand.u32 @!p0 $0xD, s0  }
0x229: {  	s0 =	sshll.u32 @!p0 s0, $0x1B;
	s1 =	smul.u32 @!p0 $0x320, s1  }
0x22a: {  	s0 =	sshra.s32 @!p0 s0, $0x1F  }
0x22b: {  	s0 =	sand.u32 @!p0 $0xC80, s0;
	s1 =	sshrl.u32 @!p0 s1, $0x2  }
0x22c: {  	s7 =	simm.s32 @!p0 $0x9600;
	s0 =	sadd.s32 @!p0 s1, s0;
	s1 =	simm.s32 @!p0 $0x68  }
0x22d: {  	[tilespmem:s7], [sflag:$0x6] =	stream.indirect.gather @!p0 [hbm4b:s6+s1], $0x20, s0, s1, $0xb8;
	[tilespmem:$0xE170] =	vst v63  }
0x22e: {  	s0 =	sadd.s32 @!p0 $0x68, s0;
	s1 =	simm.s32 @!p0 $0x60;
	s7 =	simm.s32 @!p0 $0xA300  }
0x22f: {  	[tilespmem:s7], [sflag:$0x6] =	stream.indirect.gather @!p0 [hbm4b:s6+s1], $0x20, s0, s1, $0xb8;
	v5, _, _ =	vpop (xrf2);
	[tilespmem:$0xE170] =	vst v63  }
0x230: {  	_ =	swait.ge [sflag:s22], $0xD00  }
0x231: {  	[sflag:s22] =	ssyncset.done $0x0  }
0x232: {  	[sflag:s22] =	ssyncadd.s32 $0xFFFFF300  }
0x233: {  	_ =	swait.ge [sflag:s22], $0xC00  }
0x234: {  	[sflag:s22] =	ssyncset.done $0x0  }
0x235: {  	s1 =	simm.s32 $0x0;
	[sflag:s22] =	ssyncadd.s32 $0xFFFFF400  }
0x236: {  	v3 =	vld [tilespmem:s1+$0xAF00]  }
0x237: {  	v4 =	vld [tilespmem:s1+$0xAF10]  }
0x238: {  	v6 =	vld [tilespmem:s1+$0xAF20]  }
0x239: {  	v7 =	vld [tilespmem:s1+$0xAF30]  }
0x23a: {  	v9 =	vld [tilespmem:s1+$0xAF40]  }
0x23b: {  	v8 =	vimm.bf16 $0.0e+00;
	v10 =	vld [tilespmem:s1+$0xAF50]  }
0x23c: {  	v11 =	vld [tilespmem:s1+$0xAF70];
	v3 =	vadd.bf16 v3, v8;
	v4 =	vadd.bf16 v4, v8  }
0x23d: {  	v8 =	vld [tilespmem:s1+$0xAF60]  }
0x23e: {  	v3 =	vadd.bf16 v6, v3;
	v4 =	vadd.bf16 v7, v4;
	v6 =	vld [tilespmem:s1+$0xAF80]  }
0x23f: {  	v7 =	vld [tilespmem:s1+$0xAF90]  }
0x240: {  	v3 =	vadd.bf16 v9, v3;
	v4 =	vadd.bf16 v10, v4;
	v9 =	vld [tilespmem:s1+$0xAFA0]  }
0x241: {  	v10 =	vld [tilespmem:s1+$0xAFB0]  }
0x242: {  	v8 =	vadd.bf16 v8, v3;
	v11 =	vadd.bf16 v11, v4;
	v3 =	vld [tilespmem:s1+$0xAFC0]  }
0x243: {  	s7 =	sor.u32 $0x5, s31;
	v12 =	vbroadcast v5, $0xF;
	v4 =	vld [tilespmem:s1+$0xAFD0]  }
0x244: {  	v5 =	vld [tilespmem:s1+$0xAFE0];
	v8 =	vadd.bf16 v6, v8;
	v6 =	vmov s7;
	v11 =	vadd.bf16 v7, v11  }
0x245: {  	s0 =	simm.s32 $0x100;
	v7 =	vld [tilespmem:s1+$0xAFF0];
	vm0 =	veq.s32 v6, v1  }
0x246: {  	s1 =	simm.s32 $0x800;
	v6 =	vld [tilespmem:s0+$0xAF00];
	v2 =	vsel vm0, v12, v2;
	v8 =	vadd.bf16 v9, v8;
	v9 =	vadd.bf16 v10, v11  }
.LBB2_15:
0x247: {  	p1 =	sne.s32 s1, $0x6000;
	v10 =	vld [tilespmem:s0+$0xAF10]  }
0x248: {  	v11 =	vld [tilespmem:s0+$0xAF20];
	v3 =	vadd.bf16 v3, v8;
	v4 =	vadd.bf16 v4, v9  }
0x249: {  	v8 =	vld [tilespmem:s0+$0xAF30]  }
0x24a: {  	v9 =	vld [tilespmem:s0+$0xAF40];
	v3 =	vadd.bf16 v5, v3;
	v4 =	vadd.bf16 v7, v4  }
0x24b: {  	v5 =	vld [tilespmem:s0+$0xAF50]  }
0x24c: {  	v3 =	vadd.bf16 v6, v3;
	v4 =	vadd.bf16 v10, v4;
	v6 =	vld [tilespmem:s0+$0xAF60]  }
0x24d: {  	v7 =	vld [tilespmem:s0+$0xAF70]  }
0x24e: {  	v3 =	vadd.bf16 v11, v3;
	v4 =	vadd.bf16 v8, v4;
	v8 =	vld [tilespmem:s0+$0xAF80]  }
0x24f: {  	v10 =	vld [tilespmem:s0+$0xAF90]  }
0x250: {  	v3 =	vadd.bf16 v9, v3;
	v4 =	vadd.bf16 v5, v4;
	v9 =	vld [tilespmem:s0+$0xAFA0]  }
0x251: {  	v11 =	vld [tilespmem:s0+$0xAFB0]  }
.Ltmp10:
0x252: {  	v5 =	vadd.bf16 v6, v3;
	v6 =	vadd.bf16 v7, v4;
	v3 =	vld [tilespmem:s0+$0xAFC0];
	(pc) =	sbr.rel @p1 .LBB2_15-.Ltmp10, $4  }
0x253: {  	v4 =	vld [tilespmem:s0+$0xAFD0]  }
0x254: {  	v8 =	vadd.bf16 v8, v5;
	v10 =	vadd.bf16 v10, v6;
	v5 =	vld [tilespmem:s0+$0xAFE0]  }
0x255: {  	v7 =	vld [tilespmem:s0+$0xAFF0];
	s0 =	sshra.s32 s1, $0x2  }
0x256: {  	s1 =	sadd.s32 $0x400, s1;
	v6 =	vld [tilespmem:s0+$0xAF00];
	v8 =	vadd.bf16 v9, v8;
	v9 =	vadd.bf16 v11, v10  }
0x257: {  	v10 =	vld [tilespmem:s0+$0xAF10]  }
0x258: {  	v11 =	vld [tilespmem:s0+$0xAF20];
	v3 =	vadd.bf16 v3, v8;
	v4 =	vadd.bf16 v4, v9  }
0x259: {  	v8 =	vld [tilespmem:s0+$0xAF30]  }
0x25a: {  	v9 =	vld [tilespmem:s0+$0xAF40];
	v3 =	vadd.bf16 v5, v3;
	v4 =	vadd.bf16 v7, v4  }
0x25b: {  	v5 =	vld [tilespmem:s0+$0xAF50]  }
0x25c: {  	v7 =	vld [tilespmem:s0+$0xAF70];
	v3 =	vadd.bf16 v6, v3;
	v4 =	vadd.bf16 v10, v4  }
0x25d: {  	v6 =	vld [tilespmem:s0+$0xAF60]  }
0x25e: {  	v10 =	vld [tilespmem:s0+$0xAF90];
	v3 =	vadd.bf16 v11, v3;
	v4 =	vadd.bf16 v8, v4  }
0x25f: {  	v8 =	vld [tilespmem:s0+$0xAF80]  }
0x260: {  	v3 =	vadd.bf16 v9, v3;
	v4 =	vadd.bf16 v5, v4;
	v5 =	vld [tilespmem:s0+$0xAFA0]  }
0x261: {  	v9 =	vld [tilespmem:s0+$0xAFB0]  }
0x262: {  	v3 =	vadd.bf16 v6, v3;
	v4 =	vadd.bf16 v7, v4;
	v6 =	vld [tilespmem:s0+$0xAFC0]  }
0x263: {  	v7 =	vld [tilespmem:s0+$0xAFD0]  }
0x264: {  	v3 =	vadd.bf16 v8, v3;
	v4 =	vadd.bf16 v10, v4;
	v8 =	vld [tilespmem:s0+$0xAFE0]  }
0x265: {  	v10 =	vld [tilespmem:s0+$0xAFF0]  }
0x266: {  	v3 =	vadd.bf16 v5, v3;
	v4 =	vadd.bf16 v9, v4;
	v5 =	vld [tilespmem:$0xE120]  }
0x267: {  	v9 =	vld [tilespmem:$0xE130]  }
0x268: {  	v3 =	vadd.bf16 v6, v3;
	v4 =	vadd.bf16 v7, v4  }
0x269: {  	v6 =	vld [tilespmem:$0xE140]  }
0x26a: {  	v7 =	vld [tilespmem:$0xE150];
	v3 =	vadd.bf16 v8, v3;
	v4 =	vadd.bf16 v10, v4;
	_ =	sdelay $0x1  }
0x26b: {  	v3 =	vadd.bf16 v5, v3;
	v4 =	vadd.bf16 v9, v4;
	_ =	sdelay $0x1  }
0x26c: {  	v3 =	vmax.bf16 v3, v0;
	v4 =	vmax.bf16 v4, v0  }
0x26d: {  	v3 =	vmul.bf16 v6, v3;
	v4 =	vmul.bf16 v7, v4;
	_ =	sdelay $0x1  }
0x26e: {  	v3 =	vadd.bf16 v4, v3;
	_ =	sdelay $0x1  }
0x26f: {  	v4 =	vunpack.i.u.bf16.f32 v3;
	v3 =	vunpack.i.l.bf16.f32 v3  }
0x270: {  	v3 =	vadd.f32 v3, v4;
	_ =	sdelay $0x1  }
0x271: {  	(xrf2) =	vadd.scan.msk.f32 $0xffff, v3;
	_ =	sdelay $0x1  }
0x272: {  	s0 =	sadd.s32 @!p0 $0xE, s28  }
0x273: {  	s1 =	sand.u32 @!p0 $0xE, s0  }
0x274: {  	s0 =	sshll.u32 @!p0 s0, $0x1B;
	s1 =	smul.u32 @!p0 $0x320, s1  }
0x275: {  	s0 =	sshra.s32 @!p0 s0, $0x1F  }
0x276: {  	s0 =	sand.u32 @!p0 $0xC80, s0;
	s1 =	sshrl.u32 @!p0 s1, $0x2  }
0x277: {  	s7 =	simm.s32 @!p0 $0xAF00;
	s0 =	sadd.s32 @!p0 s1, s0;
	s1 =	simm.s32 @!p0 $0x68  }
0x278: {  	[tilespmem:s7], [sflag:$0x7] =	stream.indirect.gather @!p0 [hbm4b:s6+s1], $0x20, s0, s1, $0xb8;
	[tilespmem:$0xE170] =	vst v63  }
0x279: {  	s0 =	sadd.s32 @!p0 $0x68, s0;
	s1 =	simm.s32 @!p0 $0x60;
	s7 =	simm.s32 @!p0 $0xBC00  }
0x27a: {  	[tilespmem:s7], [sflag:$0x7] =	stream.indirect.gather @!p0 [hbm4b:s6+s1], $0x20, s0, s1, $0xb8;
	v5, _, _ =	vpop (xrf2);
	[tilespmem:$0xE170] =	vst v63  }
0x27b: {  	_ =	swait.ge [sflag:s23], $0xD00  }
0x27c: {  	[sflag:s23] =	ssyncset.done $0x0  }
0x27d: {  	[sflag:s23] =	ssyncadd.s32 $0xFFFFF300  }
0x27e: {  	_ =	swait.ge [sflag:s23], $0xC00  }
0x27f: {  	[sflag:s23] =	ssyncset.done $0x0  }
0x280: {  	s1 =	simm.s32 $0x0;
	[sflag:s23] =	ssyncadd.s32 $0xFFFFF400  }
0x281: {  	v3 =	vld [tilespmem:s1+$0xC800]  }
0x282: {  	v4 =	vld [tilespmem:s1+$0xC810]  }
0x283: {  	v6 =	vld [tilespmem:s1+$0xC820]  }
0x284: {  	v7 =	vld [tilespmem:s1+$0xC830]  }
0x285: {  	v9 =	vld [tilespmem:s1+$0xC840]  }
0x286: {  	v8 =	vimm.bf16 $0.0e+00;
	v10 =	vld [tilespmem:s1+$0xC850]  }
0x287: {  	v11 =	vld [tilespmem:s1+$0xC870];
	v3 =	vadd.bf16 v3, v8;
	v4 =	vadd.bf16 v4, v8  }
0x288: {  	v8 =	vld [tilespmem:s1+$0xC860]  }
0x289: {  	v3 =	vadd.bf16 v6, v3;
	v4 =	vadd.bf16 v7, v4;
	v6 =	vld [tilespmem:s1+$0xC880]  }
0x28a: {  	v7 =	vld [tilespmem:s1+$0xC890]  }
0x28b: {  	v3 =	vadd.bf16 v9, v3;
	v4 =	vadd.bf16 v10, v4;
	v9 =	vld [tilespmem:s1+$0xC8A0]  }
0x28c: {  	v10 =	vld [tilespmem:s1+$0xC8B0]  }
0x28d: {  	v8 =	vadd.bf16 v8, v3;
	v11 =	vadd.bf16 v11, v4;
	v3 =	vld [tilespmem:s1+$0xC8C0]  }
0x28e: {  	s7 =	sor.u32 $0x6, s31;
	v12 =	vbroadcast v5, $0xF;
	v4 =	vld [tilespmem:s1+$0xC8D0]  }
0x28f: {  	v5 =	vld [tilespmem:s1+$0xC8E0];
	v8 =	vadd.bf16 v6, v8;
	v6 =	vmov s7;
	v11 =	vadd.bf16 v7, v11  }
0x290: {  	s0 =	simm.s32 $0x100;
	v7 =	vld [tilespmem:s1+$0xC8F0];
	vm0 =	veq.s32 v6, v1  }
0x291: {  	s1 =	simm.s32 $0x800;
	v6 =	vld [tilespmem:s0+$0xC800];
	v2 =	vsel vm0, v12, v2;
	v8 =	vadd.bf16 v9, v8;
	v9 =	vadd.bf16 v10, v11  }
.LBB2_17:
0x292: {  	p1 =	sne.s32 s1, $0x6000;
	v10 =	vld [tilespmem:s0+$0xC810]  }
0x293: {  	v11 =	vld [tilespmem:s0+$0xC820];
	v3 =	vadd.bf16 v3, v8;
	v4 =	vadd.bf16 v4, v9  }
0x294: {  	v8 =	vld [tilespmem:s0+$0xC830]  }
0x295: {  	v9 =	vld [tilespmem:s0+$0xC840];
	v3 =	vadd.bf16 v5, v3;
	v4 =	vadd.bf16 v7, v4  }
0x296: {  	v5 =	vld [tilespmem:s0+$0xC850]  }
0x297: {  	v3 =	vadd.bf16 v6, v3;
	v4 =	vadd.bf16 v10, v4;
	v6 =	vld [tilespmem:s0+$0xC860]  }
0x298: {  	v7 =	vld [tilespmem:s0+$0xC870]  }
0x299: {  	v3 =	vadd.bf16 v11, v3;
	v4 =	vadd.bf16 v8, v4;
	v8 =	vld [tilespmem:s0+$0xC880]  }
0x29a: {  	v10 =	vld [tilespmem:s0+$0xC890]  }
0x29b: {  	v3 =	vadd.bf16 v9, v3;
	v4 =	vadd.bf16 v5, v4;
	v9 =	vld [tilespmem:s0+$0xC8A0]  }
0x29c: {  	v11 =	vld [tilespmem:s0+$0xC8B0]  }
.Ltmp11:
0x29d: {  	v5 =	vadd.bf16 v6, v3;
	v6 =	vadd.bf16 v7, v4;
	v3 =	vld [tilespmem:s0+$0xC8C0];
	(pc) =	sbr.rel @p1 .LBB2_17-.Ltmp11, $4  }
0x29e: {  	v4 =	vld [tilespmem:s0+$0xC8D0]  }
0x29f: {  	v8 =	vadd.bf16 v8, v5;
	v10 =	vadd.bf16 v10, v6;
	v5 =	vld [tilespmem:s0+$0xC8E0]  }
0x2a0: {  	v7 =	vld [tilespmem:s0+$0xC8F0];
	s0 =	sshra.s32 s1, $0x2  }
0x2a1: {  	s1 =	sadd.s32 $0x400, s1;
	v6 =	vld [tilespmem:s0+$0xC800];
	v8 =	vadd.bf16 v9, v8;
	v9 =	vadd.bf16 v11, v10  }
0x2a2: {  	v10 =	vld [tilespmem:s0+$0xC810]  }
0x2a3: {  	v11 =	vld [tilespmem:s0+$0xC820];
	v3 =	vadd.bf16 v3, v8;
	v4 =	vadd.bf16 v4, v9  }
0x2a4: {  	v46 =	vld [tilespmem:s0+$0xC830]  }
0x2a5: {  	v47 =	vld [tilespmem:s0+$0xC840];
	v3 =	vadd.bf16 v5, v3;
	v4 =	vadd.bf16 v7, v4  }
0x2a6: {  	v48 =	vld [tilespmem:s0+$0xC850]  }
0x2a7: {  	v49 =	vld [tilespmem:s0+$0xC860];
	v3 =	vadd.bf16 v6, v3;
	v4 =	vadd.bf16 v10, v4  }
0x2a8: {  	v50 =	vld [tilespmem:s0+$0xC870]  }
0x2a9: {  	v51 =	vld [tilespmem:s0+$0xC880];
	v3 =	vadd.bf16 v11, v3;
	v4 =	vadd.bf16 v46, v4  }
0x2aa: {  	v52 =	vld [tilespmem:s0+$0xC890]  }
0x2ab: {  	v53 =	vld [tilespmem:s0+$0xC8A0];
	v3 =	vadd.bf16 v47, v3;
	v4 =	vadd.bf16 v48, v4  }
0x2ac: {  	v54 =	vld [tilespmem:s0+$0xC8B0]  }
0x2ad: {  	v55 =	vld [tilespmem:s0+$0xC8C0];
	v3 =	vadd.bf16 v49, v3;
	v4 =	vadd.bf16 v50, v4  }
0x2ae: {  	v56 =	vld [tilespmem:s0+$0xC8D0]  }
0x2af: {  	v57 =	vld [tilespmem:s0+$0xC8E0];
	v3 =	vadd.bf16 v51, v3;
	v4 =	vadd.bf16 v52, v4  }
0x2b0: {  	v58 =	vld [tilespmem:s0+$0xC8F0]  }
0x2b1: {  	v59 =	vld [tilespmem:$0xE120];
	v3 =	vadd.bf16 v53, v3;
	v4 =	vadd.bf16 v54, v4  }
0x2b2: {  	v60 =	vld [tilespmem:$0xE130]  }
0x2b3: {  	v3 =	vadd.bf16 v55, v3;
	v4 =	vadd.bf16 v56, v4  }
0x2b4: {  	v61 =	vld [tilespmem:$0xE140]  }
0x2b5: {  	v62 =	vld [tilespmem:$0xE150];
	v3 =	vadd.bf16 v57, v3;
	v4 =	vadd.bf16 v58, v4;
	_ =	sdelay $0x1  }
0x2b6: {  	v3 =	vadd.bf16 v59, v3;
	v4 =	vadd.bf16 v60, v4;
	_ =	sdelay $0x1  }
0x2b7: {  	v3 =	vmax.bf16 v3, v0;
	v4 =	vmax.bf16 v4, v0  }
0x2b8: {  	v3 =	vmul.bf16 v61, v3;
	v4 =	vmul.bf16 v62, v4;
	_ =	sdelay $0x1  }
0x2b9: {  	v3 =	vadd.bf16 v4, v3;
	_ =	sdelay $0x1  }
0x2ba: {  	s0 =	sadd.s32 @!p0 $0xF, s28;
	v4 =	vunpack.i.u.bf16.f32 v3;
	v3 =	vunpack.i.l.bf16.f32 v3  }
0x2bb: {  	s1 =	sand.u32 @!p0 $0xF, s0;
	v3 =	vadd.f32 v3, v4  }
0x2bc: {  	s0 =	sshll.u32 @!p0 s0, $0x1B;
	s1 =	smul.u32 @!p0 $0x320, s1  }
0x2bd: {  	s0 =	sshra.s32 @!p0 s0, $0x1F;
	(xrf2) =	vadd.scan.msk.f32 $0xffff, v3  }
0x2be: {  	s7 =	simm.s32 @!p0 $0xC800;
	s0 =	sand.u32 @!p0 $0xC80, s0;
	s1 =	sshrl.u32 @!p0 s1, $0x2  }
0x2bf: {  	p1 =	sgt.u32 @!p0 s26, $0x3C;
	s0 =	sadd.s32 @!p0 s1, s0;
	s1 =	simm.s32 @!p0 $0x68  }
0x2c0: {  	[tilespmem:s7], [sflag:$0x8] =	stream.indirect.gather @!p0 [hbm4b:s6+s1], $0x20, s0, s1, $0xb8;
	[tilespmem:$0xE170] =	vst v63  }
0x2c1: {  	s0 =	sadd.s32 @!p0 $0x68, s0;
	s1 =	simm.s32 @!p0 $0x60;
	s7 =	simm.s32 @!p0 $0xD500  }
0x2c2: {  	[tilespmem:s7], [sflag:$0x8] =	stream.indirect.gather @!p0 [hbm4b:s6+s1], $0x20, s0, s1, $0xb8;
	[tilespmem:$0xE170] =	vst v63  }
0x2c3: {  	p0 =	por p0, p1  }
0x2c4: {  	p1 =	sne.s32 @!p0 s30, $0x0  }
0x2c5: {  	p0 =	por p0, p1  }
.Ltmp12:
0x2c6: {  	_ = 	snop;
	(pc) =	sbr.rel @!p0 .LBB2_19-.Ltmp12, $4  }
0x2c7: {  	s31 =	sor.u32 $0x7, s31;
	v3, _, _ =	vpop (xrf2)  }
0x2c8: {  	v63 =	vmov s31;
	v3 =	vbroadcast v3, $0xF  }
0x2c9: {  	vm0 =	veq.s32 v63, v1  }
0x2ca: {  	v2 =	vsel vm0, v3, v2  }
0x2cb: {  	p0 =	sne.s32 s30, $0x0  }
.Ltmp13:
0x2cc: {  	_ = 	snop;
	(pc) =	sbr.rel @p0 .LBB2_22-.Ltmp13, $4  }
.Ltmp14:
0x2cd: {  	_ = 	snop;
	(pc) =	sbr.rel @!p0 .LBB2_21-.Ltmp14, $4  }
0x2ce: {  	_ = 	snop  }
0x2cf: {  	_ = 	snop  }
0x2d0: {  	_ = 	snop  }
0x2d1: {  	_ = 	snop  }
.LBB2_24:
0x2d2: {  	_ =	sfence.sel $0x180000  }
0x2d3: {  	[bflag:$0x0] =	sbarrier.arrive $0xFFFF  }
0x2d4: {  	_ =	strace $0x90000047  }
0x2d5: {  	s0 =	stileid.u32;
	[bflag:$0x2] =	sbarrier.arrive $0xFFFF  }
0x2d6: {  	p0 =	sne.s32 s0, $0x0;
	s0 =	rddreg [dreg:$0x2]  }
0x2d7: {  	s0 =	sadd.s32 @!p0 $0x100000, s0  }
0x2d8: {  	[sflag:s0] =	ssyncadd.tile.s32 @!p0 $0x1;
	_ =	shalt  }
.Lfunc_end2:
_tile_overlayer_lowered:
.L_overlay_start_2:
0x2d9: {  	(tag) =	ssettag $0x2  }
0x2da: {  	s0 =	rddreg [dreg:$0x0];
	s2 =	stileid.u32  }
0x2db: {  	s1 =	rddreg [dreg:$0x1];
	p0 =	sne.s32 s2, $0x0  }
0x2dc: {  	s3 =	rddreg [dreg:$0x2];
	[bflag:$0x3] =	sbarrier.arrive $0xFFFF;
	s2 =	simm.s32 @!p0 $0x1C0B  }
0x2dd: {  	[timem:s3], [sflag:s2] =	dma.local @!p0 [hbm:s0], s1  }
0x2de: {  	s0 =	simm.s32 @!p0 $0xB  }
0x2df: {  	_ =	swait.ge @!p0 [sflag:s0], s1  }
0x2e0: {  	s1 =	ssub.s32 @!p0 $0x0, s1;
	[sflag:s0] =	ssyncset.done @!p0 $0x0  }
0x2e1: {  	[sflag:s0] =	ssyncadd.s32 @!p0 s1  }
0x2e2: {  	[bflag:$0x3] =	sbarrier.arrive $0xFFFF  }
0x2e3: {  	_ =	shalt  }

</sc_bundles>
